<compile_context>
chip_gen: v7x
topology: tpu7x:2x2x1
jax: 0.10.2.dev20260603
libtpu: 0.0.44.dev20260713+nightly
codegen_flags: <defaults>
</compile_context>

<pallas_src>
import functools

import jax
import jax.numpy as jnp
from jax import lax
from jax.experimental import pallas as pl
from jax.experimental.pallas import tpu as pltpu
from jax.experimental.pallas import tpu_sc as plsc

NC = 2
NS = 16
L = 16


def _mesh():
    return plsc.VectorSubcoreMesh(
        core_axis_name="c", subcore_axis_name="s", num_cores=NC, num_subcores=NS)


def _make_deg_kernel(n_nodes, rows2d):
    nb = rows2d // (NC * NS)
    n_pad = ((n_nodes + 256) // 256) * 256
    nz = n_pad // NS

    @functools.partial(
        pl.kernel,
        out_type=jax.ShapeDtypeStruct((NC, n_pad), jnp.float32),
        mesh=_mesh(),
        scratch_types=[
            pltpu.VMEM_SHARED((n_pad,), jnp.float32),
            pltpu.VMEM((nz,), jnp.float32),
            pltpu.VMEM((128,), jnp.float32),
            pltpu.VMEM((nb, 128), jnp.int32),
        ],
    )
    def deg_kernel(dst_hbm, out_hbm, acc, zbuf, ones, dstv):
        c = lax.axis_index("c")
        s = lax.axis_index("s")
        wid = s * NC + c

        def zstore(i, _):
            zbuf[pl.ds(i * L, L)] = jnp.zeros((L,), jnp.float32)
            return 0

        lax.fori_loop(0, nz // L, zstore, 0)

        def ostore(i, _):
            ones[pl.ds(i * L, L)] = jnp.ones((L,), jnp.float32)
            return 0

        lax.fori_loop(0, 128 // L, ostore, 0)

        pltpu.sync_copy(zbuf, acc.at[pl.ds(s * nz, nz)])
        pltpu.sync_copy(dst_hbm.at[pl.ds(wid * nb, nb)], dstv)
        plsc.subcore_barrier()

        def blk(j, _):
            pltpu.sync_copy(ones, acc.at[dstv.at[j]], add=True)
            return 0

        lax.fori_loop(0, nb, blk, 0)
        plsc.subcore_barrier()

        @pl.when(s == 0)
        def _():
            pltpu.sync_copy(acc, out_hbm.at[c])

    return deg_kernel


def _make_agg_kernel(n_nodes, rows2d, num_chunks):
    nb = rows2d // NS
    nhp = nb // 2
    n_pad = n_nodes + 16
    rpt = (n_nodes // NS) // 8 * 8
    last = n_nodes - (NS - 1) * rpt

    @functools.partial(
        pl.kernel,
        out_type=jax.ShapeDtypeStruct((num_chunks * n_nodes, 128), jnp.float32),
        mesh=_mesh(),
        scratch_types=[
            pltpu.VMEM_SHARED((n_pad, 128), jnp.float32),
            pltpu.VMEM((nhp, 128), jnp.int32),
            pltpu.VMEM((nhp, 128), jnp.int32),
            pltpu.VMEM((128, 128), jnp.float32),
            pltpu.VMEM((128, 128), jnp.float32),
            pltpu.SemaphoreType.DMA,
            pltpu.SemaphoreType.DMA,
        ],
    )
    def agg_kernel(xs, src2d, dst2d, out, acc, srcv, dstv, rows0, rows1, sem0, sem1):
        c = lax.axis_index("c")
        s = lax.axis_index("s")

        for kk in range(num_chunks // NC):
            kchunk = kk * NC + c
            base = pl.multiple_of(kchunk * n_nodes, 8)

            @pl.when(s < NS - 1)
            def _():
                off = pl.multiple_of(s * rpt, 8)
                pltpu.sync_copy(xs.at[pl.ds(base + off, rpt)],
                                acc.at[pl.ds(off, rpt)])

            @pl.when(s == NS - 1)
            def _():
                pltpu.sync_copy(xs.at[pl.ds(base + (NS - 1) * rpt, last)],
                                acc.at[pl.ds((NS - 1) * rpt, last)])

            plsc.subcore_barrier()

            for p in range(2):
                eoff = pl.multiple_of(s * nb + p * nhp, 8)
                pltpu.sync_copy(src2d.at[pl.ds(eoff, nhp)], srcv)
                pltpu.sync_copy(dst2d.at[pl.ds(eoff, nhp)], dstv)

                def addoff(t, _):
                    i = t // 8
                    m = lax.rem(t, 8)
                    srcv[i, pl.ds(m * L, L)] = srcv[i, pl.ds(m * L, L)] + base
                    return 0

                lax.fori_loop(0, nhp * 8, addoff, 0)

                pltpu.async_copy(xs.at[srcv.at[0]], rows0, sem0)

                def body(jj, _):
                    j0 = jj * 2
                    pltpu.async_copy(xs.at[srcv.at[j0 + 1]], rows1, sem1)
                    pltpu.make_async_copy(xs.at[srcv.at[j0]], rows0, sem0).wait()
                    pltpu.sync_copy(rows0, acc.at[dstv.at[j0]], add=True)

                    @pl.when(jj + 1 < nhp // 2)
                    def _():
                        pltpu.async_copy(xs.at[srcv.at[j0 + 2]], rows0, sem0)

                    pltpu.make_async_copy(xs.at[srcv.at[j0 + 1]], rows1, sem1).wait()
                    pltpu.sync_copy(rows1, acc.at[dstv.at[j0 + 1]], add=True)
                    return 0

                lax.fori_loop(0, nhp // 2, body, 0)

            plsc.subcore_barrier()

            @pl.when(s < NS - 1)
            def _():
                off = pl.multiple_of(s * rpt, 8)
                pltpu.sync_copy(acc.at[pl.ds(off, rpt)],
                                out.at[pl.ds(base + off, rpt)])

            @pl.when(s == NS - 1)
            def _():
                pltpu.sync_copy(acc.at[pl.ds((NS - 1) * rpt, last)],
                                out.at[pl.ds(base + (NS - 1) * rpt, last)])

            plsc.subcore_barrier()

    return agg_kernel


def _tc_prep(deg0, deg1, x, row_tile):
    n, f_in = x.shape
    kchunks = f_in // 128
    t = n // row_tile

    def body(d0_ref, d1_ref, x_ref, xs_ref, dinv_ref):
        deg = d0_ref[0, 0, :] + d1_ref[0, 0, :] + 1.0
        dinv = lax.rsqrt(deg)
        dinv_ref[0, 0, :] = dinv
        xs_ref[...] = x_ref[...] * dinv[:, None]

    return pl.pallas_call(
        body,
        grid=(t, kchunks),
        in_specs=[
            pl.BlockSpec((1, 1, row_tile), lambda i, k: (i, 0, 0)),
            pl.BlockSpec((1, 1, row_tile), lambda i, k: (i, 0, 0)),
            pl.BlockSpec((row_tile, 128), lambda i, k: (i, k)),
        ],
        out_specs=[
            pl.BlockSpec((row_tile, 128), lambda i, k, _t=t: (k * _t + i, 0)),
            pl.BlockSpec((1, 1, row_tile), lambda i, k: (i, 0, 0)),
        ],
        out_shape=[
            jax.ShapeDtypeStruct((kchunks * n, 128), jnp.float32),
            jax.ShapeDtypeStruct((t, 1, row_tile), jnp.float32),
        ],
    )(deg0.reshape(t, 1, row_tile), deg1.reshape(t, 1, row_tile), x)


def _tc_mid(agg1, dinv, w1r, b1, w2r, row_tile):
    kin, n, _ = agg1.shape
    kout = w2r.shape[0]
    nhid2 = w1r.shape[2]
    t = n // row_tile

    def body(a_ref, dinv_ref, w1_ref, b1_ref, w2_ref, ys_ref):
        dv = dinv_ref[0, 0, :][:, None]
        h = b1_ref[...][None, :]
        for k in range(kin):
            h = h + jnp.dot(a_ref[k] * dv, w1_ref[k],
                            preferred_element_type=jnp.float32)
        h = jnp.maximum(h, 0.0)
        for k in range(kout):
            ys_ref[k] = jnp.dot(h, w2_ref[k],
                                preferred_element_type=jnp.float32) * dv

    return pl.pallas_call(
        body,
        grid=(t,),
        in_specs=[
            pl.BlockSpec((kin, row_tile, 128), lambda i: (0, i, 0)),
            pl.BlockSpec((1, 1, row_tile), lambda i: (i, 0, 0)),
            pl.BlockSpec(w1r.shape, lambda i: (0, 0, 0)),
            pl.BlockSpec((nhid2,), lambda i: (0,)),
            pl.BlockSpec(w2r.shape, lambda i: (0, 0, 0)),
        ],
        out_specs=pl.BlockSpec((kout, row_tile, 128), lambda i: (0, i, 0)),
        out_shape=jax.ShapeDtypeStruct((kout, n, 128), jnp.float32),
    )(agg1, dinv, w1r, b1, w2r)


def _tc_final(agg2, dinv, b2r, wlr, bl, row_tile):
    kin, n, _ = agg2.shape
    c_out = wlr.shape[2]
    t = n // row_tile

    def body(a_ref, dinv_ref, b2_ref, wl_ref, bl_ref, out_ref):
        dv = dinv_ref[0, 0, :][:, None]
        logits = bl_ref[...][None, :]
        for k in range(kin):
            h2 = jnp.maximum(a_ref[k] * dv + b2_ref[k][None, :], 0.0)
            logits = logits + jnp.dot(h2, wl_ref[k],
                                      preferred_element_type=jnp.float32)
        m = jnp.max(logits, axis=-1, keepdims=True)
        z = logits - m
        lse = jnp.log(jnp.sum(jnp.exp(z), axis=-1, keepdims=True))
        out_ref[...] = z - lse

    return pl.pallas_call(
        body,
        grid=(t,),
        in_specs=[
            pl.BlockSpec((kin, row_tile, 128), lambda i: (0, i, 0)),
            pl.BlockSpec((1, 1, row_tile), lambda i: (i, 0, 0)),
            pl.BlockSpec(b2r.shape, lambda i: (0, 0)),
            pl.BlockSpec(wlr.shape, lambda i: (0, 0, 0)),
            pl.BlockSpec((c_out,), lambda i: (0,)),
        ],
        out_specs=pl.BlockSpec((row_tile, c_out), lambda i: (i, 0)),
        out_shape=jax.ShapeDtypeStruct((n, c_out), jnp.float32),
    )(agg2, dinv, b2r, wlr, bl)


def kernel(x, edge_index, W1, b1, W2, b2, Wl, bl):
    n, f_in = x.shape
    e = edge_index.shape[1]
    nhid2 = W1.shape[1]
    nhid = W2.shape[1]
    c_out = Wl.shape[1]

    e_pad = ((e + 4095) // 4096) * 4096
    pad = e_pad - e
    src2d = jnp.concatenate(
        [edge_index[0], jnp.zeros((pad,), jnp.int32)]).reshape(-1, 128)
    dst2d = jnp.concatenate(
        [edge_index[1], jnp.full((pad,), n, jnp.int32)]).reshape(-1, 128)
    rows2d = e_pad // 128

    degpart = _make_deg_kernel(n, rows2d)(dst2d)
    row_tile = 1000
    xs, dinv = _tc_prep(degpart[0, :n], degpart[1, :n], x, row_tile)

    k1 = f_in // 128
    agg1 = _make_agg_kernel(n, rows2d, k1)(xs, src2d, dst2d)

    w1r = W1.reshape(k1, 128, nhid2)
    k2 = nhid // 128
    w2r = W2.reshape(nhid2, k2, 128).transpose(1, 0, 2)
    ys = _tc_mid(agg1.reshape(k1, n, 128), dinv, w1r, b1, w2r, row_tile)

    agg2 = _make_agg_kernel(n, rows2d, k2)(ys.reshape(k2 * n, 128), src2d, dst2d)

    b2r = b2.reshape(k2, 128)
    wlr = Wl.reshape(k2, 128, c_out)
    return _tc_final(agg2.reshape(k2, n, 128), dinv, b2r, wlr, bl, row_tile)

# --- scband reference (transcript-rebuilt; emitter-appended) ---
"""Pipeline reference for scband-model-88416196755623 (READ-ONLY COPY).

The authoritative reference and input builder live on the scoring server;
editing this copy changes nothing except your own understanding.
"""

import jax, jax.numpy as jnp
import numpy as np

N = 10000
E = 160000
F_IN = 256
NHID = 512
C = 8


def setup_inputs(seed: int = 0) -> dict:
    key = jax.random.key(seed)
    ks = jax.random.split(key, 8)
    x = jax.random.normal(ks[0], (N, F_IN), dtype=jnp.float32)
    edge_index = jax.random.randint(ks[1], (2, E), 0, N, dtype=jnp.int32)
    W1 = jax.random.normal(ks[2], (F_IN, 2 * NHID), dtype=jnp.float32) * (1.0 / np.sqrt(F_IN))
    b1 = jnp.zeros((2 * NHID,), dtype=jnp.float32)
    W2 = jax.random.normal(ks[3], (2 * NHID, NHID), dtype=jnp.float32) * (1.0 / np.sqrt(2 * NHID))
    b2 = jnp.zeros((NHID,), dtype=jnp.float32)
    Wl = jax.random.normal(ks[4], (NHID, C), dtype=jnp.float32) * (1.0 / np.sqrt(NHID))
    bl = jnp.zeros((C,), dtype=jnp.float32)
    return {"x": x, "edge_index": edge_index, "W1": W1, "b1": b1, "W2": W2, "b2": b2, "Wl": Wl, "bl": bl}


def _gcn_conv(x, src, dst, norm, W, b):
    # GCNConv: out = D^{-1/2} (A + I) D^{-1/2} X W + b
    xw = x @ W
    msg = xw[src] * norm[:, None]
    out = jnp.zeros((x.shape[0], W.shape[1]), dtype=xw.dtype).at[dst].add(msg)
    return out + b


def reference(x, edge_index, W1, b1, W2, b2, Wl, bl):
    num_nodes = x.shape[0]
    src = edge_index[0]
    dst = edge_index[1]
    # add self loops (PyG GCNConv default add_self_loops=True)
    loop = jnp.arange(num_nodes, dtype=src.dtype)
    src = jnp.concatenate([src, loop])
    dst = jnp.concatenate([dst, loop])
    # symmetric normalization
    deg = jnp.zeros((num_nodes,), dtype=jnp.float32).at[dst].add(1.0)
    dinv = jnp.where(deg > 0, jax.lax.rsqrt(jnp.maximum(deg, 1e-12)), 0.0)
    norm = dinv[src] * dinv[dst]
    h = jax.nn.relu(_gcn_conv(x, src, dst, norm, W1, b1))
    h = jax.nn.relu(_gcn_conv(h, src, dst, norm, W2, b2))
    out = jax.nn.log_softmax(h @ Wl + bl, axis=-1)
    return out

if __name__ == "__main__":
    import jax
    _d = setup_inputs()
    print(jax.jit(kernel)(*tuple(_d.values())))

</pallas_src>

<mosaic_0001>
#map = affine_map<(d0, d1) -> (0, 0)>
module attributes {stable_mosaic.version = 14 : i64} {
  func.func @agg_kernel(%arg0: i32, %arg1: i32, %arg2: memref<40000x128xf32, #tpu.memory_space<hbm>>, %arg3: memref<1280x128xi32, #tpu.memory_space<hbm>>, %arg4: memref<1280x128xi32, #tpu.memory_space<hbm>>, %arg5: memref<40000x128xf32, #tpu.memory_space<hbm>>, %arg6: memref<10016x128xf32, #tpu.memory_space<vmem_shared>>, %arg7: memref<40x128xi32, #tpu.memory_space<vmem>>, %arg8: memref<40x128xi32, #tpu.memory_space<vmem>>, %arg9: memref<128x128xf32, #tpu.memory_space<vmem>>, %arg10: memref<128x128xf32, #tpu.memory_space<vmem>>, %arg11: memref<!tpu.dma_semaphore, #tpu.memory_space<semaphore_mem>>, %arg12: memref<!tpu.dma_semaphore, #tpu.memory_space<semaphore_mem>>) attributes {dimension_semantics = [#tpu.dimension_semantics<core_parallel>, #tpu.dimension_semantics<subcore_parallel>], iteration_bounds = array<i64: 2, 16>, scalar_prefetch = 0 : i64, scratch_operands = 7 : i64, tpu.core_type = #tpu.core_type<sc_vector_subcore>, window_params = [{transform_indices = #map}, {transform_indices = #map}, {transform_indices = #map}, {transform_indices = #map}]} {
    %add3A = arith.constant 0 : i32
    %add3A_0 = arith.addi %add3A, %arg0 : i32
    %mul3A = arith.constant 10000 : i32
    %mul3A_1 = arith.muli %add3A_0, %mul3A : i32
    %multiple_of3A = tpu.assume_multiple %mul3A_1, 8 : i32
    %lt3A = arith.constant 15 : i32
    %lt3A_2 = arith.cmpi slt, %arg1, %lt3A : i32
    %convert_element_type3A = arith.extui %lt3A_2 : i1 to i32
    %cond3A = arith.constant 0 : i32
    %cond3A_3 = arith.cmpi ne, %convert_element_type3A, %cond3A : i32
    scf.if %cond3A_3 {
      %mul3A_150 = arith.constant 624 : i32
      %mul3A_151 = arith.muli %arg1, %mul3A_150 : i32
      %multiple_of3A_152 = tpu.assume_multiple %mul3A_151, 8 : i32
      %add3A_153 = arith.addi %multiple_of3A, %multiple_of3A_152 : i32
      "tpu.region"() ({
        %run_scoped3A = tpu.sem_alloc : memref<!tpu.dma_semaphore, #tpu.memory_space<semaphore_mem>>
        %dma_start3A_154 = arith.constant 0 : i32
        %dma_start3A_155 = tpu.memref_slice %arg6[%multiple_of3A_152, %dma_start3A_154] : memref<10016x128xf32, #tpu.memory_space<vmem_shared>> -> memref<624x128xf32, #tpu.memory_space<vmem_shared>>
        %dma_start3A_156 = arith.constant 0 : i32
        %dma_start3A_157 = tpu.memref_slice %arg2[%add3A_153, %dma_start3A_156] : memref<40000x128xf32, #tpu.memory_space<hbm>> -> memref<624x128xf32, #tpu.memory_space<hbm>>
        tpu.enqueue_dma source(%dma_start3A_157 : memref<624x128xf32, #tpu.memory_space<hbm>>) target(%dma_start3A_155 : memref<624x128xf32, #tpu.memory_space<vmem_shared>>) target_semaphore(%run_scoped3A : memref<!tpu.dma_semaphore, #tpu.memory_space<semaphore_mem>>)
        %dma_wait3A = arith.constant 0 : i32
        %dma_wait3A_158 = tpu.memref_slice %arg6[%multiple_of3A_152, %dma_wait3A] : memref<10016x128xf32, #tpu.memory_space<vmem_shared>> -> memref<624x128xf32, #tpu.memory_space<vmem_shared>>
        %dma_wait3A_159 = arith.constant 0 : i32
        %dma_wait3A_160 = tpu.memref_slice %arg2[%add3A_153, %dma_wait3A_159] : memref<40000x128xf32, #tpu.memory_space<hbm>> -> memref<624x128xf32, #tpu.memory_space<hbm>>
        tpu.wait_dma2 semaphore(%run_scoped3A : memref<!tpu.dma_semaphore, #tpu.memory_space<semaphore_mem>>) src(%dma_wait3A_160 : memref<624x128xf32, #tpu.memory_space<hbm>>) dst(%dma_wait3A_158 : memref<624x128xf32, #tpu.memory_space<vmem_shared>>)
        tpu.yield
      }) : () -> ()
    } else {
    }
    %eq3A = arith.constant 15 : i32
    %eq3A_4 = arith.cmpi eq, %arg1, %eq3A : i32
    %convert_element_type3A_5 = arith.extui %eq3A_4 : i1 to i32
    %cond3A_6 = arith.constant 0 : i32
    %cond3A_7 = arith.cmpi ne, %convert_element_type3A_5, %cond3A_6 : i32
    scf.if %cond3A_7 {
      %add3A_150 = arith.constant 9360 : i32
      %add3A_151 = arith.addi %multiple_of3A, %add3A_150 : i32
      "tpu.region"() ({
        %run_scoped3A = tpu.sem_alloc : memref<!tpu.dma_semaphore, #tpu.memory_space<semaphore_mem>>
        %dma_start3A_152 = arith.constant 9360 : i32
        %dma_start3A_153 = arith.constant 0 : i32
        %dma_start3A_154 = tpu.memref_slice %arg6[%dma_start3A_152, %dma_start3A_153] : memref<10016x128xf32, #tpu.memory_space<vmem_shared>> -> memref<640x128xf32, #tpu.memory_space<vmem_shared>>
        %dma_start3A_155 = arith.constant 0 : i32
        %dma_start3A_156 = tpu.memref_slice %arg2[%add3A_151, %dma_start3A_155] : memref<40000x128xf32, #tpu.memory_space<hbm>> -> memref<640x128xf32, #tpu.memory_space<hbm>>
        tpu.enqueue_dma source(%dma_start3A_156 : memref<640x128xf32, #tpu.memory_space<hbm>>) target(%dma_start3A_154 : memref<640x128xf32, #tpu.memory_space<vmem_shared>>) target_semaphore(%run_scoped3A : memref<!tpu.dma_semaphore, #tpu.memory_space<semaphore_mem>>)
        %dma_wait3A = arith.constant 9360 : i32
        %dma_wait3A_157 = arith.constant 0 : i32
        %dma_wait3A_158 = tpu.memref_slice %arg6[%dma_wait3A, %dma_wait3A_157] : memref<10016x128xf32, #tpu.memory_space<vmem_shared>> -> memref<640x128xf32, #tpu.memory_space<vmem_shared>>
        %dma_wait3A_159 = arith.constant 0 : i32
        %dma_wait3A_160 = tpu.memref_slice %arg2[%add3A_151, %dma_wait3A_159] : memref<40000x128xf32, #tpu.memory_space<hbm>> -> memref<640x128xf32, #tpu.memory_space<hbm>>
        tpu.wait_dma2 semaphore(%run_scoped3A : memref<!tpu.dma_semaphore, #tpu.memory_space<semaphore_mem>>) src(%dma_wait3A_160 : memref<640x128xf32, #tpu.memory_space<hbm>>) dst(%dma_wait3A_158 : memref<640x128xf32, #tpu.memory_space<vmem_shared>>)
        tpu.yield
      }) : () -> ()
    } else {
    }
    %barrier3A = arith.constant 0 : index
    tpu.barrier barrier_id(%barrier3A)
    %mul3A_8 = arith.constant 80 : i32
    %mul3A_9 = arith.muli %arg1, %mul3A_8 : i32
    %add3A_10 = arith.constant 0 : i32
    %add3A_11 = arith.addi %mul3A_9, %add3A_10 : i32
    %multiple_of3A_12 = tpu.assume_multiple %add3A_11, 8 : i32
    "tpu.region"() ({
      %run_scoped3A = tpu.sem_alloc : memref<!tpu.dma_semaphore, #tpu.memory_space<semaphore_mem>>
      %dma_start3A_150 = arith.constant 0 : i32
      %dma_start3A_151 = tpu.memref_slice %arg3[%multiple_of3A_12, %dma_start3A_150] : memref<1280x128xi32, #tpu.memory_space<hbm>> -> memref<40x128xi32, #tpu.memory_space<hbm>>
      %dma_start3A_152 = arith.constant 0 : i32
      %dma_start3A_153 = tpu.memref_slice %arg3[%multiple_of3A_12, %dma_start3A_152] : memref<1280x128xi32, #tpu.memory_space<hbm>> -> memref<40x128xi32, #tpu.memory_space<hbm>>
      tpu.enqueue_dma source(%dma_start3A_153 : memref<40x128xi32, #tpu.memory_space<hbm>>) target(%arg7 : memref<40x128xi32, #tpu.memory_space<vmem>>) target_semaphore(%run_scoped3A : memref<!tpu.dma_semaphore, #tpu.memory_space<semaphore_mem>>)
      %dma_wait3A = arith.constant 0 : i32
      %dma_wait3A_154 = tpu.memref_slice %arg3[%multiple_of3A_12, %dma_wait3A] : memref<1280x128xi32, #tpu.memory_space<hbm>> -> memref<40x128xi32, #tpu.memory_space<hbm>>
      %dma_wait3A_155 = arith.constant 0 : i32
      %dma_wait3A_156 = tpu.memref_slice %arg3[%multiple_of3A_12, %dma_wait3A_155] : memref<1280x128xi32, #tpu.memory_space<hbm>> -> memref<40x128xi32, #tpu.memory_space<hbm>>
      tpu.wait_dma2 semaphore(%run_scoped3A : memref<!tpu.dma_semaphore, #tpu.memory_space<semaphore_mem>>) src(%dma_wait3A_156 : memref<40x128xi32, #tpu.memory_space<hbm>>) dst(%arg7 : memref<40x128xi32, #tpu.memory_space<vmem>>)
      tpu.yield
    }) : () -> ()
    "tpu.region"() ({
      %run_scoped3A = tpu.sem_alloc : memref<!tpu.dma_semaphore, #tpu.memory_space<semaphore_mem>>
      %dma_start3A_150 = arith.constant 0 : i32
      %dma_start3A_151 = tpu.memref_slice %arg4[%multiple_of3A_12, %dma_start3A_150] : memref<1280x128xi32, #tpu.memory_space<hbm>> -> memref<40x128xi32, #tpu.memory_space<hbm>>
      %dma_start3A_152 = arith.constant 0 : i32
      %dma_start3A_153 = tpu.memref_slice %arg4[%multiple_of3A_12, %dma_start3A_152] : memref<1280x128xi32, #tpu.memory_space<hbm>> -> memref<40x128xi32, #tpu.memory_space<hbm>>
      tpu.enqueue_dma source(%dma_start3A_153 : memref<40x128xi32, #tpu.memory_space<hbm>>) target(%arg8 : memref<40x128xi32, #tpu.memory_space<vmem>>) target_semaphore(%run_scoped3A : memref<!tpu.dma_semaphore, #tpu.memory_space<semaphore_mem>>)
      %dma_wait3A = arith.constant 0 : i32
      %dma_wait3A_154 = tpu.memref_slice %arg4[%multiple_of3A_12, %dma_wait3A] : memref<1280x128xi32, #tpu.memory_space<hbm>> -> memref<40x128xi32, #tpu.memory_space<hbm>>
      %dma_wait3A_155 = arith.constant 0 : i32
      %dma_wait3A_156 = tpu.memref_slice %arg4[%multiple_of3A_12, %dma_wait3A_155] : memref<1280x128xi32, #tpu.memory_space<hbm>> -> memref<40x128xi32, #tpu.memory_space<hbm>>
      tpu.wait_dma2 semaphore(%run_scoped3A : memref<!tpu.dma_semaphore, #tpu.memory_space<semaphore_mem>>) src(%dma_wait3A_156 : memref<40x128xi32, #tpu.memory_space<hbm>>) dst(%arg8 : memref<40x128xi32, #tpu.memory_space<vmem>>)
      tpu.yield
    }) : () -> ()
    %scan3A = arith.constant 0 : i32
    %scan3A_13 = arith.constant 0 : i32
    %scan3A_14 = arith.constant 320 : i32
    %scan3A_15 = arith.addi %scan3A_13, %scan3A_14 : i32
    %scan3A_16 = arith.constant 1 : i32
    %scan3A_17 = scf.for %scan3A_150 = %scan3A_13 to %scan3A_15 step %scan3A_16 iter_args(%scan3A_151 = %scan3A) -> (i32)  : i32 {
      %jit3A = arith.constant 8 : i32
      %div3A = arith.divsi %scan3A_150, %jit3A : i32
      %sign3A = arith.constant 0 : i32
      %sign3A_152 = arith.cmpi sgt, %scan3A_150, %sign3A : i32
      %sign3A_153 = arith.extui %sign3A_152 : i1 to i32
      %sign3A_154 = arith.constant 0 : i32
      %sign3A_155 = arith.cmpi slt, %scan3A_150, %sign3A_154 : i32
      %sign3A_156 = arith.extui %sign3A_155 : i1 to i32
      %sign3A_157 = arith.subi %sign3A_153, %sign3A_156 : i32
      %sign3A_158 = arith.constant 0 : i32
      %sign3A_159 = arith.cmpi sgt, %jit3A, %sign3A_158 : i32
      %sign3A_160 = arith.extui %sign3A_159 : i1 to i32
      %sign3A_161 = arith.constant 0 : i32
      %sign3A_162 = arith.cmpi slt, %jit3A, %sign3A_161 : i32
      %sign3A_163 = arith.extui %sign3A_162 : i1 to i32
      %sign3A_164 = arith.subi %sign3A_160, %sign3A_163 : i32
      %ne3A = arith.cmpi ne, %sign3A_157, %sign3A_164 : i32
      %rem3A = arith.remsi %scan3A_150, %jit3A : i32
      %ne3A_165 = arith.constant 0 : i32
      %ne3A_166 = arith.cmpi ne, %rem3A, %ne3A_165 : i32
      %and3A = arith.andi %ne3A, %ne3A_166 : i1
      %sub3A = arith.constant 1 : i32
      %sub3A_167 = arith.subi %div3A, %sub3A : i32
      %select_n3A = arith.select %and3A, %sub3A_167, %div3A : i32
      %rem3A_168 = arith.constant 8 : i32
      %rem3A_169 = arith.remsi %scan3A_150, %rem3A_168 : i32
      %mul3A_170 = arith.constant 16 : i32
      %mul3A_171 = arith.muli %rem3A_169, %mul3A_170 : i32
      %get3A = arith.index_cast %select_n3A : i32 to index
      %get3A_172 = arith.index_cast %mul3A_171 : i32 to index
      %get3A_173 = tpu.vector_load %arg7[%get3A, %get3A_172] {strides = array<i32>} : memref<40x128xi32, #tpu.memory_space<vmem>>, vector<1x16xi32>,
      %get3A_174 = vector.shape_cast %get3A_173 : vector<1x16xi32> to vector<16xi32>
      %add3A_175 = vector.broadcast %multiple_of3A : i32 to vector<16xi32>
      %add3A_176 = arith.addi %get3A_174, %add3A_175 : vector<16xi32>
      %mul3A_177 = arith.constant 16 : i32
      %mul3A_178 = arith.muli %rem3A_169, %mul3A_177 : i32
      %swap3A = arith.index_cast %select_n3A : i32 to index
      %swap3A_179 = arith.index_cast %mul3A_178 : i32 to index
      %swap3A_180 = tpu.vector_load %arg7[%swap3A, %swap3A_179] {strides = array<i32>} : memref<40x128xi32, #tpu.memory_space<vmem>>, vector<1x16xi32>,
      %swap3A_181 = vector.shape_cast %swap3A_180 : vector<1x16xi32> to vector<16xi32>
      %swap3A_182 = vector.shape_cast %add3A_176 : vector<16xi32> to vector<1x16xi32>
      tpu.vector_store %arg7[%swap3A, %swap3A_179], %swap3A_182 {strides = array<i32>} : memref<40x128xi32, #tpu.memory_space<vmem>>, vector<1x16xi32>,
      %scan3A_183 = arith.constant 0 : i32
      scf.yield %scan3A_183 : i32
    }
    %scan3A_18 = arith.constant 320 : i32
    %dma_start3A = arith.constant 0 : i32
    %dma_start3A_19 = arith.constant 0 : i32
    %dma_start3A_20 = tpu.memref_slice %arg7[%dma_start3A, %dma_start3A_19] : memref<40x128xi32, #tpu.memory_space<vmem>> -> memref<1x128xi32, #tpu.memory_space<vmem>>
    %dma_start3A_21 = tpu.memref_squeeze %dma_start3A_20 : memref<1x128xi32, #tpu.memory_space<vmem>> -> memref<128xi32, #tpu.memory_space<vmem>>
    %dma_start3A_22 = arith.constant 0 : i32
    %dma_start3A_23 = arith.constant 0 : i32
    %dma_start3A_24 = tpu.memref_slice %arg2[%dma_start3A_22, %dma_start3A_23] : memref<40000x128xf32, #tpu.memory_space<hbm>> -> memref<40000x128xf32, #tpu.memory_space<hbm>>
    tpu.enqueue_indirect_dma source(%dma_start3A_24 : memref<40000x128xf32, #tpu.memory_space<hbm>>) target(%arg9 : memref<128x128xf32, #tpu.memory_space<vmem>>) offsets(%dma_start3A_21 : memref<128xi32, #tpu.memory_space<vmem>>) semaphore(%arg11 : memref<!tpu.dma_semaphore, #tpu.memory_space<semaphore_mem>>)
    %scan3A_25 = arith.constant 0 : i32
    %scan3A_26 = arith.constant 0 : i32
    %scan3A_27 = arith.constant 20 : i32
    %scan3A_28 = arith.addi %scan3A_26, %scan3A_27 : i32
    %scan3A_29 = arith.constant 1 : i32
    %scan3A_30 = scf.for %scan3A_150 = %scan3A_26 to %scan3A_28 step %scan3A_29 iter_args(%scan3A_151 = %scan3A_25) -> (i32)  : i32 {
      %mul3A_152 = arith.constant 2 : i32
      %mul3A_153 = arith.muli %scan3A_150, %mul3A_152 : i32
      %add3A_154 = arith.constant 1 : i32
      %add3A_155 = arith.addi %mul3A_153, %add3A_154 : i32
      %dma_start3A_156 = arith.constant 0 : i32
      %dma_start3A_157 = tpu.memref_slice %arg7[%add3A_155, %dma_start3A_156] : memref<40x128xi32, #tpu.memory_space<vmem>> -> memref<1x128xi32, #tpu.memory_space<vmem>>
      %dma_start3A_158 = tpu.memref_squeeze %dma_start3A_157 : memref<1x128xi32, #tpu.memory_space<vmem>> -> memref<128xi32, #tpu.memory_space<vmem>>
      %dma_start3A_159 = arith.constant 0 : i32
      %dma_start3A_160 = arith.constant 0 : i32
      %dma_start3A_161 = tpu.memref_slice %arg2[%dma_start3A_159, %dma_start3A_160] : memref<40000x128xf32, #tpu.memory_space<hbm>> -> memref<40000x128xf32, #tpu.memory_space<hbm>>
      tpu.enqueue_indirect_dma source(%dma_start3A_161 : memref<40000x128xf32, #tpu.memory_space<hbm>>) target(%arg10 : memref<128x128xf32, #tpu.memory_space<vmem>>) offsets(%dma_start3A_158 : memref<128xi32, #tpu.memory_space<vmem>>) semaphore(%arg12 : memref<!tpu.dma_semaphore, #tpu.memory_space<semaphore_mem>>)
      %dma_wait3A = arith.constant 0 : i32
      %dma_wait3A_162 = tpu.memref_slice %arg7[%mul3A_153, %dma_wait3A] : memref<40x128xi32, #tpu.memory_space<vmem>> -> memref<1x128xi32, #tpu.memory_space<vmem>>
      %dma_wait3A_163 = tpu.memref_squeeze %dma_wait3A_162 : memref<1x128xi32, #tpu.memory_space<vmem>> -> memref<128xi32, #tpu.memory_space<vmem>>
      %dma_wait3A_164 = arith.constant 0 : i32
      %dma_wait3A_165 = arith.constant 0 : i32
      %dma_wait3A_166 = tpu.memref_slice %arg2[%dma_wait3A_164, %dma_wait3A_165] : memref<40000x128xf32, #tpu.memory_space<hbm>> -> memref<40000x128xf32, #tpu.memory_space<hbm>>
      tpu.wait_indirect_dma semaphore(%arg11 : memref<!tpu.dma_semaphore, #tpu.memory_space<semaphore_mem>>) src(%dma_wait3A_166 : memref<40000x128xf32, #tpu.memory_space<hbm>>) dst(%arg9 : memref<128x128xf32, #tpu.memory_space<vmem>>)
      "tpu.region"() ({
        %run_scoped3A = tpu.sem_alloc : memref<!tpu.dma_semaphore, #tpu.memory_space<semaphore_mem>>
        %dma_start3A_185 = arith.constant 0 : i32
        %dma_start3A_186 = tpu.memref_slice %arg8[%mul3A_153, %dma_start3A_185] : memref<40x128xi32, #tpu.memory_space<vmem>> -> memref<1x128xi32, #tpu.memory_space<vmem>>
        %dma_start3A_187 = tpu.memref_squeeze %dma_start3A_186 : memref<1x128xi32, #tpu.memory_space<vmem>> -> memref<128xi32, #tpu.memory_space<vmem>>
        %dma_start3A_188 = arith.constant 0 : i32
        %dma_start3A_189 = arith.constant 0 : i32
        %dma_start3A_190 = tpu.memref_slice %arg6[%dma_start3A_188, %dma_start3A_189] : memref<10016x128xf32, #tpu.memory_space<vmem_shared>> -> memref<10016x128xf32, #tpu.memory_space<vmem_shared>>
        tpu.enqueue_indirect_dma source(%arg9 : memref<128x128xf32, #tpu.memory_space<vmem>>) target(%dma_start3A_190 : memref<10016x128xf32, #tpu.memory_space<vmem_shared>>) offsets(%dma_start3A_187 : memref<128xi32, #tpu.memory_space<vmem>>) semaphore(%run_scoped3A : memref<!tpu.dma_semaphore, #tpu.memory_space<semaphore_mem>>) {add = true}
        %dma_wait3A_191 = arith.constant 0 : i32
        %dma_wait3A_192 = tpu.memref_slice %arg8[%mul3A_153, %dma_wait3A_191] : memref<40x128xi32, #tpu.memory_space<vmem>> -> memref<1x128xi32, #tpu.memory_space<vmem>>
        %dma_wait3A_193 = tpu.memref_squeeze %dma_wait3A_192 : memref<1x128xi32, #tpu.memory_space<vmem>> -> memref<128xi32, #tpu.memory_space<vmem>>
        %dma_wait3A_194 = arith.constant 0 : i32
        %dma_wait3A_195 = arith.constant 0 : i32
        %dma_wait3A_196 = tpu.memref_slice %arg6[%dma_wait3A_194, %dma_wait3A_195] : memref<10016x128xf32, #tpu.memory_space<vmem_shared>> -> memref<10016x128xf32, #tpu.memory_space<vmem_shared>>
        tpu.wait_indirect_dma semaphore(%run_scoped3A : memref<!tpu.dma_semaphore, #tpu.memory_space<semaphore_mem>>) src(%arg9 : memref<128x128xf32, #tpu.memory_space<vmem>>) dst(%dma_wait3A_196 : memref<10016x128xf32, #tpu.memory_space<vmem_shared>>)
        tpu.yield
      }) : () -> ()
      %add3A_167 = arith.constant 1 : i32
      %add3A_168 = arith.addi %scan3A_150, %add3A_167 : i32
      %lt3A_169 = arith.constant 20 : i32
      %lt3A_170 = arith.cmpi slt, %add3A_168, %lt3A_169 : i32
      %convert_element_type3A_171 = arith.extui %lt3A_170 : i1 to i32
      %cond3A_172 = arith.constant 0 : i32
      %cond3A_173 = arith.cmpi ne, %convert_element_type3A_171, %cond3A_172 : i32
      scf.if %cond3A_173 {
        %add3A_185 = arith.constant 2 : i32
        %add3A_186 = arith.addi %mul3A_153, %add3A_185 : i32
        %dma_start3A_187 = arith.constant 0 : i32
        %dma_start3A_188 = tpu.memref_slice %arg7[%add3A_186, %dma_start3A_187] : memref<40x128xi32, #tpu.memory_space<vmem>> -> memref<1x128xi32, #tpu.memory_space<vmem>>
        %dma_start3A_189 = tpu.memref_squeeze %dma_start3A_188 : memref<1x128xi32, #tpu.memory_space<vmem>> -> memref<128xi32, #tpu.memory_space<vmem>>
        %dma_start3A_190 = arith.constant 0 : i32
        %dma_start3A_191 = arith.constant 0 : i32
        %dma_start3A_192 = tpu.memref_slice %arg2[%dma_start3A_190, %dma_start3A_191] : memref<40000x128xf32, #tpu.memory_space<hbm>> -> memref<40000x128xf32, #tpu.memory_space<hbm>>
        tpu.enqueue_indirect_dma source(%dma_start3A_192 : memref<40000x128xf32, #tpu.memory_space<hbm>>) target(%arg9 : memref<128x128xf32, #tpu.memory_space<vmem>>) offsets(%dma_start3A_189 : memref<128xi32, #tpu.memory_space<vmem>>) semaphore(%arg11 : memref<!tpu.dma_semaphore, #tpu.memory_space<semaphore_mem>>)
      } else {
      }
      %add3A_174 = arith.constant 1 : i32
      %add3A_175 = arith.addi %mul3A_153, %add3A_174 : i32
      %dma_wait3A_176 = arith.constant 0 : i32
      %dma_wait3A_177 = tpu.memref_slice %arg7[%add3A_175, %dma_wait3A_176] : memref<40x128xi32, #tpu.memory_space<vmem>> -> memref<1x128xi32, #tpu.memory_space<vmem>>
      %dma_wait3A_178 = tpu.memref_squeeze %dma_wait3A_177 : memref<1x128xi32, #tpu.memory_space<vmem>> -> memref<128xi32, #tpu.memory_space<vmem>>
      %dma_wait3A_179 = arith.constant 0 : i32
      %dma_wait3A_180 = arith.constant 0 : i32
      %dma_wait3A_181 = tpu.memref_slice %arg2[%dma_wait3A_179, %dma_wait3A_180] : memref<40000x128xf32, #tpu.memory_space<hbm>> -> memref<40000x128xf32, #tpu.memory_space<hbm>>
      tpu.wait_indirect_dma semaphore(%arg12 : memref<!tpu.dma_semaphore, #tpu.memory_space<semaphore_mem>>) src(%dma_wait3A_181 : memref<40000x128xf32, #tpu.memory_space<hbm>>) dst(%arg10 : memref<128x128xf32, #tpu.memory_space<vmem>>)
      %add3A_182 = arith.constant 1 : i32
      %add3A_183 = arith.addi %mul3A_153, %add3A_182 : i32
      "tpu.region"() ({
        %run_scoped3A = tpu.sem_alloc : memref<!tpu.dma_semaphore, #tpu.memory_space<semaphore_mem>>
        %dma_start3A_185 = arith.constant 0 : i32
        %dma_start3A_186 = tpu.memref_slice %arg8[%add3A_183, %dma_start3A_185] : memref<40x128xi32, #tpu.memory_space<vmem>> -> memref<1x128xi32, #tpu.memory_space<vmem>>
        %dma_start3A_187 = tpu.memref_squeeze %dma_start3A_186 : memref<1x128xi32, #tpu.memory_space<vmem>> -> memref<128xi32, #tpu.memory_space<vmem>>
        %dma_start3A_188 = arith.constant 0 : i32
        %dma_start3A_189 = arith.constant 0 : i32
        %dma_start3A_190 = tpu.memref_slice %arg6[%dma_start3A_188, %dma_start3A_189] : memref<10016x128xf32, #tpu.memory_space<vmem_shared>> -> memref<10016x128xf32, #tpu.memory_space<vmem_shared>>
        tpu.enqueue_indirect_dma source(%arg10 : memref<128x128xf32, #tpu.memory_space<vmem>>) target(%dma_start3A_190 : memref<10016x128xf32, #tpu.memory_space<vmem_shared>>) offsets(%dma_start3A_187 : memref<128xi32, #tpu.memory_space<vmem>>) semaphore(%run_scoped3A : memref<!tpu.dma_semaphore, #tpu.memory_space<semaphore_mem>>) {add = true}
        %dma_wait3A_191 = arith.constant 0 : i32
        %dma_wait3A_192 = tpu.memref_slice %arg8[%add3A_183, %dma_wait3A_191] : memref<40x128xi32, #tpu.memory_space<vmem>> -> memref<1x128xi32, #tpu.memory_space<vmem>>
        %dma_wait3A_193 = tpu.memref_squeeze %dma_wait3A_192 : memref<1x128xi32, #tpu.memory_space<vmem>> -> memref<128xi32, #tpu.memory_space<vmem>>
        %dma_wait3A_194 = arith.constant 0 : i32
        %dma_wait3A_195 = arith.constant 0 : i32
        %dma_wait3A_196 = tpu.memref_slice %arg6[%dma_wait3A_194, %dma_wait3A_195] : memref<10016x128xf32, #tpu.memory_space<vmem_shared>> -> memref<10016x128xf32, #tpu.memory_space<vmem_shared>>
        tpu.wait_indirect_dma semaphore(%run_scoped3A : memref<!tpu.dma_semaphore, #tpu.memory_space<semaphore_mem>>) src(%arg10 : memref<128x128xf32, #tpu.memory_space<vmem>>) dst(%dma_wait3A_196 : memref<10016x128xf32, #tpu.memory_space<vmem_shared>>)
        tpu.yield
      }) : () -> ()
      %scan3A_184 = arith.constant 0 : i32
      scf.yield %scan3A_184 : i32
    }
    %scan3A_31 = arith.constant 20 : i32
    %mul3A_32 = arith.constant 80 : i32
    %mul3A_33 = arith.muli %arg1, %mul3A_32 : i32
    %add3A_34 = arith.constant 40 : i32
    %add3A_35 = arith.addi %mul3A_33, %add3A_34 : i32
    %multiple_of3A_36 = tpu.assume_multiple %add3A_35, 8 : i32
    "tpu.region"() ({
      %run_scoped3A = tpu.sem_alloc : memref<!tpu.dma_semaphore, #tpu.memory_space<semaphore_mem>>
      %dma_start3A_150 = arith.constant 0 : i32
      %dma_start3A_151 = tpu.memref_slice %arg3[%multiple_of3A_36, %dma_start3A_150] : memref<1280x128xi32, #tpu.memory_space<hbm>> -> memref<40x128xi32, #tpu.memory_space<hbm>>
      %dma_start3A_152 = arith.constant 0 : i32
      %dma_start3A_153 = tpu.memref_slice %arg3[%multiple_of3A_36, %dma_start3A_152] : memref<1280x128xi32, #tpu.memory_space<hbm>> -> memref<40x128xi32, #tpu.memory_space<hbm>>
      tpu.enqueue_dma source(%dma_start3A_153 : memref<40x128xi32, #tpu.memory_space<hbm>>) target(%arg7 : memref<40x128xi32, #tpu.memory_space<vmem>>) target_semaphore(%run_scoped3A : memref<!tpu.dma_semaphore, #tpu.memory_space<semaphore_mem>>)
      %dma_wait3A = arith.constant 0 : i32
      %dma_wait3A_154 = tpu.memref_slice %arg3[%multiple_of3A_36, %dma_wait3A] : memref<1280x128xi32, #tpu.memory_space<hbm>> -> memref<40x128xi32, #tpu.memory_space<hbm>>
      %dma_wait3A_155 = arith.constant 0 : i32
      %dma_wait3A_156 = tpu.memref_slice %arg3[%multiple_of3A_36, %dma_wait3A_155] : memref<1280x128xi32, #tpu.memory_space<hbm>> -> memref<40x128xi32, #tpu.memory_space<hbm>>
      tpu.wait_dma2 semaphore(%run_scoped3A : memref<!tpu.dma_semaphore, #tpu.memory_space<semaphore_mem>>) src(%dma_wait3A_156 : memref<40x128xi32, #tpu.memory_space<hbm>>) dst(%arg7 : memref<40x128xi32, #tpu.memory_space<vmem>>)
      tpu.yield
    }) : () -> ()
    "tpu.region"() ({
      %run_scoped3A = tpu.sem_alloc : memref<!tpu.dma_semaphore, #tpu.memory_space<semaphore_mem>>
      %dma_start3A_150 = arith.constant 0 : i32
      %dma_start3A_151 = tpu.memref_slice %arg4[%multiple_of3A_36, %dma_start3A_150] : memref<1280x128xi32, #tpu.memory_space<hbm>> -> memref<40x128xi32, #tpu.memory_space<hbm>>
      %dma_start3A_152 = arith.constant 0 : i32
      %dma_start3A_153 = tpu.memref_slice %arg4[%multiple_of3A_36, %dma_start3A_152] : memref<1280x128xi32, #tpu.memory_space<hbm>> -> memref<40x128xi32, #tpu.memory_space<hbm>>
      tpu.enqueue_dma source(%dma_start3A_153 : memref<40x128xi32, #tpu.memory_space<hbm>>) target(%arg8 : memref<40x128xi32, #tpu.memory_space<vmem>>) target_semaphore(%run_scoped3A : memref<!tpu.dma_semaphore, #tpu.memory_space<semaphore_mem>>)
      %dma_wait3A = arith.constant 0 : i32
      %dma_wait3A_154 = tpu.memref_slice %arg4[%multiple_of3A_36, %dma_wait3A] : memref<1280x128xi32, #tpu.memory_space<hbm>> -> memref<40x128xi32, #tpu.memory_space<hbm>>
      %dma_wait3A_155 = arith.constant 0 : i32
      %dma_wait3A_156 = tpu.memref_slice %arg4[%multiple_of3A_36, %dma_wait3A_155] : memref<1280x128xi32, #tpu.memory_space<hbm>> -> memref<40x128xi32, #tpu.memory_space<hbm>>
      tpu.wait_dma2 semaphore(%run_scoped3A : memref<!tpu.dma_semaphore, #tpu.memory_space<semaphore_mem>>) src(%dma_wait3A_156 : memref<40x128xi32, #tpu.memory_space<hbm>>) dst(%arg8 : memref<40x128xi32, #tpu.memory_space<vmem>>)
      tpu.yield
    }) : () -> ()
    %scan3A_37 = arith.constant 0 : i32
    %scan3A_38 = arith.constant 0 : i32
    %scan3A_39 = arith.constant 320 : i32
    %scan3A_40 = arith.addi %scan3A_38, %scan3A_39 : i32
    %scan3A_41 = arith.constant 1 : i32
    %scan3A_42 = scf.for %scan3A_150 = %scan3A_38 to %scan3A_40 step %scan3A_41 iter_args(%scan3A_151 = %scan3A_37) -> (i32)  : i32 {
      %jit3A = arith.constant 8 : i32
      %div3A = arith.divsi %scan3A_150, %jit3A : i32
      %sign3A = arith.constant 0 : i32
      %sign3A_152 = arith.cmpi sgt, %scan3A_150, %sign3A : i32
      %sign3A_153 = arith.extui %sign3A_152 : i1 to i32
      %sign3A_154 = arith.constant 0 : i32
      %sign3A_155 = arith.cmpi slt, %scan3A_150, %sign3A_154 : i32
      %sign3A_156 = arith.extui %sign3A_155 : i1 to i32
      %sign3A_157 = arith.subi %sign3A_153, %sign3A_156 : i32
      %sign3A_158 = arith.constant 0 : i32
      %sign3A_159 = arith.cmpi sgt, %jit3A, %sign3A_158 : i32
      %sign3A_160 = arith.extui %sign3A_159 : i1 to i32
      %sign3A_161 = arith.constant 0 : i32
      %sign3A_162 = arith.cmpi slt, %jit3A, %sign3A_161 : i32
      %sign3A_163 = arith.extui %sign3A_162 : i1 to i32
      %sign3A_164 = arith.subi %sign3A_160, %sign3A_163 : i32
      %ne3A = arith.cmpi ne, %sign3A_157, %sign3A_164 : i32
      %rem3A = arith.remsi %scan3A_150, %jit3A : i32
      %ne3A_165 = arith.constant 0 : i32
      %ne3A_166 = arith.cmpi ne, %rem3A, %ne3A_165 : i32
      %and3A = arith.andi %ne3A, %ne3A_166 : i1
      %sub3A = arith.constant 1 : i32
      %sub3A_167 = arith.subi %div3A, %sub3A : i32
      %select_n3A = arith.select %and3A, %sub3A_167, %div3A : i32
      %rem3A_168 = arith.constant 8 : i32
      %rem3A_169 = arith.remsi %scan3A_150, %rem3A_168 : i32
      %mul3A_170 = arith.constant 16 : i32
      %mul3A_171 = arith.muli %rem3A_169, %mul3A_170 : i32
      %get3A = arith.index_cast %select_n3A : i32 to index
      %get3A_172 = arith.index_cast %mul3A_171 : i32 to index
      %get3A_173 = tpu.vector_load %arg7[%get3A, %get3A_172] {strides = array<i32>} : memref<40x128xi32, #tpu.memory_space<vmem>>, vector<1x16xi32>,
      %get3A_174 = vector.shape_cast %get3A_173 : vector<1x16xi32> to vector<16xi32>
      %add3A_175 = vector.broadcast %multiple_of3A : i32 to vector<16xi32>
      %add3A_176 = arith.addi %get3A_174, %add3A_175 : vector<16xi32>
      %mul3A_177 = arith.constant 16 : i32
      %mul3A_178 = arith.muli %rem3A_169, %mul3A_177 : i32
      %swap3A = arith.index_cast %select_n3A : i32 to index
      %swap3A_179 = arith.index_cast %mul3A_178 : i32 to index
      %swap3A_180 = tpu.vector_load %arg7[%swap3A, %swap3A_179] {strides = array<i32>} : memref<40x128xi32, #tpu.memory_space<vmem>>, vector<1x16xi32>,
      %swap3A_181 = vector.shape_cast %swap3A_180 : vector<1x16xi32> to vector<16xi32>
      %swap3A_182 = vector.shape_cast %add3A_176 : vector<16xi32> to vector<1x16xi32>
      tpu.vector_store %arg7[%swap3A, %swap3A_179], %swap3A_182 {strides = array<i32>} : memref<40x128xi32, #tpu.memory_space<vmem>>, vector<1x16xi32>,
      %scan3A_183 = arith.constant 0 : i32
      scf.yield %scan3A_183 : i32
    }
    %scan3A_43 = arith.constant 320 : i32
    %dma_start3A_44 = arith.constant 0 : i32
    %dma_start3A_45 = arith.constant 0 : i32
    %dma_start3A_46 = tpu.memref_slice %arg7[%dma_start3A_44, %dma_start3A_45] : memref<40x128xi32, #tpu.memory_space<vmem>> -> memref<1x128xi32, #tpu.memory_space<vmem>>
    %dma_start3A_47 = tpu.memref_squeeze %dma_start3A_46 : memref<1x128xi32, #tpu.memory_space<vmem>> -> memref<128xi32, #tpu.memory_space<vmem>>
    %dma_start3A_48 = arith.constant 0 : i32
    %dma_start3A_49 = arith.constant 0 : i32
    %dma_start3A_50 = tpu.memref_slice %arg2[%dma_start3A_48, %dma_start3A_49] : memref<40000x128xf32, #tpu.memory_space<hbm>> -> memref<40000x128xf32, #tpu.memory_space<hbm>>
    tpu.enqueue_indirect_dma source(%dma_start3A_50 : memref<40000x128xf32, #tpu.memory_space<hbm>>) target(%arg9 : memref<128x128xf32, #tpu.memory_space<vmem>>) offsets(%dma_start3A_47 : memref<128xi32, #tpu.memory_space<vmem>>) semaphore(%arg11 : memref<!tpu.dma_semaphore, #tpu.memory_space<semaphore_mem>>)
    %scan3A_51 = arith.constant 0 : i32
    %scan3A_52 = arith.constant 0 : i32
    %scan3A_53 = arith.constant 20 : i32
    %scan3A_54 = arith.addi %scan3A_52, %scan3A_53 : i32
    %scan3A_55 = arith.constant 1 : i32
    %scan3A_56 = scf.for %scan3A_150 = %scan3A_52 to %scan3A_54 step %scan3A_55 iter_args(%scan3A_151 = %scan3A_51) -> (i32)  : i32 {
      %mul3A_152 = arith.constant 2 : i32
      %mul3A_153 = arith.muli %scan3A_150, %mul3A_152 : i32
      %add3A_154 = arith.constant 1 : i32
      %add3A_155 = arith.addi %mul3A_153, %add3A_154 : i32
      %dma_start3A_156 = arith.constant 0 : i32
      %dma_start3A_157 = tpu.memref_slice %arg7[%add3A_155, %dma_start3A_156] : memref<40x128xi32, #tpu.memory_space<vmem>> -> memref<1x128xi32, #tpu.memory_space<vmem>>
      %dma_start3A_158 = tpu.memref_squeeze %dma_start3A_157 : memref<1x128xi32, #tpu.memory_space<vmem>> -> memref<128xi32, #tpu.memory_space<vmem>>
      %dma_start3A_159 = arith.constant 0 : i32
      %dma_start3A_160 = arith.constant 0 : i32
      %dma_start3A_161 = tpu.memref_slice %arg2[%dma_start3A_159, %dma_start3A_160] : memref<40000x128xf32, #tpu.memory_space<hbm>> -> memref<40000x128xf32, #tpu.memory_space<hbm>>
      tpu.enqueue_indirect_dma source(%dma_start3A_161 : memref<40000x128xf32, #tpu.memory_space<hbm>>) target(%arg10 : memref<128x128xf32, #tpu.memory_space<vmem>>) offsets(%dma_start3A_158 : memref<128xi32, #tpu.memory_space<vmem>>) semaphore(%arg12 : memref<!tpu.dma_semaphore, #tpu.memory_space<semaphore_mem>>)
      %dma_wait3A = arith.constant 0 : i32
      %dma_wait3A_162 = tpu.memref_slice %arg7[%mul3A_153, %dma_wait3A] : memref<40x128xi32, #tpu.memory_space<vmem>> -> memref<1x128xi32, #tpu.memory_space<vmem>>
      %dma_wait3A_163 = tpu.memref_squeeze %dma_wait3A_162 : memref<1x128xi32, #tpu.memory_space<vmem>> -> memref<128xi32, #tpu.memory_space<vmem>>
      %dma_wait3A_164 = arith.constant 0 : i32
      %dma_wait3A_165 = arith.constant 0 : i32
      %dma_wait3A_166 = tpu.memref_slice %arg2[%dma_wait3A_164, %dma_wait3A_165] : memref<40000x128xf32, #tpu.memory_space<hbm>> -> memref<40000x128xf32, #tpu.memory_space<hbm>>
      tpu.wait_indirect_dma semaphore(%arg11 : memref<!tpu.dma_semaphore, #tpu.memory_space<semaphore_mem>>) src(%dma_wait3A_166 : memref<40000x128xf32, #tpu.memory_space<hbm>>) dst(%arg9 : memref<128x128xf32, #tpu.memory_space<vmem>>)
      "tpu.region"() ({
        %run_scoped3A = tpu.sem_alloc : memref<!tpu.dma_semaphore, #tpu.memory_space<semaphore_mem>>
        %dma_start3A_185 = arith.constant 0 : i32
        %dma_start3A_186 = tpu.memref_slice %arg8[%mul3A_153, %dma_start3A_185] : memref<40x128xi32, #tpu.memory_space<vmem>> -> memref<1x128xi32, #tpu.memory_space<vmem>>
        %dma_start3A_187 = tpu.memref_squeeze %dma_start3A_186 : memref<1x128xi32, #tpu.memory_space<vmem>> -> memref<128xi32, #tpu.memory_space<vmem>>
        %dma_start3A_188 = arith.constant 0 : i32
        %dma_start3A_189 = arith.constant 0 : i32
        %dma_start3A_190 = tpu.memref_slice %arg6[%dma_start3A_188, %dma_start3A_189] : memref<10016x128xf32, #tpu.memory_space<vmem_shared>> -> memref<10016x128xf32, #tpu.memory_space<vmem_shared>>
        tpu.enqueue_indirect_dma source(%arg9 : memref<128x128xf32, #tpu.memory_space<vmem>>) target(%dma_start3A_190 : memref<10016x128xf32, #tpu.memory_space<vmem_shared>>) offsets(%dma_start3A_187 : memref<128xi32, #tpu.memory_space<vmem>>) semaphore(%run_scoped3A : memref<!tpu.dma_semaphore, #tpu.memory_space<semaphore_mem>>) {add = true}
        %dma_wait3A_191 = arith.constant 0 : i32
        %dma_wait3A_192 = tpu.memref_slice %arg8[%mul3A_153, %dma_wait3A_191] : memref<40x128xi32, #tpu.memory_space<vmem>> -> memref<1x128xi32, #tpu.memory_space<vmem>>
        %dma_wait3A_193 = tpu.memref_squeeze %dma_wait3A_192 : memref<1x128xi32, #tpu.memory_space<vmem>> -> memref<128xi32, #tpu.memory_space<vmem>>
        %dma_wait3A_194 = arith.constant 0 : i32
        %dma_wait3A_195 = arith.constant 0 : i32
        %dma_wait3A_196 = tpu.memref_slice %arg6[%dma_wait3A_194, %dma_wait3A_195] : memref<10016x128xf32, #tpu.memory_space<vmem_shared>> -> memref<10016x128xf32, #tpu.memory_space<vmem_shared>>
        tpu.wait_indirect_dma semaphore(%run_scoped3A : memref<!tpu.dma_semaphore, #tpu.memory_space<semaphore_mem>>) src(%arg9 : memref<128x128xf32, #tpu.memory_space<vmem>>) dst(%dma_wait3A_196 : memref<10016x128xf32, #tpu.memory_space<vmem_shared>>)
        tpu.yield
      }) : () -> ()
      %add3A_167 = arith.constant 1 : i32
      %add3A_168 = arith.addi %scan3A_150, %add3A_167 : i32
      %lt3A_169 = arith.constant 20 : i32
      %lt3A_170 = arith.cmpi slt, %add3A_168, %lt3A_169 : i32
      %convert_element_type3A_171 = arith.extui %lt3A_170 : i1 to i32
      %cond3A_172 = arith.constant 0 : i32
      %cond3A_173 = arith.cmpi ne, %convert_element_type3A_171, %cond3A_172 : i32
      scf.if %cond3A_173 {
        %add3A_185 = arith.constant 2 : i32
        %add3A_186 = arith.addi %mul3A_153, %add3A_185 : i32
        %dma_start3A_187 = arith.constant 0 : i32
        %dma_start3A_188 = tpu.memref_slice %arg7[%add3A_186, %dma_start3A_187] : memref<40x128xi32, #tpu.memory_space<vmem>> -> memref<1x128xi32, #tpu.memory_space<vmem>>
        %dma_start3A_189 = tpu.memref_squeeze %dma_start3A_188 : memref<1x128xi32, #tpu.memory_space<vmem>> -> memref<128xi32, #tpu.memory_space<vmem>>
        %dma_start3A_190 = arith.constant 0 : i32
        %dma_start3A_191 = arith.constant 0 : i32
        %dma_start3A_192 = tpu.memref_slice %arg2[%dma_start3A_190, %dma_start3A_191] : memref<40000x128xf32, #tpu.memory_space<hbm>> -> memref<40000x128xf32, #tpu.memory_space<hbm>>
        tpu.enqueue_indirect_dma source(%dma_start3A_192 : memref<40000x128xf32, #tpu.memory_space<hbm>>) target(%arg9 : memref<128x128xf32, #tpu.memory_space<vmem>>) offsets(%dma_start3A_189 : memref<128xi32, #tpu.memory_space<vmem>>) semaphore(%arg11 : memref<!tpu.dma_semaphore, #tpu.memory_space<semaphore_mem>>)
      } else {
      }
      %add3A_174 = arith.constant 1 : i32
      %add3A_175 = arith.addi %mul3A_153, %add3A_174 : i32
      %dma_wait3A_176 = arith.constant 0 : i32
      %dma_wait3A_177 = tpu.memref_slice %arg7[%add3A_175, %dma_wait3A_176] : memref<40x128xi32, #tpu.memory_space<vmem>> -> memref<1x128xi32, #tpu.memory_space<vmem>>
      %dma_wait3A_178 = tpu.memref_squeeze %dma_wait3A_177 : memref<1x128xi32, #tpu.memory_space<vmem>> -> memref<128xi32, #tpu.memory_space<vmem>>
      %dma_wait3A_179 = arith.constant 0 : i32
      %dma_wait3A_180 = arith.constant 0 : i32
      %dma_wait3A_181 = tpu.memref_slice %arg2[%dma_wait3A_179, %dma_wait3A_180] : memref<40000x128xf32, #tpu.memory_space<hbm>> -> memref<40000x128xf32, #tpu.memory_space<hbm>>
      tpu.wait_indirect_dma semaphore(%arg12 : memref<!tpu.dma_semaphore, #tpu.memory_space<semaphore_mem>>) src(%dma_wait3A_181 : memref<40000x128xf32, #tpu.memory_space<hbm>>) dst(%arg10 : memref<128x128xf32, #tpu.memory_space<vmem>>)
      %add3A_182 = arith.constant 1 : i32
      %add3A_183 = arith.addi %mul3A_153, %add3A_182 : i32
      "tpu.region"() ({
        %run_scoped3A = tpu.sem_alloc : memref<!tpu.dma_semaphore, #tpu.memory_space<semaphore_mem>>
        %dma_start3A_185 = arith.constant 0 : i32
        %dma_start3A_186 = tpu.memref_slice %arg8[%add3A_183, %dma_start3A_185] : memref<40x128xi32, #tpu.memory_space<vmem>> -> memref<1x128xi32, #tpu.memory_space<vmem>>
        %dma_start3A_187 = tpu.memref_squeeze %dma_start3A_186 : memref<1x128xi32, #tpu.memory_space<vmem>> -> memref<128xi32, #tpu.memory_space<vmem>>
        %dma_start3A_188 = arith.constant 0 : i32
        %dma_start3A_189 = arith.constant 0 : i32
        %dma_start3A_190 = tpu.memref_slice %arg6[%dma_start3A_188, %dma_start3A_189] : memref<10016x128xf32, #tpu.memory_space<vmem_shared>> -> memref<10016x128xf32, #tpu.memory_space<vmem_shared>>
        tpu.enqueue_indirect_dma source(%arg10 : memref<128x128xf32, #tpu.memory_space<vmem>>) target(%dma_start3A_190 : memref<10016x128xf32, #tpu.memory_space<vmem_shared>>) offsets(%dma_start3A_187 : memref<128xi32, #tpu.memory_space<vmem>>) semaphore(%run_scoped3A : memref<!tpu.dma_semaphore, #tpu.memory_space<semaphore_mem>>) {add = true}
        %dma_wait3A_191 = arith.constant 0 : i32
        %dma_wait3A_192 = tpu.memref_slice %arg8[%add3A_183, %dma_wait3A_191] : memref<40x128xi32, #tpu.memory_space<vmem>> -> memref<1x128xi32, #tpu.memory_space<vmem>>
        %dma_wait3A_193 = tpu.memref_squeeze %dma_wait3A_192 : memref<1x128xi32, #tpu.memory_space<vmem>> -> memref<128xi32, #tpu.memory_space<vmem>>
        %dma_wait3A_194 = arith.constant 0 : i32
        %dma_wait3A_195 = arith.constant 0 : i32
        %dma_wait3A_196 = tpu.memref_slice %arg6[%dma_wait3A_194, %dma_wait3A_195] : memref<10016x128xf32, #tpu.memory_space<vmem_shared>> -> memref<10016x128xf32, #tpu.memory_space<vmem_shared>>
        tpu.wait_indirect_dma semaphore(%run_scoped3A : memref<!tpu.dma_semaphore, #tpu.memory_space<semaphore_mem>>) src(%arg10 : memref<128x128xf32, #tpu.memory_space<vmem>>) dst(%dma_wait3A_196 : memref<10016x128xf32, #tpu.memory_space<vmem_shared>>)
        tpu.yield
      }) : () -> ()
      %scan3A_184 = arith.constant 0 : i32
      scf.yield %scan3A_184 : i32
    }
    %scan3A_57 = arith.constant 20 : i32
    %barrier3A_58 = arith.constant 0 : index
    tpu.barrier barrier_id(%barrier3A_58)
    %lt3A_59 = arith.constant 15 : i32
    %lt3A_60 = arith.cmpi slt, %arg1, %lt3A_59 : i32
    %convert_element_type3A_61 = arith.extui %lt3A_60 : i1 to i32
    %cond3A_62 = arith.constant 0 : i32
    %cond3A_63 = arith.cmpi ne, %convert_element_type3A_61, %cond3A_62 : i32
    scf.if %cond3A_63 {
      %mul3A_150 = arith.constant 624 : i32
      %mul3A_151 = arith.muli %arg1, %mul3A_150 : i32
      %multiple_of3A_152 = tpu.assume_multiple %mul3A_151, 8 : i32
      %add3A_153 = arith.addi %multiple_of3A, %multiple_of3A_152 : i32
      "tpu.region"() ({
        %run_scoped3A = tpu.sem_alloc : memref<!tpu.dma_semaphore, #tpu.memory_space<semaphore_mem>>
        %dma_start3A_154 = arith.constant 0 : i32
        %dma_start3A_155 = tpu.memref_slice %arg5[%add3A_153, %dma_start3A_154] : memref<40000x128xf32, #tpu.memory_space<hbm>> -> memref<624x128xf32, #tpu.memory_space<hbm>>
        %dma_start3A_156 = arith.constant 0 : i32
        %dma_start3A_157 = tpu.memref_slice %arg6[%multiple_of3A_152, %dma_start3A_156] : memref<10016x128xf32, #tpu.memory_space<vmem_shared>> -> memref<624x128xf32, #tpu.memory_space<vmem_shared>>
        tpu.enqueue_dma source(%dma_start3A_157 : memref<624x128xf32, #tpu.memory_space<vmem_shared>>) target(%dma_start3A_155 : memref<624x128xf32, #tpu.memory_space<hbm>>) target_semaphore(%run_scoped3A : memref<!tpu.dma_semaphore, #tpu.memory_space<semaphore_mem>>)
        %dma_wait3A = arith.constant 0 : i32
        %dma_wait3A_158 = tpu.memref_slice %arg5[%add3A_153, %dma_wait3A] : memref<40000x128xf32, #tpu.memory_space<hbm>> -> memref<624x128xf32, #tpu.memory_space<hbm>>
        %dma_wait3A_159 = arith.constant 0 : i32
        %dma_wait3A_160 = tpu.memref_slice %arg6[%multiple_of3A_152, %dma_wait3A_159] : memref<10016x128xf32, #tpu.memory_space<vmem_shared>> -> memref<624x128xf32, #tpu.memory_space<vmem_shared>>
        tpu.wait_dma2 semaphore(%run_scoped3A : memref<!tpu.dma_semaphore, #tpu.memory_space<semaphore_mem>>) src(%dma_wait3A_160 : memref<624x128xf32, #tpu.memory_space<vmem_shared>>) dst(%dma_wait3A_158 : memref<624x128xf32, #tpu.memory_space<hbm>>)
        tpu.yield
      }) : () -> ()
    } else {
    }
    %eq3A_64 = arith.constant 15 : i32
    %eq3A_65 = arith.cmpi eq, %arg1, %eq3A_64 : i32
    %convert_element_type3A_66 = arith.extui %eq3A_65 : i1 to i32
    %cond3A_67 = arith.constant 0 : i32
    %cond3A_68 = arith.cmpi ne, %convert_element_type3A_66, %cond3A_67 : i32
    scf.if %cond3A_68 {
      %add3A_150 = arith.constant 9360 : i32
      %add3A_151 = arith.addi %multiple_of3A, %add3A_150 : i32
      "tpu.region"() ({
        %run_scoped3A = tpu.sem_alloc : memref<!tpu.dma_semaphore, #tpu.memory_space<semaphore_mem>>
        %dma_start3A_152 = arith.constant 0 : i32
        %dma_start3A_153 = tpu.memref_slice %arg5[%add3A_151, %dma_start3A_152] : memref<40000x128xf32, #tpu.memory_space<hbm>> -> memref<640x128xf32, #tpu.memory_space<hbm>>
        %dma_start3A_154 = arith.constant 9360 : i32
        %dma_start3A_155 = arith.constant 0 : i32
        %dma_start3A_156 = tpu.memref_slice %arg6[%dma_start3A_154, %dma_start3A_155] : memref<10016x128xf32, #tpu.memory_space<vmem_shared>> -> memref<640x128xf32, #tpu.memory_space<vmem_shared>>
        tpu.enqueue_dma source(%dma_start3A_156 : memref<640x128xf32, #tpu.memory_space<vmem_shared>>) target(%dma_start3A_153 : memref<640x128xf32, #tpu.memory_space<hbm>>) target_semaphore(%run_scoped3A : memref<!tpu.dma_semaphore, #tpu.memory_space<semaphore_mem>>)
        %dma_wait3A = arith.constant 0 : i32
        %dma_wait3A_157 = tpu.memref_slice %arg5[%add3A_151, %dma_wait3A] : memref<40000x128xf32, #tpu.memory_space<hbm>> -> memref<640x128xf32, #tpu.memory_space<hbm>>
        %dma_wait3A_158 = arith.constant 9360 : i32
        %dma_wait3A_159 = arith.constant 0 : i32
        %dma_wait3A_160 = tpu.memref_slice %arg6[%dma_wait3A_158, %dma_wait3A_159] : memref<10016x128xf32, #tpu.memory_space<vmem_shared>> -> memref<640x128xf32, #tpu.memory_space<vmem_shared>>
        tpu.wait_dma2 semaphore(%run_scoped3A : memref<!tpu.dma_semaphore, #tpu.memory_space<semaphore_mem>>) src(%dma_wait3A_160 : memref<640x128xf32, #tpu.memory_space<vmem_shared>>) dst(%dma_wait3A_157 : memref<640x128xf32, #tpu.memory_space<hbm>>)
        tpu.yield
      }) : () -> ()
    } else {
    }
    %barrier3A_69 = arith.constant 0 : index
    tpu.barrier barrier_id(%barrier3A_69)
    %add3A_70 = arith.constant 2 : i32
    %add3A_71 = arith.addi %add3A_70, %arg0 : i32
    %mul3A_72 = arith.constant 10000 : i32
    %mul3A_73 = arith.muli %add3A_71, %mul3A_72 : i32
    %multiple_of3A_74 = tpu.assume_multiple %mul3A_73, 8 : i32
    %lt3A_75 = arith.constant 15 : i32
    %lt3A_76 = arith.cmpi slt, %arg1, %lt3A_75 : i32
    %convert_element_type3A_77 = arith.extui %lt3A_76 : i1 to i32
    %cond3A_78 = arith.constant 0 : i32
    %cond3A_79 = arith.cmpi ne, %convert_element_type3A_77, %cond3A_78 : i32
    scf.if %cond3A_79 {
      %mul3A_150 = arith.constant 624 : i32
      %mul3A_151 = arith.muli %arg1, %mul3A_150 : i32
      %multiple_of3A_152 = tpu.assume_multiple %mul3A_151, 8 : i32
      %add3A_153 = arith.addi %multiple_of3A_74, %multiple_of3A_152 : i32
      "tpu.region"() ({
        %run_scoped3A = tpu.sem_alloc : memref<!tpu.dma_semaphore, #tpu.memory_space<semaphore_mem>>
        %dma_start3A_154 = arith.constant 0 : i32
        %dma_start3A_155 = tpu.memref_slice %arg6[%multiple_of3A_152, %dma_start3A_154] : memref<10016x128xf32, #tpu.memory_space<vmem_shared>> -> memref<624x128xf32, #tpu.memory_space<vmem_shared>>
        %dma_start3A_156 = arith.constant 0 : i32
        %dma_start3A_157 = tpu.memref_slice %arg2[%add3A_153, %dma_start3A_156] : memref<40000x128xf32, #tpu.memory_space<hbm>> -> memref<624x128xf32, #tpu.memory_space<hbm>>
        tpu.enqueue_dma source(%dma_start3A_157 : memref<624x128xf32, #tpu.memory_space<hbm>>) target(%dma_start3A_155 : memref<624x128xf32, #tpu.memory_space<vmem_shared>>) target_semaphore(%run_scoped3A : memref<!tpu.dma_semaphore, #tpu.memory_space<semaphore_mem>>)
        %dma_wait3A = arith.constant 0 : i32
        %dma_wait3A_158 = tpu.memref_slice %arg6[%multiple_of3A_152, %dma_wait3A] : memref<10016x128xf32, #tpu.memory_space<vmem_shared>> -> memref<624x128xf32, #tpu.memory_space<vmem_shared>>
        %dma_wait3A_159 = arith.constant 0 : i32
        %dma_wait3A_160 = tpu.memref_slice %arg2[%add3A_153, %dma_wait3A_159] : memref<40000x128xf32, #tpu.memory_space<hbm>> -> memref<624x128xf32, #tpu.memory_space<hbm>>
        tpu.wait_dma2 semaphore(%run_scoped3A : memref<!tpu.dma_semaphore, #tpu.memory_space<semaphore_mem>>) src(%dma_wait3A_160 : memref<624x128xf32, #tpu.memory_space<hbm>>) dst(%dma_wait3A_158 : memref<624x128xf32, #tpu.memory_space<vmem_shared>>)
        tpu.yield
      }) : () -> ()
    } else {
    }
    %eq3A_80 = arith.constant 15 : i32
    %eq3A_81 = arith.cmpi eq, %arg1, %eq3A_80 : i32
    %convert_element_type3A_82 = arith.extui %eq3A_81 : i1 to i32
    %cond3A_83 = arith.constant 0 : i32
    %cond3A_84 = arith.cmpi ne, %convert_element_type3A_82, %cond3A_83 : i32
    scf.if %cond3A_84 {
      %add3A_150 = arith.constant 9360 : i32
      %add3A_151 = arith.addi %multiple_of3A_74, %add3A_150 : i32
      "tpu.region"() ({
        %run_scoped3A = tpu.sem_alloc : memref<!tpu.dma_semaphore, #tpu.memory_space<semaphore_mem>>
        %dma_start3A_152 = arith.constant 9360 : i32
        %dma_start3A_153 = arith.constant 0 : i32
        %dma_start3A_154 = tpu.memref_slice %arg6[%dma_start3A_152, %dma_start3A_153] : memref<10016x128xf32, #tpu.memory_space<vmem_shared>> -> memref<640x128xf32, #tpu.memory_space<vmem_shared>>
        %dma_start3A_155 = arith.constant 0 : i32
        %dma_start3A_156 = tpu.memref_slice %arg2[%add3A_151, %dma_start3A_155] : memref<40000x128xf32, #tpu.memory_space<hbm>> -> memref<640x128xf32, #tpu.memory_space<hbm>>
        tpu.enqueue_dma source(%dma_start3A_156 : memref<640x128xf32, #tpu.memory_space<hbm>>) target(%dma_start3A_154 : memref<640x128xf32, #tpu.memory_space<vmem_shared>>) target_semaphore(%run_scoped3A : memref<!tpu.dma_semaphore, #tpu.memory_space<semaphore_mem>>)
        %dma_wait3A = arith.constant 9360 : i32
        %dma_wait3A_157 = arith.constant 0 : i32
        %dma_wait3A_158 = tpu.memref_slice %arg6[%dma_wait3A, %dma_wait3A_157] : memref<10016x128xf32, #tpu.memory_space<vmem_shared>> -> memref<640x128xf32, #tpu.memory_space<vmem_shared>>
        %dma_wait3A_159 = arith.constant 0 : i32
        %dma_wait3A_160 = tpu.memref_slice %arg2[%add3A_151, %dma_wait3A_159] : memref<40000x128xf32, #tpu.memory_space<hbm>> -> memref<640x128xf32, #tpu.memory_space<hbm>>
        tpu.wait_dma2 semaphore(%run_scoped3A : memref<!tpu.dma_semaphore, #tpu.memory_space<semaphore_mem>>) src(%dma_wait3A_160 : memref<640x128xf32, #tpu.memory_space<hbm>>) dst(%dma_wait3A_158 : memref<640x128xf32, #tpu.memory_space<vmem_shared>>)
        tpu.yield
      }) : () -> ()
    } else {
    }
    %barrier3A_85 = arith.constant 0 : index
    tpu.barrier barrier_id(%barrier3A_85)
    %mul3A_86 = arith.constant 80 : i32
    %mul3A_87 = arith.muli %arg1, %mul3A_86 : i32
    %add3A_88 = arith.constant 0 : i32
    %add3A_89 = arith.addi %mul3A_87, %add3A_88 : i32
    %multiple_of3A_90 = tpu.assume_multiple %add3A_89, 8 : i32
    "tpu.region"() ({
      %run_scoped3A = tpu.sem_alloc : memref<!tpu.dma_semaphore, #tpu.memory_space<semaphore_mem>>
      %dma_start3A_150 = arith.constant 0 : i32
      %dma_start3A_151 = tpu.memref_slice %arg3[%multiple_of3A_90, %dma_start3A_150] : memref<1280x128xi32, #tpu.memory_space<hbm>> -> memref<40x128xi32, #tpu.memory_space<hbm>>
      %dma_start3A_152 = arith.constant 0 : i32
      %dma_start3A_153 = tpu.memref_slice %arg3[%multiple_of3A_90, %dma_start3A_152] : memref<1280x128xi32, #tpu.memory_space<hbm>> -> memref<40x128xi32, #tpu.memory_space<hbm>>
      tpu.enqueue_dma source(%dma_start3A_153 : memref<40x128xi32, #tpu.memory_space<hbm>>) target(%arg7 : memref<40x128xi32, #tpu.memory_space<vmem>>) target_semaphore(%run_scoped3A : memref<!tpu.dma_semaphore, #tpu.memory_space<semaphore_mem>>)
      %dma_wait3A = arith.constant 0 : i32
      %dma_wait3A_154 = tpu.memref_slice %arg3[%multiple_of3A_90, %dma_wait3A] : memref<1280x128xi32, #tpu.memory_space<hbm>> -> memref<40x128xi32, #tpu.memory_space<hbm>>
      %dma_wait3A_155 = arith.constant 0 : i32
      %dma_wait3A_156 = tpu.memref_slice %arg3[%multiple_of3A_90, %dma_wait3A_155] : memref<1280x128xi32, #tpu.memory_space<hbm>> -> memref<40x128xi32, #tpu.memory_space<hbm>>
      tpu.wait_dma2 semaphore(%run_scoped3A : memref<!tpu.dma_semaphore, #tpu.memory_space<semaphore_mem>>) src(%dma_wait3A_156 : memref<40x128xi32, #tpu.memory_space<hbm>>) dst(%arg7 : memref<40x128xi32, #tpu.memory_space<vmem>>)
      tpu.yield
    }) : () -> ()
    "tpu.region"() ({
      %run_scoped3A = tpu.sem_alloc : memref<!tpu.dma_semaphore, #tpu.memory_space<semaphore_mem>>
      %dma_start3A_150 = arith.constant 0 : i32
      %dma_start3A_151 = tpu.memref_slice %arg4[%multiple_of3A_90, %dma_start3A_150] : memref<1280x128xi32, #tpu.memory_space<hbm>> -> memref<40x128xi32, #tpu.memory_space<hbm>>
      %dma_start3A_152 = arith.constant 0 : i32
      %dma_start3A_153 = tpu.memref_slice %arg4[%multiple_of3A_90, %dma_start3A_152] : memref<1280x128xi32, #tpu.memory_space<hbm>> -> memref<40x128xi32, #tpu.memory_space<hbm>>
      tpu.enqueue_dma source(%dma_start3A_153 : memref<40x128xi32, #tpu.memory_space<hbm>>) target(%arg8 : memref<40x128xi32, #tpu.memory_space<vmem>>) target_semaphore(%run_scoped3A : memref<!tpu.dma_semaphore, #tpu.memory_space<semaphore_mem>>)
      %dma_wait3A = arith.constant 0 : i32
      %dma_wait3A_154 = tpu.memref_slice %arg4[%multiple_of3A_90, %dma_wait3A] : memref<1280x128xi32, #tpu.memory_space<hbm>> -> memref<40x128xi32, #tpu.memory_space<hbm>>
      %dma_wait3A_155 = arith.constant 0 : i32
      %dma_wait3A_156 = tpu.memref_slice %arg4[%multiple_of3A_90, %dma_wait3A_155] : memref<1280x128xi32, #tpu.memory_space<hbm>> -> memref<40x128xi32, #tpu.memory_space<hbm>>
      tpu.wait_dma2 semaphore(%run_scoped3A : memref<!tpu.dma_semaphore, #tpu.memory_space<semaphore_mem>>) src(%dma_wait3A_156 : memref<40x128xi32, #tpu.memory_space<hbm>>) dst(%arg8 : memref<40x128xi32, #tpu.memory_space<vmem>>)
      tpu.yield
    }) : () -> ()
    %scan3A_91 = arith.constant 0 : i32
    %scan3A_92 = arith.constant 0 : i32
    %scan3A_93 = arith.constant 320 : i32
    %scan3A_94 = arith.addi %scan3A_92, %scan3A_93 : i32
    %scan3A_95 = arith.constant 1 : i32
    %scan3A_96 = scf.for %scan3A_150 = %scan3A_92 to %scan3A_94 step %scan3A_95 iter_args(%scan3A_151 = %scan3A_91) -> (i32)  : i32 {
      %jit3A = arith.constant 8 : i32
      %div3A = arith.divsi %scan3A_150, %jit3A : i32
      %sign3A = arith.constant 0 : i32
      %sign3A_152 = arith.cmpi sgt, %scan3A_150, %sign3A : i32
      %sign3A_153 = arith.extui %sign3A_152 : i1 to i32
      %sign3A_154 = arith.constant 0 : i32
      %sign3A_155 = arith.cmpi slt, %scan3A_150, %sign3A_154 : i32
      %sign3A_156 = arith.extui %sign3A_155 : i1 to i32
      %sign3A_157 = arith.subi %sign3A_153, %sign3A_156 : i32
      %sign3A_158 = arith.constant 0 : i32
      %sign3A_159 = arith.cmpi sgt, %jit3A, %sign3A_158 : i32
      %sign3A_160 = arith.extui %sign3A_159 : i1 to i32
      %sign3A_161 = arith.constant 0 : i32
      %sign3A_162 = arith.cmpi slt, %jit3A, %sign3A_161 : i32
      %sign3A_163 = arith.extui %sign3A_162 : i1 to i32
      %sign3A_164 = arith.subi %sign3A_160, %sign3A_163 : i32
      %ne3A = arith.cmpi ne, %sign3A_157, %sign3A_164 : i32
      %rem3A = arith.remsi %scan3A_150, %jit3A : i32
      %ne3A_165 = arith.constant 0 : i32
      %ne3A_166 = arith.cmpi ne, %rem3A, %ne3A_165 : i32
      %and3A = arith.andi %ne3A, %ne3A_166 : i1
      %sub3A = arith.constant 1 : i32
      %sub3A_167 = arith.subi %div3A, %sub3A : i32
      %select_n3A = arith.select %and3A, %sub3A_167, %div3A : i32
      %rem3A_168 = arith.constant 8 : i32
      %rem3A_169 = arith.remsi %scan3A_150, %rem3A_168 : i32
      %mul3A_170 = arith.constant 16 : i32
      %mul3A_171 = arith.muli %rem3A_169, %mul3A_170 : i32
      %get3A = arith.index_cast %select_n3A : i32 to index
      %get3A_172 = arith.index_cast %mul3A_171 : i32 to index
      %get3A_173 = tpu.vector_load %arg7[%get3A, %get3A_172] {strides = array<i32>} : memref<40x128xi32, #tpu.memory_space<vmem>>, vector<1x16xi32>,
      %get3A_174 = vector.shape_cast %get3A_173 : vector<1x16xi32> to vector<16xi32>
      %add3A_175 = vector.broadcast %multiple_of3A_74 : i32 to vector<16xi32>
      %add3A_176 = arith.addi %get3A_174, %add3A_175 : vector<16xi32>
      %mul3A_177 = arith.constant 16 : i32
      %mul3A_178 = arith.muli %rem3A_169, %mul3A_177 : i32
      %swap3A = arith.index_cast %select_n3A : i32 to index
      %swap3A_179 = arith.index_cast %mul3A_178 : i32 to index
      %swap3A_180 = tpu.vector_load %arg7[%swap3A, %swap3A_179] {strides = array<i32>} : memref<40x128xi32, #tpu.memory_space<vmem>>, vector<1x16xi32>,
      %swap3A_181 = vector.shape_cast %swap3A_180 : vector<1x16xi32> to vector<16xi32>
      %swap3A_182 = vector.shape_cast %add3A_176 : vector<16xi32> to vector<1x16xi32>
      tpu.vector_store %arg7[%swap3A, %swap3A_179], %swap3A_182 {strides = array<i32>} : memref<40x128xi32, #tpu.memory_space<vmem>>, vector<1x16xi32>,
      %scan3A_183 = arith.constant 0 : i32
      scf.yield %scan3A_183 : i32
    }
    %scan3A_97 = arith.constant 320 : i32
    %dma_start3A_98 = arith.constant 0 : i32
    %dma_start3A_99 = arith.constant 0 : i32
    %dma_start3A_100 = tpu.memref_slice %arg7[%dma_start3A_98, %dma_start3A_99] : memref<40x128xi32, #tpu.memory_space<vmem>> -> memref<1x128xi32, #tpu.memory_space<vmem>>
    %dma_start3A_101 = tpu.memref_squeeze %dma_start3A_100 : memref<1x128xi32, #tpu.memory_space<vmem>> -> memref<128xi32, #tpu.memory_space<vmem>>
    %dma_start3A_102 = arith.constant 0 : i32
    %dma_start3A_103 = arith.constant 0 : i32
    %dma_start3A_104 = tpu.memref_slice %arg2[%dma_start3A_102, %dma_start3A_103] : memref<40000x128xf32, #tpu.memory_space<hbm>> -> memref<40000x128xf32, #tpu.memory_space<hbm>>
    tpu.enqueue_indirect_dma source(%dma_start3A_104 : memref<40000x128xf32, #tpu.memory_space<hbm>>) target(%arg9 : memref<128x128xf32, #tpu.memory_space<vmem>>) offsets(%dma_start3A_101 : memref<128xi32, #tpu.memory_space<vmem>>) semaphore(%arg11 : memref<!tpu.dma_semaphore, #tpu.memory_space<semaphore_mem>>)
    %scan3A_105 = arith.constant 0 : i32
    %scan3A_106 = arith.constant 0 : i32
    %scan3A_107 = arith.constant 20 : i32
    %scan3A_108 = arith.addi %scan3A_106, %scan3A_107 : i32
    %scan3A_109 = arith.constant 1 : i32
    %scan3A_110 = scf.for %scan3A_150 = %scan3A_106 to %scan3A_108 step %scan3A_109 iter_args(%scan3A_151 = %scan3A_105) -> (i32)  : i32 {
      %mul3A_152 = arith.constant 2 : i32
      %mul3A_153 = arith.muli %scan3A_150, %mul3A_152 : i32
      %add3A_154 = arith.constant 1 : i32
      %add3A_155 = arith.addi %mul3A_153, %add3A_154 : i32
      %dma_start3A_156 = arith.constant 0 : i32
      %dma_start3A_157 = tpu.memref_slice %arg7[%add3A_155, %dma_start3A_156] : memref<40x128xi32, #tpu.memory_space<vmem>> -> memref<1x128xi32, #tpu.memory_space<vmem>>
      %dma_start3A_158 = tpu.memref_squeeze %dma_start3A_157 : memref<1x128xi32, #tpu.memory_space<vmem>> -> memref<128xi32, #tpu.memory_space<vmem>>
      %dma_start3A_159 = arith.constant 0 : i32
      %dma_start3A_160 = arith.constant 0 : i32
      %dma_start3A_161 = tpu.memref_slice %arg2[%dma_start3A_159, %dma_start3A_160] : memref<40000x128xf32, #tpu.memory_space<hbm>> -> memref<40000x128xf32, #tpu.memory_space<hbm>>
      tpu.enqueue_indirect_dma source(%dma_start3A_161 : memref<40000x128xf32, #tpu.memory_space<hbm>>) target(%arg10 : memref<128x128xf32, #tpu.memory_space<vmem>>) offsets(%dma_start3A_158 : memref<128xi32, #tpu.memory_space<vmem>>) semaphore(%arg12 : memref<!tpu.dma_semaphore, #tpu.memory_space<semaphore_mem>>)
      %dma_wait3A = arith.constant 0 : i32
      %dma_wait3A_162 = tpu.memref_slice %arg7[%mul3A_153, %dma_wait3A] : memref<40x128xi32, #tpu.memory_space<vmem>> -> memref<1x128xi32, #tpu.memory_space<vmem>>
      %dma_wait3A_163 = tpu.memref_squeeze %dma_wait3A_162 : memref<1x128xi32, #tpu.memory_space<vmem>> -> memref<128xi32, #tpu.memory_space<vmem>>
      %dma_wait3A_164 = arith.constant 0 : i32
      %dma_wait3A_165 = arith.constant 0 : i32
      %dma_wait3A_166 = tpu.memref_slice %arg2[%dma_wait3A_164, %dma_wait3A_165] : memref<40000x128xf32, #tpu.memory_space<hbm>> -> memref<40000x128xf32, #tpu.memory_space<hbm>>
      tpu.wait_indirect_dma semaphore(%arg11 : memref<!tpu.dma_semaphore, #tpu.memory_space<semaphore_mem>>) src(%dma_wait3A_166 : memref<40000x128xf32, #tpu.memory_space<hbm>>) dst(%arg9 : memref<128x128xf32, #tpu.memory_space<vmem>>)
      "tpu.region"() ({
        %run_scoped3A = tpu.sem_alloc : memref<!tpu.dma_semaphore, #tpu.memory_space<semaphore_mem>>
        %dma_start3A_185 = arith.constant 0 : i32
        %dma_start3A_186 = tpu.memref_slice %arg8[%mul3A_153, %dma_start3A_185] : memref<40x128xi32, #tpu.memory_space<vmem>> -> memref<1x128xi32, #tpu.memory_space<vmem>>
        %dma_start3A_187 = tpu.memref_squeeze %dma_start3A_186 : memref<1x128xi32, #tpu.memory_space<vmem>> -> memref<128xi32, #tpu.memory_space<vmem>>
        %dma_start3A_188 = arith.constant 0 : i32
        %dma_start3A_189 = arith.constant 0 : i32
        %dma_start3A_190 = tpu.memref_slice %arg6[%dma_start3A_188, %dma_start3A_189] : memref<10016x128xf32, #tpu.memory_space<vmem_shared>> -> memref<10016x128xf32, #tpu.memory_space<vmem_shared>>
        tpu.enqueue_indirect_dma source(%arg9 : memref<128x128xf32, #tpu.memory_space<vmem>>) target(%dma_start3A_190 : memref<10016x128xf32, #tpu.memory_space<vmem_shared>>) offsets(%dma_start3A_187 : memref<128xi32, #tpu.memory_space<vmem>>) semaphore(%run_scoped3A : memref<!tpu.dma_semaphore, #tpu.memory_space<semaphore_mem>>) {add = true}
        %dma_wait3A_191 = arith.constant 0 : i32
        %dma_wait3A_192 = tpu.memref_slice %arg8[%mul3A_153, %dma_wait3A_191] : memref<40x128xi32, #tpu.memory_space<vmem>> -> memref<1x128xi32, #tpu.memory_space<vmem>>
        %dma_wait3A_193 = tpu.memref_squeeze %dma_wait3A_192 : memref<1x128xi32, #tpu.memory_space<vmem>> -> memref<128xi32, #tpu.memory_space<vmem>>
        %dma_wait3A_194 = arith.constant 0 : i32
        %dma_wait3A_195 = arith.constant 0 : i32
        %dma_wait3A_196 = tpu.memref_slice %arg6[%dma_wait3A_194, %dma_wait3A_195] : memref<10016x128xf32, #tpu.memory_space<vmem_shared>> -> memref<10016x128xf32, #tpu.memory_space<vmem_shared>>
        tpu.wait_indirect_dma semaphore(%run_scoped3A : memref<!tpu.dma_semaphore, #tpu.memory_space<semaphore_mem>>) src(%arg9 : memref<128x128xf32, #tpu.memory_space<vmem>>) dst(%dma_wait3A_196 : memref<10016x128xf32, #tpu.memory_space<vmem_shared>>)
        tpu.yield
      }) : () -> ()
      %add3A_167 = arith.constant 1 : i32
      %add3A_168 = arith.addi %scan3A_150, %add3A_167 : i32
      %lt3A_169 = arith.constant 20 : i32
      %lt3A_170 = arith.cmpi slt, %add3A_168, %lt3A_169 : i32
      %convert_element_type3A_171 = arith.extui %lt3A_170 : i1 to i32
      %cond3A_172 = arith.constant 0 : i32
      %cond3A_173 = arith.cmpi ne, %convert_element_type3A_171, %cond3A_172 : i32
      scf.if %cond3A_173 {
        %add3A_185 = arith.constant 2 : i32
        %add3A_186 = arith.addi %mul3A_153, %add3A_185 : i32
        %dma_start3A_187 = arith.constant 0 : i32
        %dma_start3A_188 = tpu.memref_slice %arg7[%add3A_186, %dma_start3A_187] : memref<40x128xi32, #tpu.memory_space<vmem>> -> memref<1x128xi32, #tpu.memory_space<vmem>>
        %dma_start3A_189 = tpu.memref_squeeze %dma_start3A_188 : memref<1x128xi32, #tpu.memory_space<vmem>> -> memref<128xi32, #tpu.memory_space<vmem>>
        %dma_start3A_190 = arith.constant 0 : i32
        %dma_start3A_191 = arith.constant 0 : i32
        %dma_start3A_192 = tpu.memref_slice %arg2[%dma_start3A_190, %dma_start3A_191] : memref<40000x128xf32, #tpu.memory_space<hbm>> -> memref<40000x128xf32, #tpu.memory_space<hbm>>
        tpu.enqueue_indirect_dma source(%dma_start3A_192 : memref<40000x128xf32, #tpu.memory_space<hbm>>) target(%arg9 : memref<128x128xf32, #tpu.memory_space<vmem>>) offsets(%dma_start3A_189 : memref<128xi32, #tpu.memory_space<vmem>>) semaphore(%arg11 : memref<!tpu.dma_semaphore, #tpu.memory_space<semaphore_mem>>)
      } else {
      }
      %add3A_174 = arith.constant 1 : i32
      %add3A_175 = arith.addi %mul3A_153, %add3A_174 : i32
      %dma_wait3A_176 = arith.constant 0 : i32
      %dma_wait3A_177 = tpu.memref_slice %arg7[%add3A_175, %dma_wait3A_176] : memref<40x128xi32, #tpu.memory_space<vmem>> -> memref<1x128xi32, #tpu.memory_space<vmem>>
      %dma_wait3A_178 = tpu.memref_squeeze %dma_wait3A_177 : memref<1x128xi32, #tpu.memory_space<vmem>> -> memref<128xi32, #tpu.memory_space<vmem>>
      %dma_wait3A_179 = arith.constant 0 : i32
      %dma_wait3A_180 = arith.constant 0 : i32
      %dma_wait3A_181 = tpu.memref_slice %arg2[%dma_wait3A_179, %dma_wait3A_180] : memref<40000x128xf32, #tpu.memory_space<hbm>> -> memref<40000x128xf32, #tpu.memory_space<hbm>>
      tpu.wait_indirect_dma semaphore(%arg12 : memref<!tpu.dma_semaphore, #tpu.memory_space<semaphore_mem>>) src(%dma_wait3A_181 : memref<40000x128xf32, #tpu.memory_space<hbm>>) dst(%arg10 : memref<128x128xf32, #tpu.memory_space<vmem>>)
      %add3A_182 = arith.constant 1 : i32
      %add3A_183 = arith.addi %mul3A_153, %add3A_182 : i32
      "tpu.region"() ({
        %run_scoped3A = tpu.sem_alloc : memref<!tpu.dma_semaphore, #tpu.memory_space<semaphore_mem>>
        %dma_start3A_185 = arith.constant 0 : i32
        %dma_start3A_186 = tpu.memref_slice %arg8[%add3A_183, %dma_start3A_185] : memref<40x128xi32, #tpu.memory_space<vmem>> -> memref<1x128xi32, #tpu.memory_space<vmem>>
        %dma_start3A_187 = tpu.memref_squeeze %dma_start3A_186 : memref<1x128xi32, #tpu.memory_space<vmem>> -> memref<128xi32, #tpu.memory_space<vmem>>
        %dma_start3A_188 = arith.constant 0 : i32
        %dma_start3A_189 = arith.constant 0 : i32
        %dma_start3A_190 = tpu.memref_slice %arg6[%dma_start3A_188, %dma_start3A_189] : memref<10016x128xf32, #tpu.memory_space<vmem_shared>> -> memref<10016x128xf32, #tpu.memory_space<vmem_shared>>
        tpu.enqueue_indirect_dma source(%arg10 : memref<128x128xf32, #tpu.memory_space<vmem>>) target(%dma_start3A_190 : memref<10016x128xf32, #tpu.memory_space<vmem_shared>>) offsets(%dma_start3A_187 : memref<128xi32, #tpu.memory_space<vmem>>) semaphore(%run_scoped3A : memref<!tpu.dma_semaphore, #tpu.memory_space<semaphore_mem>>) {add = true}
        %dma_wait3A_191 = arith.constant 0 : i32
        %dma_wait3A_192 = tpu.memref_slice %arg8[%add3A_183, %dma_wait3A_191] : memref<40x128xi32, #tpu.memory_space<vmem>> -> memref<1x128xi32, #tpu.memory_space<vmem>>
        %dma_wait3A_193 = tpu.memref_squeeze %dma_wait3A_192 : memref<1x128xi32, #tpu.memory_space<vmem>> -> memref<128xi32, #tpu.memory_space<vmem>>
        %dma_wait3A_194 = arith.constant 0 : i32
        %dma_wait3A_195 = arith.constant 0 : i32
        %dma_wait3A_196 = tpu.memref_slice %arg6[%dma_wait3A_194, %dma_wait3A_195] : memref<10016x128xf32, #tpu.memory_space<vmem_shared>> -> memref<10016x128xf32, #tpu.memory_space<vmem_shared>>
        tpu.wait_indirect_dma semaphore(%run_scoped3A : memref<!tpu.dma_semaphore, #tpu.memory_space<semaphore_mem>>) src(%arg10 : memref<128x128xf32, #tpu.memory_space<vmem>>) dst(%dma_wait3A_196 : memref<10016x128xf32, #tpu.memory_space<vmem_shared>>)
        tpu.yield
      }) : () -> ()
      %scan3A_184 = arith.constant 0 : i32
      scf.yield %scan3A_184 : i32
    }
    %scan3A_111 = arith.constant 20 : i32
    %mul3A_112 = arith.constant 80 : i32
    %mul3A_113 = arith.muli %arg1, %mul3A_112 : i32
    %add3A_114 = arith.constant 40 : i32
    %add3A_115 = arith.addi %mul3A_113, %add3A_114 : i32
    %multiple_of3A_116 = tpu.assume_multiple %add3A_115, 8 : i32
    "tpu.region"() ({
      %run_scoped3A = tpu.sem_alloc : memref<!tpu.dma_semaphore, #tpu.memory_space<semaphore_mem>>
      %dma_start3A_150 = arith.constant 0 : i32
      %dma_start3A_151 = tpu.memref_slice %arg3[%multiple_of3A_116, %dma_start3A_150] : memref<1280x128xi32, #tpu.memory_space<hbm>> -> memref<40x128xi32, #tpu.memory_space<hbm>>
      %dma_start3A_152 = arith.constant 0 : i32
      %dma_start3A_153 = tpu.memref_slice %arg3[%multiple_of3A_116, %dma_start3A_152] : memref<1280x128xi32, #tpu.memory_space<hbm>> -> memref<40x128xi32, #tpu.memory_space<hbm>>
      tpu.enqueue_dma source(%dma_start3A_153 : memref<40x128xi32, #tpu.memory_space<hbm>>) target(%arg7 : memref<40x128xi32, #tpu.memory_space<vmem>>) target_semaphore(%run_scoped3A : memref<!tpu.dma_semaphore, #tpu.memory_space<semaphore_mem>>)
      %dma_wait3A = arith.constant 0 : i32
      %dma_wait3A_154 = tpu.memref_slice %arg3[%multiple_of3A_116, %dma_wait3A] : memref<1280x128xi32, #tpu.memory_space<hbm>> -> memref<40x128xi32, #tpu.memory_space<hbm>>
      %dma_wait3A_155 = arith.constant 0 : i32
      %dma_wait3A_156 = tpu.memref_slice %arg3[%multiple_of3A_116, %dma_wait3A_155] : memref<1280x128xi32, #tpu.memory_space<hbm>> -> memref<40x128xi32, #tpu.memory_space<hbm>>
      tpu.wait_dma2 semaphore(%run_scoped3A : memref<!tpu.dma_semaphore, #tpu.memory_space<semaphore_mem>>) src(%dma_wait3A_156 : memref<40x128xi32, #tpu.memory_space<hbm>>) dst(%arg7 : memref<40x128xi32, #tpu.memory_space<vmem>>)
      tpu.yield
    }) : () -> ()
    "tpu.region"() ({
      %run_scoped3A = tpu.sem_alloc : memref<!tpu.dma_semaphore, #tpu.memory_space<semaphore_mem>>
      %dma_start3A_150 = arith.constant 0 : i32
      %dma_start3A_151 = tpu.memref_slice %arg4[%multiple_of3A_116, %dma_start3A_150] : memref<1280x128xi32, #tpu.memory_space<hbm>> -> memref<40x128xi32, #tpu.memory_space<hbm>>
      %dma_start3A_152 = arith.constant 0 : i32
      %dma_start3A_153 = tpu.memref_slice %arg4[%multiple_of3A_116, %dma_start3A_152] : memref<1280x128xi32, #tpu.memory_space<hbm>> -> memref<40x128xi32, #tpu.memory_space<hbm>>
      tpu.enqueue_dma source(%dma_start3A_153 : memref<40x128xi32, #tpu.memory_space<hbm>>) target(%arg8 : memref<40x128xi32, #tpu.memory_space<vmem>>) target_semaphore(%run_scoped3A : memref<!tpu.dma_semaphore, #tpu.memory_space<semaphore_mem>>)
      %dma_wait3A = arith.constant 0 : i32
      %dma_wait3A_154 = tpu.memref_slice %arg4[%multiple_of3A_116, %dma_wait3A] : memref<1280x128xi32, #tpu.memory_space<hbm>> -> memref<40x128xi32, #tpu.memory_space<hbm>>
      %dma_wait3A_155 = arith.constant 0 : i32
      %dma_wait3A_156 = tpu.memref_slice %arg4[%multiple_of3A_116, %dma_wait3A_155] : memref<1280x128xi32, #tpu.memory_space<hbm>> -> memref<40x128xi32, #tpu.memory_space<hbm>>
      tpu.wait_dma2 semaphore(%run_scoped3A : memref<!tpu.dma_semaphore, #tpu.memory_space<semaphore_mem>>) src(%dma_wait3A_156 : memref<40x128xi32, #tpu.memory_space<hbm>>) dst(%arg8 : memref<40x128xi32, #tpu.memory_space<vmem>>)
      tpu.yield
    }) : () -> ()
    %scan3A_117 = arith.constant 0 : i32
    %scan3A_118 = arith.constant 0 : i32
    %scan3A_119 = arith.constant 320 : i32
    %scan3A_120 = arith.addi %scan3A_118, %scan3A_119 : i32
    %scan3A_121 = arith.constant 1 : i32
    %scan3A_122 = scf.for %scan3A_150 = %scan3A_118 to %scan3A_120 step %scan3A_121 iter_args(%scan3A_151 = %scan3A_117) -> (i32)  : i32 {
      %jit3A = arith.constant 8 : i32
      %div3A = arith.divsi %scan3A_150, %jit3A : i32
      %sign3A = arith.constant 0 : i32
      %sign3A_152 = arith.cmpi sgt, %scan3A_150, %sign3A : i32
      %sign3A_153 = arith.extui %sign3A_152 : i1 to i32
      %sign3A_154 = arith.constant 0 : i32
      %sign3A_155 = arith.cmpi slt, %scan3A_150, %sign3A_154 : i32
      %sign3A_156 = arith.extui %sign3A_155 : i1 to i32
      %sign3A_157 = arith.subi %sign3A_153, %sign3A_156 : i32
      %sign3A_158 = arith.constant 0 : i32
      %sign3A_159 = arith.cmpi sgt, %jit3A, %sign3A_158 : i32
      %sign3A_160 = arith.extui %sign3A_159 : i1 to i32
      %sign3A_161 = arith.constant 0 : i32
      %sign3A_162 = arith.cmpi slt, %jit3A, %sign3A_161 : i32
      %sign3A_163 = arith.extui %sign3A_162 : i1 to i32
      %sign3A_164 = arith.subi %sign3A_160, %sign3A_163 : i32
      %ne3A = arith.cmpi ne, %sign3A_157, %sign3A_164 : i32
      %rem3A = arith.remsi %scan3A_150, %jit3A : i32
      %ne3A_165 = arith.constant 0 : i32
      %ne3A_166 = arith.cmpi ne, %rem3A, %ne3A_165 : i32
      %and3A = arith.andi %ne3A, %ne3A_166 : i1
      %sub3A = arith.constant 1 : i32
      %sub3A_167 = arith.subi %div3A, %sub3A : i32
      %select_n3A = arith.select %and3A, %sub3A_167, %div3A : i32
      %rem3A_168 = arith.constant 8 : i32
      %rem3A_169 = arith.remsi %scan3A_150, %rem3A_168 : i32
      %mul3A_170 = arith.constant 16 : i32
      %mul3A_171 = arith.muli %rem3A_169, %mul3A_170 : i32
      %get3A = arith.index_cast %select_n3A : i32 to index
      %get3A_172 = arith.index_cast %mul3A_171 : i32 to index
      %get3A_173 = tpu.vector_load %arg7[%get3A, %get3A_172] {strides = array<i32>} : memref<40x128xi32, #tpu.memory_space<vmem>>, vector<1x16xi32>,
      %get3A_174 = vector.shape_cast %get3A_173 : vector<1x16xi32> to vector<16xi32>
      %add3A_175 = vector.broadcast %multiple_of3A_74 : i32 to vector<16xi32>
      %add3A_176 = arith.addi %get3A_174, %add3A_175 : vector<16xi32>
      %mul3A_177 = arith.constant 16 : i32
      %mul3A_178 = arith.muli %rem3A_169, %mul3A_177 : i32
      %swap3A = arith.index_cast %select_n3A : i32 to index
      %swap3A_179 = arith.index_cast %mul3A_178 : i32 to index
      %swap3A_180 = tpu.vector_load %arg7[%swap3A, %swap3A_179] {strides = array<i32>} : memref<40x128xi32, #tpu.memory_space<vmem>>, vector<1x16xi32>,
      %swap3A_181 = vector.shape_cast %swap3A_180 : vector<1x16xi32> to vector<16xi32>
      %swap3A_182 = vector.shape_cast %add3A_176 : vector<16xi32> to vector<1x16xi32>
      tpu.vector_store %arg7[%swap3A, %swap3A_179], %swap3A_182 {strides = array<i32>} : memref<40x128xi32, #tpu.memory_space<vmem>>, vector<1x16xi32>,
      %scan3A_183 = arith.constant 0 : i32
      scf.yield %scan3A_183 : i32
    }
    %scan3A_123 = arith.constant 320 : i32
    %dma_start3A_124 = arith.constant 0 : i32
    %dma_start3A_125 = arith.constant 0 : i32
    %dma_start3A_126 = tpu.memref_slice %arg7[%dma_start3A_124, %dma_start3A_125] : memref<40x128xi32, #tpu.memory_space<vmem>> -> memref<1x128xi32, #tpu.memory_space<vmem>>
    %dma_start3A_127 = tpu.memref_squeeze %dma_start3A_126 : memref<1x128xi32, #tpu.memory_space<vmem>> -> memref<128xi32, #tpu.memory_space<vmem>>
    %dma_start3A_128 = arith.constant 0 : i32
    %dma_start3A_129 = arith.constant 0 : i32
    %dma_start3A_130 = tpu.memref_slice %arg2[%dma_start3A_128, %dma_start3A_129] : memref<40000x128xf32, #tpu.memory_space<hbm>> -> memref<40000x128xf32, #tpu.memory_space<hbm>>
    tpu.enqueue_indirect_dma source(%dma_start3A_130 : memref<40000x128xf32, #tpu.memory_space<hbm>>) target(%arg9 : memref<128x128xf32, #tpu.memory_space<vmem>>) offsets(%dma_start3A_127 : memref<128xi32, #tpu.memory_space<vmem>>) semaphore(%arg11 : memref<!tpu.dma_semaphore, #tpu.memory_space<semaphore_mem>>)
    %scan3A_131 = arith.constant 0 : i32
    %scan3A_132 = arith.constant 0 : i32
    %scan3A_133 = arith.constant 20 : i32
    %scan3A_134 = arith.addi %scan3A_132, %scan3A_133 : i32
    %scan3A_135 = arith.constant 1 : i32
    %scan3A_136 = scf.for %scan3A_150 = %scan3A_132 to %scan3A_134 step %scan3A_135 iter_args(%scan3A_151 = %scan3A_131) -> (i32)  : i32 {
      %mul3A_152 = arith.constant 2 : i32
      %mul3A_153 = arith.muli %scan3A_150, %mul3A_152 : i32
      %add3A_154 = arith.constant 1 : i32
      %add3A_155 = arith.addi %mul3A_153, %add3A_154 : i32
      %dma_start3A_156 = arith.constant 0 : i32
      %dma_start3A_157 = tpu.memref_slice %arg7[%add3A_155, %dma_start3A_156] : memref<40x128xi32, #tpu.memory_space<vmem>> -> memref<1x128xi32, #tpu.memory_space<vmem>>
      %dma_start3A_158 = tpu.memref_squeeze %dma_start3A_157 : memref<1x128xi32, #tpu.memory_space<vmem>> -> memref<128xi32, #tpu.memory_space<vmem>>
      %dma_start3A_159 = arith.constant 0 : i32
      %dma_start3A_160 = arith.constant 0 : i32
      %dma_start3A_161 = tpu.memref_slice %arg2[%dma_start3A_159, %dma_start3A_160] : memref<40000x128xf32, #tpu.memory_space<hbm>> -> memref<40000x128xf32, #tpu.memory_space<hbm>>
      tpu.enqueue_indirect_dma source(%dma_start3A_161 : memref<40000x128xf32, #tpu.memory_space<hbm>>) target(%arg10 : memref<128x128xf32, #tpu.memory_space<vmem>>) offsets(%dma_start3A_158 : memref<128xi32, #tpu.memory_space<vmem>>) semaphore(%arg12 : memref<!tpu.dma_semaphore, #tpu.memory_space<semaphore_mem>>)
      %dma_wait3A = arith.constant 0 : i32
      %dma_wait3A_162 = tpu.memref_slice %arg7[%mul3A_153, %dma_wait3A] : memref<40x128xi32, #tpu.memory_space<vmem>> -> memref<1x128xi32, #tpu.memory_space<vmem>>
      %dma_wait3A_163 = tpu.memref_squeeze %dma_wait3A_162 : memref<1x128xi32, #tpu.memory_space<vmem>> -> memref<128xi32, #tpu.memory_space<vmem>>
      %dma_wait3A_164 = arith.constant 0 : i32
      %dma_wait3A_165 = arith.constant 0 : i32
      %dma_wait3A_166 = tpu.memref_slice %arg2[%dma_wait3A_164, %dma_wait3A_165] : memref<40000x128xf32, #tpu.memory_space<hbm>> -> memref<40000x128xf32, #tpu.memory_space<hbm>>
      tpu.wait_indirect_dma semaphore(%arg11 : memref<!tpu.dma_semaphore, #tpu.memory_space<semaphore_mem>>) src(%dma_wait3A_166 : memref<40000x128xf32, #tpu.memory_space<hbm>>) dst(%arg9 : memref<128x128xf32, #tpu.memory_space<vmem>>)
      "tpu.region"() ({
        %run_scoped3A = tpu.sem_alloc : memref<!tpu.dma_semaphore, #tpu.memory_space<semaphore_mem>>
        %dma_start3A_185 = arith.constant 0 : i32
        %dma_start3A_186 = tpu.memref_slice %arg8[%mul3A_153, %dma_start3A_185] : memref<40x128xi32, #tpu.memory_space<vmem>> -> memref<1x128xi32, #tpu.memory_space<vmem>>
        %dma_start3A_187 = tpu.memref_squeeze %dma_start3A_186 : memref<1x128xi32, #tpu.memory_space<vmem>> -> memref<128xi32, #tpu.memory_space<vmem>>
        %dma_start3A_188 = arith.constant 0 : i32
        %dma_start3A_189 = arith.constant 0 : i32
        %dma_start3A_190 = tpu.memref_slice %arg6[%dma_start3A_188, %dma_start3A_189] : memref<10016x128xf32, #tpu.memory_space<vmem_shared>> -> memref<10016x128xf32, #tpu.memory_space<vmem_shared>>
        tpu.enqueue_indirect_dma source(%arg9 : memref<128x128xf32, #tpu.memory_space<vmem>>) target(%dma_start3A_190 : memref<10016x128xf32, #tpu.memory_space<vmem_shared>>) offsets(%dma_start3A_187 : memref<128xi32, #tpu.memory_space<vmem>>) semaphore(%run_scoped3A : memref<!tpu.dma_semaphore, #tpu.memory_space<semaphore_mem>>) {add = true}
        %dma_wait3A_191 = arith.constant 0 : i32
        %dma_wait3A_192 = tpu.memref_slice %arg8[%mul3A_153, %dma_wait3A_191] : memref<40x128xi32, #tpu.memory_space<vmem>> -> memref<1x128xi32, #tpu.memory_space<vmem>>
        %dma_wait3A_193 = tpu.memref_squeeze %dma_wait3A_192 : memref<1x128xi32, #tpu.memory_space<vmem>> -> memref<128xi32, #tpu.memory_space<vmem>>
        %dma_wait3A_194 = arith.constant 0 : i32
        %dma_wait3A_195 = arith.constant 0 : i32
        %dma_wait3A_196 = tpu.memref_slice %arg6[%dma_wait3A_194, %dma_wait3A_195] : memref<10016x128xf32, #tpu.memory_space<vmem_shared>> -> memref<10016x128xf32, #tpu.memory_space<vmem_shared>>
        tpu.wait_indirect_dma semaphore(%run_scoped3A : memref<!tpu.dma_semaphore, #tpu.memory_space<semaphore_mem>>) src(%arg9 : memref<128x128xf32, #tpu.memory_space<vmem>>) dst(%dma_wait3A_196 : memref<10016x128xf32, #tpu.memory_space<vmem_shared>>)
        tpu.yield
      }) : () -> ()
      %add3A_167 = arith.constant 1 : i32
      %add3A_168 = arith.addi %scan3A_150, %add3A_167 : i32
      %lt3A_169 = arith.constant 20 : i32
      %lt3A_170 = arith.cmpi slt, %add3A_168, %lt3A_169 : i32
      %convert_element_type3A_171 = arith.extui %lt3A_170 : i1 to i32
      %cond3A_172 = arith.constant 0 : i32
      %cond3A_173 = arith.cmpi ne, %convert_element_type3A_171, %cond3A_172 : i32
      scf.if %cond3A_173 {
        %add3A_185 = arith.constant 2 : i32
        %add3A_186 = arith.addi %mul3A_153, %add3A_185 : i32
        %dma_start3A_187 = arith.constant 0 : i32
        %dma_start3A_188 = tpu.memref_slice %arg7[%add3A_186, %dma_start3A_187] : memref<40x128xi32, #tpu.memory_space<vmem>> -> memref<1x128xi32, #tpu.memory_space<vmem>>
        %dma_start3A_189 = tpu.memref_squeeze %dma_start3A_188 : memref<1x128xi32, #tpu.memory_space<vmem>> -> memref<128xi32, #tpu.memory_space<vmem>>
        %dma_start3A_190 = arith.constant 0 : i32
        %dma_start3A_191 = arith.constant 0 : i32
        %dma_start3A_192 = tpu.memref_slice %arg2[%dma_start3A_190, %dma_start3A_191] : memref<40000x128xf32, #tpu.memory_space<hbm>> -> memref<40000x128xf32, #tpu.memory_space<hbm>>
        tpu.enqueue_indirect_dma source(%dma_start3A_192 : memref<40000x128xf32, #tpu.memory_space<hbm>>) target(%arg9 : memref<128x128xf32, #tpu.memory_space<vmem>>) offsets(%dma_start3A_189 : memref<128xi32, #tpu.memory_space<vmem>>) semaphore(%arg11 : memref<!tpu.dma_semaphore, #tpu.memory_space<semaphore_mem>>)
      } else {
      }
      %add3A_174 = arith.constant 1 : i32
      %add3A_175 = arith.addi %mul3A_153, %add3A_174 : i32
      %dma_wait3A_176 = arith.constant 0 : i32
      %dma_wait3A_177 = tpu.memref_slice %arg7[%add3A_175, %dma_wait3A_176] : memref<40x128xi32, #tpu.memory_space<vmem>> -> memref<1x128xi32, #tpu.memory_space<vmem>>
      %dma_wait3A_178 = tpu.memref_squeeze %dma_wait3A_177 : memref<1x128xi32, #tpu.memory_space<vmem>> -> memref<128xi32, #tpu.memory_space<vmem>>
      %dma_wait3A_179 = arith.constant 0 : i32
      %dma_wait3A_180 = arith.constant 0 : i32
      %dma_wait3A_181 = tpu.memref_slice %arg2[%dma_wait3A_179, %dma_wait3A_180] : memref<40000x128xf32, #tpu.memory_space<hbm>> -> memref<40000x128xf32, #tpu.memory_space<hbm>>
      tpu.wait_indirect_dma semaphore(%arg12 : memref<!tpu.dma_semaphore, #tpu.memory_space<semaphore_mem>>) src(%dma_wait3A_181 : memref<40000x128xf32, #tpu.memory_space<hbm>>) dst(%arg10 : memref<128x128xf32, #tpu.memory_space<vmem>>)
      %add3A_182 = arith.constant 1 : i32
      %add3A_183 = arith.addi %mul3A_153, %add3A_182 : i32
      "tpu.region"() ({
        %run_scoped3A = tpu.sem_alloc : memref<!tpu.dma_semaphore, #tpu.memory_space<semaphore_mem>>
        %dma_start3A_185 = arith.constant 0 : i32
        %dma_start3A_186 = tpu.memref_slice %arg8[%add3A_183, %dma_start3A_185] : memref<40x128xi32, #tpu.memory_space<vmem>> -> memref<1x128xi32, #tpu.memory_space<vmem>>
        %dma_start3A_187 = tpu.memref_squeeze %dma_start3A_186 : memref<1x128xi32, #tpu.memory_space<vmem>> -> memref<128xi32, #tpu.memory_space<vmem>>
        %dma_start3A_188 = arith.constant 0 : i32
        %dma_start3A_189 = arith.constant 0 : i32
        %dma_start3A_190 = tpu.memref_slice %arg6[%dma_start3A_188, %dma_start3A_189] : memref<10016x128xf32, #tpu.memory_space<vmem_shared>> -> memref<10016x128xf32, #tpu.memory_space<vmem_shared>>
        tpu.enqueue_indirect_dma source(%arg10 : memref<128x128xf32, #tpu.memory_space<vmem>>) target(%dma_start3A_190 : memref<10016x128xf32, #tpu.memory_space<vmem_shared>>) offsets(%dma_start3A_187 : memref<128xi32, #tpu.memory_space<vmem>>) semaphore(%run_scoped3A : memref<!tpu.dma_semaphore, #tpu.memory_space<semaphore_mem>>) {add = true}
        %dma_wait3A_191 = arith.constant 0 : i32
        %dma_wait3A_192 = tpu.memref_slice %arg8[%add3A_183, %dma_wait3A_191] : memref<40x128xi32, #tpu.memory_space<vmem>> -> memref<1x128xi32, #tpu.memory_space<vmem>>
        %dma_wait3A_193 = tpu.memref_squeeze %dma_wait3A_192 : memref<1x128xi32, #tpu.memory_space<vmem>> -> memref<128xi32, #tpu.memory_space<vmem>>
        %dma_wait3A_194 = arith.constant 0 : i32
        %dma_wait3A_195 = arith.constant 0 : i32
        %dma_wait3A_196 = tpu.memref_slice %arg6[%dma_wait3A_194, %dma_wait3A_195] : memref<10016x128xf32, #tpu.memory_space<vmem_shared>> -> memref<10016x128xf32, #tpu.memory_space<vmem_shared>>
        tpu.wait_indirect_dma semaphore(%run_scoped3A : memref<!tpu.dma_semaphore, #tpu.memory_space<semaphore_mem>>) src(%arg10 : memref<128x128xf32, #tpu.memory_space<vmem>>) dst(%dma_wait3A_196 : memref<10016x128xf32, #tpu.memory_space<vmem_shared>>)
        tpu.yield
      }) : () -> ()
      %scan3A_184 = arith.constant 0 : i32
      scf.yield %scan3A_184 : i32
    }
    %scan3A_137 = arith.constant 20 : i32
    %barrier3A_138 = arith.constant 0 : index
    tpu.barrier barrier_id(%barrier3A_138)
    %lt3A_139 = arith.constant 15 : i32
    %lt3A_140 = arith.cmpi slt, %arg1, %lt3A_139 : i32
    %convert_element_type3A_141 = arith.extui %lt3A_140 : i1 to i32
    %cond3A_142 = arith.constant 0 : i32
    %cond3A_143 = arith.cmpi ne, %convert_element_type3A_141, %cond3A_142 : i32
    scf.if %cond3A_143 {
      %mul3A_150 = arith.constant 624 : i32
      %mul3A_151 = arith.muli %arg1, %mul3A_150 : i32
      %multiple_of3A_152 = tpu.assume_multiple %mul3A_151, 8 : i32
      %add3A_153 = arith.addi %multiple_of3A_74, %multiple_of3A_152 : i32
      "tpu.region"() ({
        %run_scoped3A = tpu.sem_alloc : memref<!tpu.dma_semaphore, #tpu.memory_space<semaphore_mem>>
        %dma_start3A_154 = arith.constant 0 : i32
        %dma_start3A_155 = tpu.memref_slice %arg5[%add3A_153, %dma_start3A_154] : memref<40000x128xf32, #tpu.memory_space<hbm>> -> memref<624x128xf32, #tpu.memory_space<hbm>>
        %dma_start3A_156 = arith.constant 0 : i32
        %dma_start3A_157 = tpu.memref_slice %arg6[%multiple_of3A_152, %dma_start3A_156] : memref<10016x128xf32, #tpu.memory_space<vmem_shared>> -> memref<624x128xf32, #tpu.memory_space<vmem_shared>>
        tpu.enqueue_dma source(%dma_start3A_157 : memref<624x128xf32, #tpu.memory_space<vmem_shared>>) target(%dma_start3A_155 : memref<624x128xf32, #tpu.memory_space<hbm>>) target_semaphore(%run_scoped3A : memref<!tpu.dma_semaphore, #tpu.memory_space<semaphore_mem>>)
        %dma_wait3A = arith.constant 0 : i32
        %dma_wait3A_158 = tpu.memref_slice %arg5[%add3A_153, %dma_wait3A] : memref<40000x128xf32, #tpu.memory_space<hbm>> -> memref<624x128xf32, #tpu.memory_space<hbm>>
        %dma_wait3A_159 = arith.constant 0 : i32
        %dma_wait3A_160 = tpu.memref_slice %arg6[%multiple_of3A_152, %dma_wait3A_159] : memref<10016x128xf32, #tpu.memory_space<vmem_shared>> -> memref<624x128xf32, #tpu.memory_space<vmem_shared>>
        tpu.wait_dma2 semaphore(%run_scoped3A : memref<!tpu.dma_semaphore, #tpu.memory_space<semaphore_mem>>) src(%dma_wait3A_160 : memref<624x128xf32, #tpu.memory_space<vmem_shared>>) dst(%dma_wait3A_158 : memref<624x128xf32, #tpu.memory_space<hbm>>)
        tpu.yield
      }) : () -> ()
    } else {
    }
    %eq3A_144 = arith.constant 15 : i32
    %eq3A_145 = arith.cmpi eq, %arg1, %eq3A_144 : i32
    %convert_element_type3A_146 = arith.extui %eq3A_145 : i1 to i32
    %cond3A_147 = arith.constant 0 : i32
    %cond3A_148 = arith.cmpi ne, %convert_element_type3A_146, %cond3A_147 : i32
    scf.if %cond3A_148 {
      %add3A_150 = arith.constant 9360 : i32
      %add3A_151 = arith.addi %multiple_of3A_74, %add3A_150 : i32
      "tpu.region"() ({
        %run_scoped3A = tpu.sem_alloc : memref<!tpu.dma_semaphore, #tpu.memory_space<semaphore_mem>>
        %dma_start3A_152 = arith.constant 0 : i32
        %dma_start3A_153 = tpu.memref_slice %arg5[%add3A_151, %dma_start3A_152] : memref<40000x128xf32, #tpu.memory_space<hbm>> -> memref<640x128xf32, #tpu.memory_space<hbm>>
        %dma_start3A_154 = arith.constant 9360 : i32
        %dma_start3A_155 = arith.constant 0 : i32
        %dma_start3A_156 = tpu.memref_slice %arg6[%dma_start3A_154, %dma_start3A_155] : memref<10016x128xf32, #tpu.memory_space<vmem_shared>> -> memref<640x128xf32, #tpu.memory_space<vmem_shared>>
        tpu.enqueue_dma source(%dma_start3A_156 : memref<640x128xf32, #tpu.memory_space<vmem_shared>>) target(%dma_start3A_153 : memref<640x128xf32, #tpu.memory_space<hbm>>) target_semaphore(%run_scoped3A : memref<!tpu.dma_semaphore, #tpu.memory_space<semaphore_mem>>)
        %dma_wait3A = arith.constant 0 : i32
        %dma_wait3A_157 = tpu.memref_slice %arg5[%add3A_151, %dma_wait3A] : memref<40000x128xf32, #tpu.memory_space<hbm>> -> memref<640x128xf32, #tpu.memory_space<hbm>>
        %dma_wait3A_158 = arith.constant 9360 : i32
        %dma_wait3A_159 = arith.constant 0 : i32
        %dma_wait3A_160 = tpu.memref_slice %arg6[%dma_wait3A_158, %dma_wait3A_159] : memref<10016x128xf32, #tpu.memory_space<vmem_shared>> -> memref<640x128xf32, #tpu.memory_space<vmem_shared>>
        tpu.wait_dma2 semaphore(%run_scoped3A : memref<!tpu.dma_semaphore, #tpu.memory_space<semaphore_mem>>) src(%dma_wait3A_160 : memref<640x128xf32, #tpu.memory_space<vmem_shared>>) dst(%dma_wait3A_157 : memref<640x128xf32, #tpu.memory_space<hbm>>)
        tpu.yield
      }) : () -> ()
    } else {
    }
    %barrier3A_149 = arith.constant 0 : index
    tpu.barrier barrier_id(%barrier3A_149)
    return
  }
}

#map = affine_map<(d0, d1) -> (0, 0)>
module attributes {stable_mosaic.version = 14 : i64} {
  func.func @deg_kernel(%arg0: i32, %arg1: i32, %arg2: memref<1280x128xi32, #tpu.memory_space<hbm>>, %arg3: memref<2x10240xf32, #tpu.memory_space<hbm>>, %arg4: memref<10240xf32, #tpu.memory_space<vmem_shared>>, %arg5: memref<640xf32, #tpu.memory_space<vmem>>, %arg6: memref<128xf32, #tpu.memory_space<vmem>>, %arg7: memref<40x128xi32, #tpu.memory_space<vmem>>) attributes {dimension_semantics = [#tpu.dimension_semantics<core_parallel>, #tpu.dimension_semantics<subcore_parallel>], iteration_bounds = array<i64: 2, 16>, scalar_prefetch = 0 : i64, scratch_operands = 4 : i64, tpu.core_type = #tpu.core_type<sc_vector_subcore>, window_params = [{transform_indices = #map}, {transform_indices = #map}]} {
    %mul3A = arith.constant 2 : i32
    %mul3A_0 = arith.muli %arg1, %mul3A : i32
    %add3A = arith.addi %mul3A_0, %arg0 : i32
    %scan3A = arith.constant 0 : i32
    %scan3A_1 = arith.constant 0 : i32
    %scan3A_2 = arith.constant 40 : i32
    %scan3A_3 = arith.addi %scan3A_1, %scan3A_2 : i32
    %scan3A_4 = arith.constant 1 : i32
    %scan3A_5 = scf.for %scan3A_28 = %scan3A_1 to %scan3A_3 step %scan3A_4 iter_args(%scan3A_29 = %scan3A) -> (i32)  : i32 {
      %broadcast_in_dim3A = arith.constant 0.000000e+00 : f32
      %broadcast_in_dim3A_30 = vector.broadcast %broadcast_in_dim3A : f32 to vector<16xf32>
      %mul3A_31 = arith.constant 16 : i32
      %mul3A_32 = arith.muli %scan3A_28, %mul3A_31 : i32
      %swap3A = arith.index_cast %mul3A_32 : i32 to index
      %swap3A_33 = tpu.vector_load %arg5[%swap3A] {strides = array<i32>} : memref<640xf32, #tpu.memory_space<vmem>>, vector<16xf32>,
      %swap3A_34 = vector.shape_cast %swap3A_33 : vector<16xf32> to vector<16xf32>
      %swap3A_35 = vector.shape_cast %broadcast_in_dim3A_30 : vector<16xf32> to vector<16xf32>
      tpu.vector_store %arg5[%swap3A], %swap3A_35 {strides = array<i32>} : memref<640xf32, #tpu.memory_space<vmem>>, vector<16xf32>,
      %scan3A_36 = arith.constant 0 : i32
      scf.yield %scan3A_36 : i32
    }
    %scan3A_6 = arith.constant 40 : i32
    %scan3A_7 = arith.constant 0 : i32
    %scan3A_8 = arith.constant 0 : i32
    %scan3A_9 = arith.constant 8 : i32
    %scan3A_10 = arith.addi %scan3A_8, %scan3A_9 : i32
    %scan3A_11 = arith.constant 1 : i32
    %scan3A_12 = scf.for %scan3A_28 = %scan3A_8 to %scan3A_10 step %scan3A_11 iter_args(%scan3A_29 = %scan3A_7) -> (i32)  : i32 {
      %broadcast_in_dim3A = arith.constant 1.000000e+00 : f32
      %broadcast_in_dim3A_30 = vector.broadcast %broadcast_in_dim3A : f32 to vector<16xf32>
      %mul3A_31 = arith.constant 16 : i32
      %mul3A_32 = arith.muli %scan3A_28, %mul3A_31 : i32
      %swap3A = arith.index_cast %mul3A_32 : i32 to index
      %swap3A_33 = tpu.vector_load %arg6[%swap3A] {strides = array<i32>} : memref<128xf32, #tpu.memory_space<vmem>>, vector<16xf32>,
      %swap3A_34 = vector.shape_cast %swap3A_33 : vector<16xf32> to vector<16xf32>
      %swap3A_35 = vector.shape_cast %broadcast_in_dim3A_30 : vector<16xf32> to vector<16xf32>
      tpu.vector_store %arg6[%swap3A], %swap3A_35 {strides = array<i32>} : memref<128xf32, #tpu.memory_space<vmem>>, vector<16xf32>,
      %scan3A_36 = arith.constant 0 : i32
      scf.yield %scan3A_36 : i32
    }
    %scan3A_13 = arith.constant 8 : i32
    %mul3A_14 = arith.constant 640 : i32
    %mul3A_15 = arith.muli %arg1, %mul3A_14 : i32
    "tpu.region"() ({
      %run_scoped3A = tpu.sem_alloc : memref<!tpu.dma_semaphore, #tpu.memory_space<semaphore_mem>>
      %dma_start3A = tpu.memref_slice %arg4[%mul3A_15] : memref<10240xf32, #tpu.memory_space<vmem_shared>> -> memref<640xf32, #tpu.memory_space<vmem_shared>>
      %dma_start3A_28 = tpu.memref_slice %arg4[%mul3A_15] : memref<10240xf32, #tpu.memory_space<vmem_shared>> -> memref<640xf32, #tpu.memory_space<vmem_shared>>
      tpu.enqueue_dma source(%arg5 : memref<640xf32, #tpu.memory_space<vmem>>) target(%dma_start3A_28 : memref<640xf32, #tpu.memory_space<vmem_shared>>) target_semaphore(%run_scoped3A : memref<!tpu.dma_semaphore, #tpu.memory_space<semaphore_mem>>)
      %dma_wait3A = tpu.memref_slice %arg4[%mul3A_15] : memref<10240xf32, #tpu.memory_space<vmem_shared>> -> memref<640xf32, #tpu.memory_space<vmem_shared>>
      %dma_wait3A_29 = tpu.memref_slice %arg4[%mul3A_15] : memref<10240xf32, #tpu.memory_space<vmem_shared>> -> memref<640xf32, #tpu.memory_space<vmem_shared>>
      tpu.wait_dma2 semaphore(%run_scoped3A : memref<!tpu.dma_semaphore, #tpu.memory_space<semaphore_mem>>) src(%arg5 : memref<640xf32, #tpu.memory_space<vmem>>) dst(%dma_wait3A_29 : memref<640xf32, #tpu.memory_space<vmem_shared>>)
      tpu.yield
    }) : () -> ()
    %mul3A_16 = arith.constant 40 : i32
    %mul3A_17 = arith.muli %add3A, %mul3A_16 : i32
    "tpu.region"() ({
      %run_scoped3A = tpu.sem_alloc : memref<!tpu.dma_semaphore, #tpu.memory_space<semaphore_mem>>
      %dma_start3A = arith.constant 0 : i32
      %dma_start3A_28 = tpu.memref_slice %arg2[%mul3A_17, %dma_start3A] : memref<1280x128xi32, #tpu.memory_space<hbm>> -> memref<40x128xi32, #tpu.memory_space<hbm>>
      %dma_start3A_29 = arith.constant 0 : i32
      %dma_start3A_30 = tpu.memref_slice %arg2[%mul3A_17, %dma_start3A_29] : memref<1280x128xi32, #tpu.memory_space<hbm>> -> memref<40x128xi32, #tpu.memory_space<hbm>>
      tpu.enqueue_dma source(%dma_start3A_30 : memref<40x128xi32, #tpu.memory_space<hbm>>) target(%arg7 : memref<40x128xi32, #tpu.memory_space<vmem>>) target_semaphore(%run_scoped3A : memref<!tpu.dma_semaphore, #tpu.memory_space<semaphore_mem>>)
      %dma_wait3A = arith.constant 0 : i32
      %dma_wait3A_31 = tpu.memref_slice %arg2[%mul3A_17, %dma_wait3A] : memref<1280x128xi32, #tpu.memory_space<hbm>> -> memref<40x128xi32, #tpu.memory_space<hbm>>
      %dma_wait3A_32 = arith.constant 0 : i32
      %dma_wait3A_33 = tpu.memref_slice %arg2[%mul3A_17, %dma_wait3A_32] : memref<1280x128xi32, #tpu.memory_space<hbm>> -> memref<40x128xi32, #tpu.memory_space<hbm>>
      tpu.wait_dma2 semaphore(%run_scoped3A : memref<!tpu.dma_semaphore, #tpu.memory_space<semaphore_mem>>) src(%dma_wait3A_33 : memref<40x128xi32, #tpu.memory_space<hbm>>) dst(%arg7 : memref<40x128xi32, #tpu.memory_space<vmem>>)
      tpu.yield
    }) : () -> ()
    %barrier3A = arith.constant 0 : index
    tpu.barrier barrier_id(%barrier3A)
    %scan3A_18 = arith.constant 0 : i32
    %scan3A_19 = arith.constant 0 : i32
    %scan3A_20 = arith.constant 40 : i32
    %scan3A_21 = arith.addi %scan3A_19, %scan3A_20 : i32
    %scan3A_22 = arith.constant 1 : i32
    %scan3A_23 = scf.for %scan3A_28 = %scan3A_19 to %scan3A_21 step %scan3A_22 iter_args(%scan3A_29 = %scan3A_18) -> (i32)  : i32 {
      "tpu.region"() ({
        %run_scoped3A = tpu.sem_alloc : memref<!tpu.dma_semaphore, #tpu.memory_space<semaphore_mem>>
        %dma_start3A = arith.constant 0 : i32
        %dma_start3A_31 = tpu.memref_slice %arg7[%scan3A_28, %dma_start3A] : memref<40x128xi32, #tpu.memory_space<vmem>> -> memref<1x128xi32, #tpu.memory_space<vmem>>
        %dma_start3A_32 = tpu.memref_squeeze %dma_start3A_31 : memref<1x128xi32, #tpu.memory_space<vmem>> -> memref<128xi32, #tpu.memory_space<vmem>>
        %dma_start3A_33 = arith.constant 0 : i32
        %dma_start3A_34 = tpu.memref_slice %arg4[%dma_start3A_33] : memref<10240xf32, #tpu.memory_space<vmem_shared>> -> memref<10240xf32, #tpu.memory_space<vmem_shared>>
        tpu.enqueue_indirect_dma source(%arg6 : memref<128xf32, #tpu.memory_space<vmem>>) target(%dma_start3A_34 : memref<10240xf32, #tpu.memory_space<vmem_shared>>) offsets(%dma_start3A_32 : memref<128xi32, #tpu.memory_space<vmem>>) semaphore(%run_scoped3A : memref<!tpu.dma_semaphore, #tpu.memory_space<semaphore_mem>>) {add = true}
        %dma_wait3A = arith.constant 0 : i32
        %dma_wait3A_35 = tpu.memref_slice %arg7[%scan3A_28, %dma_wait3A] : memref<40x128xi32, #tpu.memory_space<vmem>> -> memref<1x128xi32, #tpu.memory_space<vmem>>
        %dma_wait3A_36 = tpu.memref_squeeze %dma_wait3A_35 : memref<1x128xi32, #tpu.memory_space<vmem>> -> memref<128xi32, #tpu.memory_space<vmem>>
        %dma_wait3A_37 = arith.constant 0 : i32
        %dma_wait3A_38 = tpu.memref_slice %arg4[%dma_wait3A_37] : memref<10240xf32, #tpu.memory_space<vmem_shared>> -> memref<10240xf32, #tpu.memory_space<vmem_shared>>
        tpu.wait_indirect_dma semaphore(%run_scoped3A : memref<!tpu.dma_semaphore, #tpu.memory_space<semaphore_mem>>) src(%arg6 : memref<128xf32, #tpu.memory_space<vmem>>) dst(%dma_wait3A_38 : memref<10240xf32, #tpu.memory_space<vmem_shared>>)
        tpu.yield
      }) : () -> ()
      %scan3A_30 = arith.constant 0 : i32
      scf.yield %scan3A_30 : i32
    }
    %scan3A_24 = arith.constant 40 : i32
    %barrier3A_25 = arith.constant 0 : index
    tpu.barrier barrier_id(%barrier3A_25)
    %eq3A = arith.constant 0 : i32
    %eq3A_26 = arith.cmpi eq, %arg1, %eq3A : i32
    %convert_element_type3A = arith.extui %eq3A_26 : i1 to i32
    %cond3A = arith.constant 0 : i32
    %cond3A_27 = arith.cmpi ne, %convert_element_type3A, %cond3A : i32
    scf.if %cond3A_27 {
      "tpu.region"() ({
        %run_scoped3A = tpu.sem_alloc : memref<!tpu.dma_semaphore, #tpu.memory_space<semaphore_mem>>
        %dma_start3A = arith.constant 0 : i32
        %dma_start3A_28 = tpu.memref_slice %arg3[%arg0, %dma_start3A] : memref<2x10240xf32, #tpu.memory_space<hbm>> -> memref<1x10240xf32, #tpu.memory_space<hbm>>
        %dma_start3A_29 = tpu.memref_squeeze %dma_start3A_28 : memref<1x10240xf32, #tpu.memory_space<hbm>> -> memref<10240xf32, #tpu.memory_space<hbm>>
        tpu.enqueue_dma source(%arg4 : memref<10240xf32, #tpu.memory_space<vmem_shared>>) target(%dma_start3A_29 : memref<10240xf32, #tpu.memory_space<hbm>>) target_semaphore(%run_scoped3A : memref<!tpu.dma_semaphore, #tpu.memory_space<semaphore_mem>>)
        %dma_wait3A = arith.constant 0 : i32
        %dma_wait3A_30 = tpu.memref_slice %arg3[%arg0, %dma_wait3A] : memref<2x10240xf32, #tpu.memory_space<hbm>> -> memref<1x10240xf32, #tpu.memory_space<hbm>>
        %dma_wait3A_31 = tpu.memref_squeeze %dma_wait3A_30 : memref<1x10240xf32, #tpu.memory_space<hbm>> -> memref<10240xf32, #tpu.memory_space<hbm>>
        tpu.wait_dma2 semaphore(%run_scoped3A : memref<!tpu.dma_semaphore, #tpu.memory_space<semaphore_mem>>) src(%arg4 : memref<10240xf32, #tpu.memory_space<vmem_shared>>) dst(%dma_wait3A_31 : memref<10240xf32, #tpu.memory_space<hbm>>)
        tpu.yield
      }) : () -> ()
    } else {
    }
    return
  }
}

#map = affine_map<(d0, d1) -> (0, 0)>
module attributes {stable_mosaic.version = 14 : i64} {
  func.func @agg_kernel(%arg0: i32, %arg1: i32, %arg2: memref<20000x128xf32, #tpu.memory_space<hbm>>, %arg3: memref<1280x128xi32, #tpu.memory_space<hbm>>, %arg4: memref<1280x128xi32, #tpu.memory_space<hbm>>, %arg5: memref<20000x128xf32, #tpu.memory_space<hbm>>, %arg6: memref<10016x128xf32, #tpu.memory_space<vmem_shared>>, %arg7: memref<40x128xi32, #tpu.memory_space<vmem>>, %arg8: memref<40x128xi32, #tpu.memory_space<vmem>>, %arg9: memref<128x128xf32, #tpu.memory_space<vmem>>, %arg10: memref<128x128xf32, #tpu.memory_space<vmem>>, %arg11: memref<!tpu.dma_semaphore, #tpu.memory_space<semaphore_mem>>, %arg12: memref<!tpu.dma_semaphore, #tpu.memory_space<semaphore_mem>>) attributes {dimension_semantics = [#tpu.dimension_semantics<core_parallel>, #tpu.dimension_semantics<subcore_parallel>], iteration_bounds = array<i64: 2, 16>, scalar_prefetch = 0 : i64, scratch_operands = 7 : i64, tpu.core_type = #tpu.core_type<sc_vector_subcore>, window_params = [{transform_indices = #map}, {transform_indices = #map}, {transform_indices = #map}, {transform_indices = #map}]} {
    %add3A = arith.constant 0 : i32
    %add3A_0 = arith.addi %add3A, %arg0 : i32
    %mul3A = arith.constant 10000 : i32
    %mul3A_1 = arith.muli %add3A_0, %mul3A : i32
    %multiple_of3A = tpu.assume_multiple %mul3A_1, 8 : i32
    %lt3A = arith.constant 15 : i32
    %lt3A_2 = arith.cmpi slt, %arg1, %lt3A : i32
    %convert_element_type3A = arith.extui %lt3A_2 : i1 to i32
    %cond3A = arith.constant 0 : i32
    %cond3A_3 = arith.cmpi ne, %convert_element_type3A, %cond3A : i32
    scf.if %cond3A_3 {
      %mul3A_70 = arith.constant 624 : i32
      %mul3A_71 = arith.muli %arg1, %mul3A_70 : i32
      %multiple_of3A_72 = tpu.assume_multiple %mul3A_71, 8 : i32
      %add3A_73 = arith.addi %multiple_of3A, %multiple_of3A_72 : i32
      "tpu.region"() ({
        %run_scoped3A = tpu.sem_alloc : memref<!tpu.dma_semaphore, #tpu.memory_space<semaphore_mem>>
        %dma_start3A_74 = arith.constant 0 : i32
        %dma_start3A_75 = tpu.memref_slice %arg6[%multiple_of3A_72, %dma_start3A_74] : memref<10016x128xf32, #tpu.memory_space<vmem_shared>> -> memref<624x128xf32, #tpu.memory_space<vmem_shared>>
        %dma_start3A_76 = arith.constant 0 : i32
        %dma_start3A_77 = tpu.memref_slice %arg2[%add3A_73, %dma_start3A_76] : memref<20000x128xf32, #tpu.memory_space<hbm>> -> memref<624x128xf32, #tpu.memory_space<hbm>>
        tpu.enqueue_dma source(%dma_start3A_77 : memref<624x128xf32, #tpu.memory_space<hbm>>) target(%dma_start3A_75 : memref<624x128xf32, #tpu.memory_space<vmem_shared>>) target_semaphore(%run_scoped3A : memref<!tpu.dma_semaphore, #tpu.memory_space<semaphore_mem>>)
        %dma_wait3A = arith.constant 0 : i32
        %dma_wait3A_78 = tpu.memref_slice %arg6[%multiple_of3A_72, %dma_wait3A] : memref<10016x128xf32, #tpu.memory_space<vmem_shared>> -> memref<624x128xf32, #tpu.memory_space<vmem_shared>>
        %dma_wait3A_79 = arith.constant 0 : i32
        %dma_wait3A_80 = tpu.memref_slice %arg2[%add3A_73, %dma_wait3A_79] : memref<20000x128xf32, #tpu.memory_space<hbm>> -> memref<624x128xf32, #tpu.memory_space<hbm>>
        tpu.wait_dma2 semaphore(%run_scoped3A : memref<!tpu.dma_semaphore, #tpu.memory_space<semaphore_mem>>) src(%dma_wait3A_80 : memref<624x128xf32, #tpu.memory_space<hbm>>) dst(%dma_wait3A_78 : memref<624x128xf32, #tpu.memory_space<vmem_shared>>)
        tpu.yield
      }) : () -> ()
    } else {
    }
    %eq3A = arith.constant 15 : i32
    %eq3A_4 = arith.cmpi eq, %arg1, %eq3A : i32
    %convert_element_type3A_5 = arith.extui %eq3A_4 : i1 to i32
    %cond3A_6 = arith.constant 0 : i32
    %cond3A_7 = arith.cmpi ne, %convert_element_type3A_5, %cond3A_6 : i32
    scf.if %cond3A_7 {
      %add3A_70 = arith.constant 9360 : i32
      %add3A_71 = arith.addi %multiple_of3A, %add3A_70 : i32
      "tpu.region"() ({
        %run_scoped3A = tpu.sem_alloc : memref<!tpu.dma_semaphore, #tpu.memory_space<semaphore_mem>>
        %dma_start3A_72 = arith.constant 9360 : i32
        %dma_start3A_73 = arith.constant 0 : i32
        %dma_start3A_74 = tpu.memref_slice %arg6[%dma_start3A_72, %dma_start3A_73] : memref<10016x128xf32, #tpu.memory_space<vmem_shared>> -> memref<640x128xf32, #tpu.memory_space<vmem_shared>>
        %dma_start3A_75 = arith.constant 0 : i32
        %dma_start3A_76 = tpu.memref_slice %arg2[%add3A_71, %dma_start3A_75] : memref<20000x128xf32, #tpu.memory_space<hbm>> -> memref<640x128xf32, #tpu.memory_space<hbm>>
        tpu.enqueue_dma source(%dma_start3A_76 : memref<640x128xf32, #tpu.memory_space<hbm>>) target(%dma_start3A_74 : memref<640x128xf32, #tpu.memory_space<vmem_shared>>) target_semaphore(%run_scoped3A : memref<!tpu.dma_semaphore, #tpu.memory_space<semaphore_mem>>)
        %dma_wait3A = arith.constant 9360 : i32
        %dma_wait3A_77 = arith.constant 0 : i32
        %dma_wait3A_78 = tpu.memref_slice %arg6[%dma_wait3A, %dma_wait3A_77] : memref<10016x128xf32, #tpu.memory_space<vmem_shared>> -> memref<640x128xf32, #tpu.memory_space<vmem_shared>>
        %dma_wait3A_79 = arith.constant 0 : i32
        %dma_wait3A_80 = tpu.memref_slice %arg2[%add3A_71, %dma_wait3A_79] : memref<20000x128xf32, #tpu.memory_space<hbm>> -> memref<640x128xf32, #tpu.memory_space<hbm>>
        tpu.wait_dma2 semaphore(%run_scoped3A : memref<!tpu.dma_semaphore, #tpu.memory_space<semaphore_mem>>) src(%dma_wait3A_80 : memref<640x128xf32, #tpu.memory_space<hbm>>) dst(%dma_wait3A_78 : memref<640x128xf32, #tpu.memory_space<vmem_shared>>)
        tpu.yield
      }) : () -> ()
    } else {
    }
    %barrier3A = arith.constant 0 : index
    tpu.barrier barrier_id(%barrier3A)
    %mul3A_8 = arith.constant 80 : i32
    %mul3A_9 = arith.muli %arg1, %mul3A_8 : i32
    %add3A_10 = arith.constant 0 : i32
    %add3A_11 = arith.addi %mul3A_9, %add3A_10 : i32
    %multiple_of3A_12 = tpu.assume_multiple %add3A_11, 8 : i32
    "tpu.region"() ({
      %run_scoped3A = tpu.sem_alloc : memref<!tpu.dma_semaphore, #tpu.memory_space<semaphore_mem>>
      %dma_start3A_70 = arith.constant 0 : i32
      %dma_start3A_71 = tpu.memref_slice %arg3[%multiple_of3A_12, %dma_start3A_70] : memref<1280x128xi32, #tpu.memory_space<hbm>> -> memref<40x128xi32, #tpu.memory_space<hbm>>
      %dma_start3A_72 = arith.constant 0 : i32
      %dma_start3A_73 = tpu.memref_slice %arg3[%multiple_of3A_12, %dma_start3A_72] : memref<1280x128xi32, #tpu.memory_space<hbm>> -> memref<40x128xi32, #tpu.memory_space<hbm>>
      tpu.enqueue_dma source(%dma_start3A_73 : memref<40x128xi32, #tpu.memory_space<hbm>>) target(%arg7 : memref<40x128xi32, #tpu.memory_space<vmem>>) target_semaphore(%run_scoped3A : memref<!tpu.dma_semaphore, #tpu.memory_space<semaphore_mem>>)
      %dma_wait3A = arith.constant 0 : i32
      %dma_wait3A_74 = tpu.memref_slice %arg3[%multiple_of3A_12, %dma_wait3A] : memref<1280x128xi32, #tpu.memory_space<hbm>> -> memref<40x128xi32, #tpu.memory_space<hbm>>
      %dma_wait3A_75 = arith.constant 0 : i32
      %dma_wait3A_76 = tpu.memref_slice %arg3[%multiple_of3A_12, %dma_wait3A_75] : memref<1280x128xi32, #tpu.memory_space<hbm>> -> memref<40x128xi32, #tpu.memory_space<hbm>>
      tpu.wait_dma2 semaphore(%run_scoped3A : memref<!tpu.dma_semaphore, #tpu.memory_space<semaphore_mem>>) src(%dma_wait3A_76 : memref<40x128xi32, #tpu.memory_space<hbm>>) dst(%arg7 : memref<40x128xi32, #tpu.memory_space<vmem>>)
      tpu.yield
    }) : () -> ()
    "tpu.region"() ({
      %run_scoped3A = tpu.sem_alloc : memref<!tpu.dma_semaphore, #tpu.memory_space<semaphore_mem>>
      %dma_start3A_70 = arith.constant 0 : i32
      %dma_start3A_71 = tpu.memref_slice %arg4[%multiple_of3A_12, %dma_start3A_70] : memref<1280x128xi32, #tpu.memory_space<hbm>> -> memref<40x128xi32, #tpu.memory_space<hbm>>
      %dma_start3A_72 = arith.constant 0 : i32
      %dma_start3A_73 = tpu.memref_slice %arg4[%multiple_of3A_12, %dma_start3A_72] : memref<1280x128xi32, #tpu.memory_space<hbm>> -> memref<40x128xi32, #tpu.memory_space<hbm>>
      tpu.enqueue_dma source(%dma_start3A_73 : memref<40x128xi32, #tpu.memory_space<hbm>>) target(%arg8 : memref<40x128xi32, #tpu.memory_space<vmem>>) target_semaphore(%run_scoped3A : memref<!tpu.dma_semaphore, #tpu.memory_space<semaphore_mem>>)
      %dma_wait3A = arith.constant 0 : i32
      %dma_wait3A_74 = tpu.memref_slice %arg4[%multiple_of3A_12, %dma_wait3A] : memref<1280x128xi32, #tpu.memory_space<hbm>> -> memref<40x128xi32, #tpu.memory_space<hbm>>
      %dma_wait3A_75 = arith.constant 0 : i32
      %dma_wait3A_76 = tpu.memref_slice %arg4[%multiple_of3A_12, %dma_wait3A_75] : memref<1280x128xi32, #tpu.memory_space<hbm>> -> memref<40x128xi32, #tpu.memory_space<hbm>>
      tpu.wait_dma2 semaphore(%run_scoped3A : memref<!tpu.dma_semaphore, #tpu.memory_space<semaphore_mem>>) src(%dma_wait3A_76 : memref<40x128xi32, #tpu.memory_space<hbm>>) dst(%arg8 : memref<40x128xi32, #tpu.memory_space<vmem>>)
      tpu.yield
    }) : () -> ()
    %scan3A = arith.constant 0 : i32
    %scan3A_13 = arith.constant 0 : i32
    %scan3A_14 = arith.constant 320 : i32
    %scan3A_15 = arith.addi %scan3A_13, %scan3A_14 : i32
    %scan3A_16 = arith.constant 1 : i32
    %scan3A_17 = scf.for %scan3A_70 = %scan3A_13 to %scan3A_15 step %scan3A_16 iter_args(%scan3A_71 = %scan3A) -> (i32)  : i32 {
      %jit3A = arith.constant 8 : i32
      %div3A = arith.divsi %scan3A_70, %jit3A : i32
      %sign3A = arith.constant 0 : i32
      %sign3A_72 = arith.cmpi sgt, %scan3A_70, %sign3A : i32
      %sign3A_73 = arith.extui %sign3A_72 : i1 to i32
      %sign3A_74 = arith.constant 0 : i32
      %sign3A_75 = arith.cmpi slt, %scan3A_70, %sign3A_74 : i32
      %sign3A_76 = arith.extui %sign3A_75 : i1 to i32
      %sign3A_77 = arith.subi %sign3A_73, %sign3A_76 : i32
      %sign3A_78 = arith.constant 0 : i32
      %sign3A_79 = arith.cmpi sgt, %jit3A, %sign3A_78 : i32
      %sign3A_80 = arith.extui %sign3A_79 : i1 to i32
      %sign3A_81 = arith.constant 0 : i32
      %sign3A_82 = arith.cmpi slt, %jit3A, %sign3A_81 : i32
      %sign3A_83 = arith.extui %sign3A_82 : i1 to i32
      %sign3A_84 = arith.subi %sign3A_80, %sign3A_83 : i32
      %ne3A = arith.cmpi ne, %sign3A_77, %sign3A_84 : i32
      %rem3A = arith.remsi %scan3A_70, %jit3A : i32
      %ne3A_85 = arith.constant 0 : i32
      %ne3A_86 = arith.cmpi ne, %rem3A, %ne3A_85 : i32
      %and3A = arith.andi %ne3A, %ne3A_86 : i1
      %sub3A = arith.constant 1 : i32
      %sub3A_87 = arith.subi %div3A, %sub3A : i32
      %select_n3A = arith.select %and3A, %sub3A_87, %div3A : i32
      %rem3A_88 = arith.constant 8 : i32
      %rem3A_89 = arith.remsi %scan3A_70, %rem3A_88 : i32
      %mul3A_90 = arith.constant 16 : i32
      %mul3A_91 = arith.muli %rem3A_89, %mul3A_90 : i32
      %get3A = arith.index_cast %select_n3A : i32 to index
      %get3A_92 = arith.index_cast %mul3A_91 : i32 to index
      %get3A_93 = tpu.vector_load %arg7[%get3A, %get3A_92] {strides = array<i32>} : memref<40x128xi32, #tpu.memory_space<vmem>>, vector<1x16xi32>,
      %get3A_94 = vector.shape_cast %get3A_93 : vector<1x16xi32> to vector<16xi32>
      %add3A_95 = vector.broadcast %multiple_of3A : i32 to vector<16xi32>
      %add3A_96 = arith.addi %get3A_94, %add3A_95 : vector<16xi32>
      %mul3A_97 = arith.constant 16 : i32
      %mul3A_98 = arith.muli %rem3A_89, %mul3A_97 : i32
      %swap3A = arith.index_cast %select_n3A : i32 to index
      %swap3A_99 = arith.index_cast %mul3A_98 : i32 to index
      %swap3A_100 = tpu.vector_load %arg7[%swap3A, %swap3A_99] {strides = array<i32>} : memref<40x128xi32, #tpu.memory_space<vmem>>, vector<1x16xi32>,
      %swap3A_101 = vector.shape_cast %swap3A_100 : vector<1x16xi32> to vector<16xi32>
      %swap3A_102 = vector.shape_cast %add3A_96 : vector<16xi32> to vector<1x16xi32>
      tpu.vector_store %arg7[%swap3A, %swap3A_99], %swap3A_102 {strides = array<i32>} : memref<40x128xi32, #tpu.memory_space<vmem>>, vector<1x16xi32>,
      %scan3A_103 = arith.constant 0 : i32
      scf.yield %scan3A_103 : i32
    }
    %scan3A_18 = arith.constant 320 : i32
    %dma_start3A = arith.constant 0 : i32
    %dma_start3A_19 = arith.constant 0 : i32
    %dma_start3A_20 = tpu.memref_slice %arg7[%dma_start3A, %dma_start3A_19] : memref<40x128xi32, #tpu.memory_space<vmem>> -> memref<1x128xi32, #tpu.memory_space<vmem>>
    %dma_start3A_21 = tpu.memref_squeeze %dma_start3A_20 : memref<1x128xi32, #tpu.memory_space<vmem>> -> memref<128xi32, #tpu.memory_space<vmem>>
    %dma_start3A_22 = arith.constant 0 : i32
    %dma_start3A_23 = arith.constant 0 : i32
    %dma_start3A_24 = tpu.memref_slice %arg2[%dma_start3A_22, %dma_start3A_23] : memref<20000x128xf32, #tpu.memory_space<hbm>> -> memref<20000x128xf32, #tpu.memory_space<hbm>>
    tpu.enqueue_indirect_dma source(%dma_start3A_24 : memref<20000x128xf32, #tpu.memory_space<hbm>>) target(%arg9 : memref<128x128xf32, #tpu.memory_space<vmem>>) offsets(%dma_start3A_21 : memref<128xi32, #tpu.memory_space<vmem>>) semaphore(%arg11 : memref<!tpu.dma_semaphore, #tpu.memory_space<semaphore_mem>>)
    %scan3A_25 = arith.constant 0 : i32
    %scan3A_26 = arith.constant 0 : i32
    %scan3A_27 = arith.constant 20 : i32
    %scan3A_28 = arith.addi %scan3A_26, %scan3A_27 : i32
    %scan3A_29 = arith.constant 1 : i32
    %scan3A_30 = scf.for %scan3A_70 = %scan3A_26 to %scan3A_28 step %scan3A_29 iter_args(%scan3A_71 = %scan3A_25) -> (i32)  : i32 {
      %mul3A_72 = arith.constant 2 : i32
      %mul3A_73 = arith.muli %scan3A_70, %mul3A_72 : i32
      %add3A_74 = arith.constant 1 : i32
      %add3A_75 = arith.addi %mul3A_73, %add3A_74 : i32
      %dma_start3A_76 = arith.constant 0 : i32
      %dma_start3A_77 = tpu.memref_slice %arg7[%add3A_75, %dma_start3A_76] : memref<40x128xi32, #tpu.memory_space<vmem>> -> memref<1x128xi32, #tpu.memory_space<vmem>>
      %dma_start3A_78 = tpu.memref_squeeze %dma_start3A_77 : memref<1x128xi32, #tpu.memory_space<vmem>> -> memref<128xi32, #tpu.memory_space<vmem>>
      %dma_start3A_79 = arith.constant 0 : i32
      %dma_start3A_80 = arith.constant 0 : i32
      %dma_start3A_81 = tpu.memref_slice %arg2[%dma_start3A_79, %dma_start3A_80] : memref<20000x128xf32, #tpu.memory_space<hbm>> -> memref<20000x128xf32, #tpu.memory_space<hbm>>
      tpu.enqueue_indirect_dma source(%dma_start3A_81 : memref<20000x128xf32, #tpu.memory_space<hbm>>) target(%arg10 : memref<128x128xf32, #tpu.memory_space<vmem>>) offsets(%dma_start3A_78 : memref<128xi32, #tpu.memory_space<vmem>>) semaphore(%arg12 : memref<!tpu.dma_semaphore, #tpu.memory_space<semaphore_mem>>)
      %dma_wait3A = arith.constant 0 : i32
      %dma_wait3A_82 = tpu.memref_slice %arg7[%mul3A_73, %dma_wait3A] : memref<40x128xi32, #tpu.memory_space<vmem>> -> memref<1x128xi32, #tpu.memory_space<vmem>>
      %dma_wait3A_83 = tpu.memref_squeeze %dma_wait3A_82 : memref<1x128xi32, #tpu.memory_space<vmem>> -> memref<128xi32, #tpu.memory_space<vmem>>
      %dma_wait3A_84 = arith.constant 0 : i32
      %dma_wait3A_85 = arith.constant 0 : i32
      %dma_wait3A_86 = tpu.memref_slice %arg2[%dma_wait3A_84, %dma_wait3A_85] : memref<20000x128xf32, #tpu.memory_space<hbm>> -> memref<20000x128xf32, #tpu.memory_space<hbm>>
      tpu.wait_indirect_dma semaphore(%arg11 : memref<!tpu.dma_semaphore, #tpu.memory_space<semaphore_mem>>) src(%dma_wait3A_86 : memref<20000x128xf32, #tpu.memory_space<hbm>>) dst(%arg9 : memref<128x128xf32, #tpu.memory_space<vmem>>)
      "tpu.region"() ({
        %run_scoped3A = tpu.sem_alloc : memref<!tpu.dma_semaphore, #tpu.memory_space<semaphore_mem>>
        %dma_start3A_105 = arith.constant 0 : i32
        %dma_start3A_106 = tpu.memref_slice %arg8[%mul3A_73, %dma_start3A_105] : memref<40x128xi32, #tpu.memory_space<vmem>> -> memref<1x128xi32, #tpu.memory_space<vmem>>
        %dma_start3A_107 = tpu.memref_squeeze %dma_start3A_106 : memref<1x128xi32, #tpu.memory_space<vmem>> -> memref<128xi32, #tpu.memory_space<vmem>>
        %dma_start3A_108 = arith.constant 0 : i32
        %dma_start3A_109 = arith.constant 0 : i32
        %dma_start3A_110 = tpu.memref_slice %arg6[%dma_start3A_108, %dma_start3A_109] : memref<10016x128xf32, #tpu.memory_space<vmem_shared>> -> memref<10016x128xf32, #tpu.memory_space<vmem_shared>>
        tpu.enqueue_indirect_dma source(%arg9 : memref<128x128xf32, #tpu.memory_space<vmem>>) target(%dma_start3A_110 : memref<10016x128xf32, #tpu.memory_space<vmem_shared>>) offsets(%dma_start3A_107 : memref<128xi32, #tpu.memory_space<vmem>>) semaphore(%run_scoped3A : memref<!tpu.dma_semaphore, #tpu.memory_space<semaphore_mem>>) {add = true}
        %dma_wait3A_111 = arith.constant 0 : i32
        %dma_wait3A_112 = tpu.memref_slice %arg8[%mul3A_73, %dma_wait3A_111] : memref<40x128xi32, #tpu.memory_space<vmem>> -> memref<1x128xi32, #tpu.memory_space<vmem>>
        %dma_wait3A_113 = tpu.memref_squeeze %dma_wait3A_112 : memref<1x128xi32, #tpu.memory_space<vmem>> -> memref<128xi32, #tpu.memory_space<vmem>>
        %dma_wait3A_114 = arith.constant 0 : i32
        %dma_wait3A_115 = arith.constant 0 : i32
        %dma_wait3A_116 = tpu.memref_slice %arg6[%dma_wait3A_114, %dma_wait3A_115] : memref<10016x128xf32, #tpu.memory_space<vmem_shared>> -> memref<10016x128xf32, #tpu.memory_space<vmem_shared>>
        tpu.wait_indirect_dma semaphore(%run_scoped3A : memref<!tpu.dma_semaphore, #tpu.memory_space<semaphore_mem>>) src(%arg9 : memref<128x128xf32, #tpu.memory_space<vmem>>) dst(%dma_wait3A_116 : memref<10016x128xf32, #tpu.memory_space<vmem_shared>>)
        tpu.yield
      }) : () -> ()
      %add3A_87 = arith.constant 1 : i32
      %add3A_88 = arith.addi %scan3A_70, %add3A_87 : i32
      %lt3A_89 = arith.constant 20 : i32
      %lt3A_90 = arith.cmpi slt, %add3A_88, %lt3A_89 : i32
      %convert_element_type3A_91 = arith.extui %lt3A_90 : i1 to i32
      %cond3A_92 = arith.constant 0 : i32
      %cond3A_93 = arith.cmpi ne, %convert_element_type3A_91, %cond3A_92 : i32
      scf.if %cond3A_93 {
        %add3A_105 = arith.constant 2 : i32
        %add3A_106 = arith.addi %mul3A_73, %add3A_105 : i32
        %dma_start3A_107 = arith.constant 0 : i32
        %dma_start3A_108 = tpu.memref_slice %arg7[%add3A_106, %dma_start3A_107] : memref<40x128xi32, #tpu.memory_space<vmem>> -> memref<1x128xi32, #tpu.memory_space<vmem>>
        %dma_start3A_109 = tpu.memref_squeeze %dma_start3A_108 : memref<1x128xi32, #tpu.memory_space<vmem>> -> memref<128xi32, #tpu.memory_space<vmem>>
        %dma_start3A_110 = arith.constant 0 : i32
        %dma_start3A_111 = arith.constant 0 : i32
        %dma_start3A_112 = tpu.memref_slice %arg2[%dma_start3A_110, %dma_start3A_111] : memref<20000x128xf32, #tpu.memory_space<hbm>> -> memref<20000x128xf32, #tpu.memory_space<hbm>>
        tpu.enqueue_indirect_dma source(%dma_start3A_112 : memref<20000x128xf32, #tpu.memory_space<hbm>>) target(%arg9 : memref<128x128xf32, #tpu.memory_space<vmem>>) offsets(%dma_start3A_109 : memref<128xi32, #tpu.memory_space<vmem>>) semaphore(%arg11 : memref<!tpu.dma_semaphore, #tpu.memory_space<semaphore_mem>>)
      } else {
      }
      %add3A_94 = arith.constant 1 : i32
      %add3A_95 = arith.addi %mul3A_73, %add3A_94 : i32
      %dma_wait3A_96 = arith.constant 0 : i32
      %dma_wait3A_97 = tpu.memref_slice %arg7[%add3A_95, %dma_wait3A_96] : memref<40x128xi32, #tpu.memory_space<vmem>> -> memref<1x128xi32, #tpu.memory_space<vmem>>
      %dma_wait3A_98 = tpu.memref_squeeze %dma_wait3A_97 : memref<1x128xi32, #tpu.memory_space<vmem>> -> memref<128xi32, #tpu.memory_space<vmem>>
      %dma_wait3A_99 = arith.constant 0 : i32
      %dma_wait3A_100 = arith.constant 0 : i32
      %dma_wait3A_101 = tpu.memref_slice %arg2[%dma_wait3A_99, %dma_wait3A_100] : memref<20000x128xf32, #tpu.memory_space<hbm>> -> memref<20000x128xf32, #tpu.memory_space<hbm>>
      tpu.wait_indirect_dma semaphore(%arg12 : memref<!tpu.dma_semaphore, #tpu.memory_space<semaphore_mem>>) src(%dma_wait3A_101 : memref<20000x128xf32, #tpu.memory_space<hbm>>) dst(%arg10 : memref<128x128xf32, #tpu.memory_space<vmem>>)
      %add3A_102 = arith.constant 1 : i32
      %add3A_103 = arith.addi %mul3A_73, %add3A_102 : i32
      "tpu.region"() ({
        %run_scoped3A = tpu.sem_alloc : memref<!tpu.dma_semaphore, #tpu.memory_space<semaphore_mem>>
        %dma_start3A_105 = arith.constant 0 : i32
        %dma_start3A_106 = tpu.memref_slice %arg8[%add3A_103, %dma_start3A_105] : memref<40x128xi32, #tpu.memory_space<vmem>> -> memref<1x128xi32, #tpu.memory_space<vmem>>
        %dma_start3A_107 = tpu.memref_squeeze %dma_start3A_106 : memref<1x128xi32, #tpu.memory_space<vmem>> -> memref<128xi32, #tpu.memory_space<vmem>>
        %dma_start3A_108 = arith.constant 0 : i32
        %dma_start3A_109 = arith.constant 0 : i32
        %dma_start3A_110 = tpu.memref_slice %arg6[%dma_start3A_108, %dma_start3A_109] : memref<10016x128xf32, #tpu.memory_space<vmem_shared>> -> memref<10016x128xf32, #tpu.memory_space<vmem_shared>>
        tpu.enqueue_indirect_dma source(%arg10 : memref<128x128xf32, #tpu.memory_space<vmem>>) target(%dma_start3A_110 : memref<10016x128xf32, #tpu.memory_space<vmem_shared>>) offsets(%dma_start3A_107 : memref<128xi32, #tpu.memory_space<vmem>>) semaphore(%run_scoped3A : memref<!tpu.dma_semaphore, #tpu.memory_space<semaphore_mem>>) {add = true}
        %dma_wait3A_111 = arith.constant 0 : i32
        %dma_wait3A_112 = tpu.memref_slice %arg8[%add3A_103, %dma_wait3A_111] : memref<40x128xi32, #tpu.memory_space<vmem>> -> memref<1x128xi32, #tpu.memory_space<vmem>>
        %dma_wait3A_113 = tpu.memref_squeeze %dma_wait3A_112 : memref<1x128xi32, #tpu.memory_space<vmem>> -> memref<128xi32, #tpu.memory_space<vmem>>
        %dma_wait3A_114 = arith.constant 0 : i32
        %dma_wait3A_115 = arith.constant 0 : i32
        %dma_wait3A_116 = tpu.memref_slice %arg6[%dma_wait3A_114, %dma_wait3A_115] : memref<10016x128xf32, #tpu.memory_space<vmem_shared>> -> memref<10016x128xf32, #tpu.memory_space<vmem_shared>>
        tpu.wait_indirect_dma semaphore(%run_scoped3A : memref<!tpu.dma_semaphore, #tpu.memory_space<semaphore_mem>>) src(%arg10 : memref<128x128xf32, #tpu.memory_space<vmem>>) dst(%dma_wait3A_116 : memref<10016x128xf32, #tpu.memory_space<vmem_shared>>)
        tpu.yield
      }) : () -> ()
      %scan3A_104 = arith.constant 0 : i32
      scf.yield %scan3A_104 : i32
    }
    %scan3A_31 = arith.constant 20 : i32
    %mul3A_32 = arith.constant 80 : i32
    %mul3A_33 = arith.muli %arg1, %mul3A_32 : i32
    %add3A_34 = arith.constant 40 : i32
    %add3A_35 = arith.addi %mul3A_33, %add3A_34 : i32
    %multiple_of3A_36 = tpu.assume_multiple %add3A_35, 8 : i32
    "tpu.region"() ({
      %run_scoped3A = tpu.sem_alloc : memref<!tpu.dma_semaphore, #tpu.memory_space<semaphore_mem>>
      %dma_start3A_70 = arith.constant 0 : i32
      %dma_start3A_71 = tpu.memref_slice %arg3[%multiple_of3A_36, %dma_start3A_70] : memref<1280x128xi32, #tpu.memory_space<hbm>> -> memref<40x128xi32, #tpu.memory_space<hbm>>
      %dma_start3A_72 = arith.constant 0 : i32
      %dma_start3A_73 = tpu.memref_slice %arg3[%multiple_of3A_36, %dma_start3A_72] : memref<1280x128xi32, #tpu.memory_space<hbm>> -> memref<40x128xi32, #tpu.memory_space<hbm>>
      tpu.enqueue_dma source(%dma_start3A_73 : memref<40x128xi32, #tpu.memory_space<hbm>>) target(%arg7 : memref<40x128xi32, #tpu.memory_space<vmem>>) target_semaphore(%run_scoped3A : memref<!tpu.dma_semaphore, #tpu.memory_space<semaphore_mem>>)
      %dma_wait3A = arith.constant 0 : i32
      %dma_wait3A_74 = tpu.memref_slice %arg3[%multiple_of3A_36, %dma_wait3A] : memref<1280x128xi32, #tpu.memory_space<hbm>> -> memref<40x128xi32, #tpu.memory_space<hbm>>
      %dma_wait3A_75 = arith.constant 0 : i32
      %dma_wait3A_76 = tpu.memref_slice %arg3[%multiple_of3A_36, %dma_wait3A_75] : memref<1280x128xi32, #tpu.memory_space<hbm>> -> memref<40x128xi32, #tpu.memory_space<hbm>>
      tpu.wait_dma2 semaphore(%run_scoped3A : memref<!tpu.dma_semaphore, #tpu.memory_space<semaphore_mem>>) src(%dma_wait3A_76 : memref<40x128xi32, #tpu.memory_space<hbm>>) dst(%arg7 : memref<40x128xi32, #tpu.memory_space<vmem>>)
      tpu.yield
    }) : () -> ()
    "tpu.region"() ({
      %run_scoped3A = tpu.sem_alloc : memref<!tpu.dma_semaphore, #tpu.memory_space<semaphore_mem>>
      %dma_start3A_70 = arith.constant 0 : i32
      %dma_start3A_71 = tpu.memref_slice %arg4[%multiple_of3A_36, %dma_start3A_70] : memref<1280x128xi32, #tpu.memory_space<hbm>> -> memref<40x128xi32, #tpu.memory_space<hbm>>
      %dma_start3A_72 = arith.constant 0 : i32
      %dma_start3A_73 = tpu.memref_slice %arg4[%multiple_of3A_36, %dma_start3A_72] : memref<1280x128xi32, #tpu.memory_space<hbm>> -> memref<40x128xi32, #tpu.memory_space<hbm>>
      tpu.enqueue_dma source(%dma_start3A_73 : memref<40x128xi32, #tpu.memory_space<hbm>>) target(%arg8 : memref<40x128xi32, #tpu.memory_space<vmem>>) target_semaphore(%run_scoped3A : memref<!tpu.dma_semaphore, #tpu.memory_space<semaphore_mem>>)
      %dma_wait3A = arith.constant 0 : i32
      %dma_wait3A_74 = tpu.memref_slice %arg4[%multiple_of3A_36, %dma_wait3A] : memref<1280x128xi32, #tpu.memory_space<hbm>> -> memref<40x128xi32, #tpu.memory_space<hbm>>
      %dma_wait3A_75 = arith.constant 0 : i32
      %dma_wait3A_76 = tpu.memref_slice %arg4[%multiple_of3A_36, %dma_wait3A_75] : memref<1280x128xi32, #tpu.memory_space<hbm>> -> memref<40x128xi32, #tpu.memory_space<hbm>>
      tpu.wait_dma2 semaphore(%run_scoped3A : memref<!tpu.dma_semaphore, #tpu.memory_space<semaphore_mem>>) src(%dma_wait3A_76 : memref<40x128xi32, #tpu.memory_space<hbm>>) dst(%arg8 : memref<40x128xi32, #tpu.memory_space<vmem>>)
      tpu.yield
    }) : () -> ()
    %scan3A_37 = arith.constant 0 : i32
    %scan3A_38 = arith.constant 0 : i32
    %scan3A_39 = arith.constant 320 : i32
    %scan3A_40 = arith.addi %scan3A_38, %scan3A_39 : i32
    %scan3A_41 = arith.constant 1 : i32
    %scan3A_42 = scf.for %scan3A_70 = %scan3A_38 to %scan3A_40 step %scan3A_41 iter_args(%scan3A_71 = %scan3A_37) -> (i32)  : i32 {
      %jit3A = arith.constant 8 : i32
      %div3A = arith.divsi %scan3A_70, %jit3A : i32
      %sign3A = arith.constant 0 : i32
      %sign3A_72 = arith.cmpi sgt, %scan3A_70, %sign3A : i32
      %sign3A_73 = arith.extui %sign3A_72 : i1 to i32
      %sign3A_74 = arith.constant 0 : i32
      %sign3A_75 = arith.cmpi slt, %scan3A_70, %sign3A_74 : i32
      %sign3A_76 = arith.extui %sign3A_75 : i1 to i32
      %sign3A_77 = arith.subi %sign3A_73, %sign3A_76 : i32
      %sign3A_78 = arith.constant 0 : i32
      %sign3A_79 = arith.cmpi sgt, %jit3A, %sign3A_78 : i32
      %sign3A_80 = arith.extui %sign3A_79 : i1 to i32
      %sign3A_81 = arith.constant 0 : i32
      %sign3A_82 = arith.cmpi slt, %jit3A, %sign3A_81 : i32
      %sign3A_83 = arith.extui %sign3A_82 : i1 to i32
      %sign3A_84 = arith.subi %sign3A_80, %sign3A_83 : i32
      %ne3A = arith.cmpi ne, %sign3A_77, %sign3A_84 : i32
      %rem3A = arith.remsi %scan3A_70, %jit3A : i32
      %ne3A_85 = arith.constant 0 : i32
      %ne3A_86 = arith.cmpi ne, %rem3A, %ne3A_85 : i32
      %and3A = arith.andi %ne3A, %ne3A_86 : i1
      %sub3A = arith.constant 1 : i32
      %sub3A_87 = arith.subi %div3A, %sub3A : i32
      %select_n3A = arith.select %and3A, %sub3A_87, %div3A : i32
      %rem3A_88 = arith.constant 8 : i32
      %rem3A_89 = arith.remsi %scan3A_70, %rem3A_88 : i32
      %mul3A_90 = arith.constant 16 : i32
      %mul3A_91 = arith.muli %rem3A_89, %mul3A_90 : i32
      %get3A = arith.index_cast %select_n3A : i32 to index
      %get3A_92 = arith.index_cast %mul3A_91 : i32 to index
      %get3A_93 = tpu.vector_load %arg7[%get3A, %get3A_92] {strides = array<i32>} : memref<40x128xi32, #tpu.memory_space<vmem>>, vector<1x16xi32>,
      %get3A_94 = vector.shape_cast %get3A_93 : vector<1x16xi32> to vector<16xi32>
      %add3A_95 = vector.broadcast %multiple_of3A : i32 to vector<16xi32>
      %add3A_96 = arith.addi %get3A_94, %add3A_95 : vector<16xi32>
      %mul3A_97 = arith.constant 16 : i32
      %mul3A_98 = arith.muli %rem3A_89, %mul3A_97 : i32
      %swap3A = arith.index_cast %select_n3A : i32 to index
      %swap3A_99 = arith.index_cast %mul3A_98 : i32 to index
      %swap3A_100 = tpu.vector_load %arg7[%swap3A, %swap3A_99] {strides = array<i32>} : memref<40x128xi32, #tpu.memory_space<vmem>>, vector<1x16xi32>,
      %swap3A_101 = vector.shape_cast %swap3A_100 : vector<1x16xi32> to vector<16xi32>
      %swap3A_102 = vector.shape_cast %add3A_96 : vector<16xi32> to vector<1x16xi32>
      tpu.vector_store %arg7[%swap3A, %swap3A_99], %swap3A_102 {strides = array<i32>} : memref<40x128xi32, #tpu.memory_space<vmem>>, vector<1x16xi32>,
      %scan3A_103 = arith.constant 0 : i32
      scf.yield %scan3A_103 : i32
    }
    %scan3A_43 = arith.constant 320 : i32
    %dma_start3A_44 = arith.constant 0 : i32
    %dma_start3A_45 = arith.constant 0 : i32
    %dma_start3A_46 = tpu.memref_slice %arg7[%dma_start3A_44, %dma_start3A_45] : memref<40x128xi32, #tpu.memory_space<vmem>> -> memref<1x128xi32, #tpu.memory_space<vmem>>
    %dma_start3A_47 = tpu.memref_squeeze %dma_start3A_46 : memref<1x128xi32, #tpu.memory_space<vmem>> -> memref<128xi32, #tpu.memory_space<vmem>>
    %dma_start3A_48 = arith.constant 0 : i32
    %dma_start3A_49 = arith.constant 0 : i32
    %dma_start3A_50 = tpu.memref_slice %arg2[%dma_start3A_48, %dma_start3A_49] : memref<20000x128xf32, #tpu.memory_space<hbm>> -> memref<20000x128xf32, #tpu.memory_space<hbm>>
    tpu.enqueue_indirect_dma source(%dma_start3A_50 : memref<20000x128xf32, #tpu.memory_space<hbm>>) target(%arg9 : memref<128x128xf32, #tpu.memory_space<vmem>>) offsets(%dma_start3A_47 : memref<128xi32, #tpu.memory_space<vmem>>) semaphore(%arg11 : memref<!tpu.dma_semaphore, #tpu.memory_space<semaphore_mem>>)
    %scan3A_51 = arith.constant 0 : i32
    %scan3A_52 = arith.constant 0 : i32
    %scan3A_53 = arith.constant 20 : i32
    %scan3A_54 = arith.addi %scan3A_52, %scan3A_53 : i32
    %scan3A_55 = arith.constant 1 : i32
    %scan3A_56 = scf.for %scan3A_70 = %scan3A_52 to %scan3A_54 step %scan3A_55 iter_args(%scan3A_71 = %scan3A_51) -> (i32)  : i32 {
      %mul3A_72 = arith.constant 2 : i32
      %mul3A_73 = arith.muli %scan3A_70, %mul3A_72 : i32
      %add3A_74 = arith.constant 1 : i32
      %add3A_75 = arith.addi %mul3A_73, %add3A_74 : i32
      %dma_start3A_76 = arith.constant 0 : i32
      %dma_start3A_77 = tpu.memref_slice %arg7[%add3A_75, %dma_start3A_76] : memref<40x128xi32, #tpu.memory_space<vmem>> -> memref<1x128xi32, #tpu.memory_space<vmem>>
      %dma_start3A_78 = tpu.memref_squeeze %dma_start3A_77 : memref<1x128xi32, #tpu.memory_space<vmem>> -> memref<128xi32, #tpu.memory_space<vmem>>
      %dma_start3A_79 = arith.constant 0 : i32
      %dma_start3A_80 = arith.constant 0 : i32
      %dma_start3A_81 = tpu.memref_slice %arg2[%dma_start3A_79, %dma_start3A_80] : memref<20000x128xf32, #tpu.memory_space<hbm>> -> memref<20000x128xf32, #tpu.memory_space<hbm>>
      tpu.enqueue_indirect_dma source(%dma_start3A_81 : memref<20000x128xf32, #tpu.memory_space<hbm>>) target(%arg10 : memref<128x128xf32, #tpu.memory_space<vmem>>) offsets(%dma_start3A_78 : memref<128xi32, #tpu.memory_space<vmem>>) semaphore(%arg12 : memref<!tpu.dma_semaphore, #tpu.memory_space<semaphore_mem>>)
      %dma_wait3A = arith.constant 0 : i32
      %dma_wait3A_82 = tpu.memref_slice %arg7[%mul3A_73, %dma_wait3A] : memref<40x128xi32, #tpu.memory_space<vmem>> -> memref<1x128xi32, #tpu.memory_space<vmem>>
      %dma_wait3A_83 = tpu.memref_squeeze %dma_wait3A_82 : memref<1x128xi32, #tpu.memory_space<vmem>> -> memref<128xi32, #tpu.memory_space<vmem>>
      %dma_wait3A_84 = arith.constant 0 : i32
      %dma_wait3A_85 = arith.constant 0 : i32
      %dma_wait3A_86 = tpu.memref_slice %arg2[%dma_wait3A_84, %dma_wait3A_85] : memref<20000x128xf32, #tpu.memory_space<hbm>> -> memref<20000x128xf32, #tpu.memory_space<hbm>>
      tpu.wait_indirect_dma semaphore(%arg11 : memref<!tpu.dma_semaphore, #tpu.memory_space<semaphore_mem>>) src(%dma_wait3A_86 : memref<20000x128xf32, #tpu.memory_space<hbm>>) dst(%arg9 : memref<128x128xf32, #tpu.memory_space<vmem>>)
      "tpu.region"() ({
        %run_scoped3A = tpu.sem_alloc : memref<!tpu.dma_semaphore, #tpu.memory_space<semaphore_mem>>
        %dma_start3A_105 = arith.constant 0 : i32
        %dma_start3A_106 = tpu.memref_slice %arg8[%mul3A_73, %dma_start3A_105] : memref<40x128xi32, #tpu.memory_space<vmem>> -> memref<1x128xi32, #tpu.memory_space<vmem>>
        %dma_start3A_107 = tpu.memref_squeeze %dma_start3A_106 : memref<1x128xi32, #tpu.memory_space<vmem>> -> memref<128xi32, #tpu.memory_space<vmem>>
        %dma_start3A_108 = arith.constant 0 : i32
        %dma_start3A_109 = arith.constant 0 : i32
        %dma_start3A_110 = tpu.memref_slice %arg6[%dma_start3A_108, %dma_start3A_109] : memref<10016x128xf32, #tpu.memory_space<vmem_shared>> -> memref<10016x128xf32, #tpu.memory_space<vmem_shared>>
        tpu.enqueue_indirect_dma source(%arg9 : memref<128x128xf32, #tpu.memory_space<vmem>>) target(%dma_start3A_110 : memref<10016x128xf32, #tpu.memory_space<vmem_shared>>) offsets(%dma_start3A_107 : memref<128xi32, #tpu.memory_space<vmem>>) semaphore(%run_scoped3A : memref<!tpu.dma_semaphore, #tpu.memory_space<semaphore_mem>>) {add = true}
        %dma_wait3A_111 = arith.constant 0 : i32
        %dma_wait3A_112 = tpu.memref_slice %arg8[%mul3A_73, %dma_wait3A_111] : memref<40x128xi32, #tpu.memory_space<vmem>> -> memref<1x128xi32, #tpu.memory_space<vmem>>
        %dma_wait3A_113 = tpu.memref_squeeze %dma_wait3A_112 : memref<1x128xi32, #tpu.memory_space<vmem>> -> memref<128xi32, #tpu.memory_space<vmem>>
        %dma_wait3A_114 = arith.constant 0 : i32
        %dma_wait3A_115 = arith.constant 0 : i32
        %dma_wait3A_116 = tpu.memref_slice %arg6[%dma_wait3A_114, %dma_wait3A_115] : memref<10016x128xf32, #tpu.memory_space<vmem_shared>> -> memref<10016x128xf32, #tpu.memory_space<vmem_shared>>
        tpu.wait_indirect_dma semaphore(%run_scoped3A : memref<!tpu.dma_semaphore, #tpu.memory_space<semaphore_mem>>) src(%arg9 : memref<128x128xf32, #tpu.memory_space<vmem>>) dst(%dma_wait3A_116 : memref<10016x128xf32, #tpu.memory_space<vmem_shared>>)
        tpu.yield
      }) : () -> ()
      %add3A_87 = arith.constant 1 : i32
      %add3A_88 = arith.addi %scan3A_70, %add3A_87 : i32
      %lt3A_89 = arith.constant 20 : i32
      %lt3A_90 = arith.cmpi slt, %add3A_88, %lt3A_89 : i32
      %convert_element_type3A_91 = arith.extui %lt3A_90 : i1 to i32
      %cond3A_92 = arith.constant 0 : i32
      %cond3A_93 = arith.cmpi ne, %convert_element_type3A_91, %cond3A_92 : i32
      scf.if %cond3A_93 {
        %add3A_105 = arith.constant 2 : i32
        %add3A_106 = arith.addi %mul3A_73, %add3A_105 : i32
        %dma_start3A_107 = arith.constant 0 : i32
        %dma_start3A_108 = tpu.memref_slice %arg7[%add3A_106, %dma_start3A_107] : memref<40x128xi32, #tpu.memory_space<vmem>> -> memref<1x128xi32, #tpu.memory_space<vmem>>
        %dma_start3A_109 = tpu.memref_squeeze %dma_start3A_108 : memref<1x128xi32, #tpu.memory_space<vmem>> -> memref<128xi32, #tpu.memory_space<vmem>>
        %dma_start3A_110 = arith.constant 0 : i32
        %dma_start3A_111 = arith.constant 0 : i32
        %dma_start3A_112 = tpu.memref_slice %arg2[%dma_start3A_110, %dma_start3A_111] : memref<20000x128xf32, #tpu.memory_space<hbm>> -> memref<20000x128xf32, #tpu.memory_space<hbm>>
        tpu.enqueue_indirect_dma source(%dma_start3A_112 : memref<20000x128xf32, #tpu.memory_space<hbm>>) target(%arg9 : memref<128x128xf32, #tpu.memory_space<vmem>>) offsets(%dma_start3A_109 : memref<128xi32, #tpu.memory_space<vmem>>) semaphore(%arg11 : memref<!tpu.dma_semaphore, #tpu.memory_space<semaphore_mem>>)
      } else {
      }
      %add3A_94 = arith.constant 1 : i32
      %add3A_95 = arith.addi %mul3A_73, %add3A_94 : i32
      %dma_wait3A_96 = arith.constant 0 : i32
      %dma_wait3A_97 = tpu.memref_slice %arg7[%add3A_95, %dma_wait3A_96] : memref<40x128xi32, #tpu.memory_space<vmem>> -> memref<1x128xi32, #tpu.memory_space<vmem>>
      %dma_wait3A_98 = tpu.memref_squeeze %dma_wait3A_97 : memref<1x128xi32, #tpu.memory_space<vmem>> -> memref<128xi32, #tpu.memory_space<vmem>>
      %dma_wait3A_99 = arith.constant 0 : i32
      %dma_wait3A_100 = arith.constant 0 : i32
      %dma_wait3A_101 = tpu.memref_slice %arg2[%dma_wait3A_99, %dma_wait3A_100] : memref<20000x128xf32, #tpu.memory_space<hbm>> -> memref<20000x128xf32, #tpu.memory_space<hbm>>
      tpu.wait_indirect_dma semaphore(%arg12 : memref<!tpu.dma_semaphore, #tpu.memory_space<semaphore_mem>>) src(%dma_wait3A_101 : memref<20000x128xf32, #tpu.memory_space<hbm>>) dst(%arg10 : memref<128x128xf32, #tpu.memory_space<vmem>>)
      %add3A_102 = arith.constant 1 : i32
      %add3A_103 = arith.addi %mul3A_73, %add3A_102 : i32
      "tpu.region"() ({
        %run_scoped3A = tpu.sem_alloc : memref<!tpu.dma_semaphore, #tpu.memory_space<semaphore_mem>>
        %dma_start3A_105 = arith.constant 0 : i32
        %dma_start3A_106 = tpu.memref_slice %arg8[%add3A_103, %dma_start3A_105] : memref<40x128xi32, #tpu.memory_space<vmem>> -> memref<1x128xi32, #tpu.memory_space<vmem>>
        %dma_start3A_107 = tpu.memref_squeeze %dma_start3A_106 : memref<1x128xi32, #tpu.memory_space<vmem>> -> memref<128xi32, #tpu.memory_space<vmem>>
        %dma_start3A_108 = arith.constant 0 : i32
        %dma_start3A_109 = arith.constant 0 : i32
        %dma_start3A_110 = tpu.memref_slice %arg6[%dma_start3A_108, %dma_start3A_109] : memref<10016x128xf32, #tpu.memory_space<vmem_shared>> -> memref<10016x128xf32, #tpu.memory_space<vmem_shared>>
        tpu.enqueue_indirect_dma source(%arg10 : memref<128x128xf32, #tpu.memory_space<vmem>>) target(%dma_start3A_110 : memref<10016x128xf32, #tpu.memory_space<vmem_shared>>) offsets(%dma_start3A_107 : memref<128xi32, #tpu.memory_space<vmem>>) semaphore(%run_scoped3A : memref<!tpu.dma_semaphore, #tpu.memory_space<semaphore_mem>>) {add = true}
        %dma_wait3A_111 = arith.constant 0 : i32
        %dma_wait3A_112 = tpu.memref_slice %arg8[%add3A_103, %dma_wait3A_111] : memref<40x128xi32, #tpu.memory_space<vmem>> -> memref<1x128xi32, #tpu.memory_space<vmem>>
        %dma_wait3A_113 = tpu.memref_squeeze %dma_wait3A_112 : memref<1x128xi32, #tpu.memory_space<vmem>> -> memref<128xi32, #tpu.memory_space<vmem>>
        %dma_wait3A_114 = arith.constant 0 : i32
        %dma_wait3A_115 = arith.constant 0 : i32
        %dma_wait3A_116 = tpu.memref_slice %arg6[%dma_wait3A_114, %dma_wait3A_115] : memref<10016x128xf32, #tpu.memory_space<vmem_shared>> -> memref<10016x128xf32, #tpu.memory_space<vmem_shared>>
        tpu.wait_indirect_dma semaphore(%run_scoped3A : memref<!tpu.dma_semaphore, #tpu.memory_space<semaphore_mem>>) src(%arg10 : memref<128x128xf32, #tpu.memory_space<vmem>>) dst(%dma_wait3A_116 : memref<10016x128xf32, #tpu.memory_space<vmem_shared>>)
        tpu.yield
      }) : () -> ()
      %scan3A_104 = arith.constant 0 : i32
      scf.yield %scan3A_104 : i32
    }
    %scan3A_57 = arith.constant 20 : i32
    %barrier3A_58 = arith.constant 0 : index
    tpu.barrier barrier_id(%barrier3A_58)
    %lt3A_59 = arith.constant 15 : i32
    %lt3A_60 = arith.cmpi slt, %arg1, %lt3A_59 : i32
    %convert_element_type3A_61 = arith.extui %lt3A_60 : i1 to i32
    %cond3A_62 = arith.constant 0 : i32
    %cond3A_63 = arith.cmpi ne, %convert_element_type3A_61, %cond3A_62 : i32
    scf.if %cond3A_63 {
      %mul3A_70 = arith.constant 624 : i32
      %mul3A_71 = arith.muli %arg1, %mul3A_70 : i32
      %multiple_of3A_72 = tpu.assume_multiple %mul3A_71, 8 : i32
      %add3A_73 = arith.addi %multiple_of3A, %multiple_of3A_72 : i32
      "tpu.region"() ({
        %run_scoped3A = tpu.sem_alloc : memref<!tpu.dma_semaphore, #tpu.memory_space<semaphore_mem>>
        %dma_start3A_74 = arith.constant 0 : i32
        %dma_start3A_75 = tpu.memref_slice %arg5[%add3A_73, %dma_start3A_74] : memref<20000x128xf32, #tpu.memory_space<hbm>> -> memref<624x128xf32, #tpu.memory_space<hbm>>
        %dma_start3A_76 = arith.constant 0 : i32
        %dma_start3A_77 = tpu.memref_slice %arg6[%multiple_of3A_72, %dma_start3A_76] : memref<10016x128xf32, #tpu.memory_space<vmem_shared>> -> memref<624x128xf32, #tpu.memory_space<vmem_shared>>
        tpu.enqueue_dma source(%dma_start3A_77 : memref<624x128xf32, #tpu.memory_space<vmem_shared>>) target(%dma_start3A_75 : memref<624x128xf32, #tpu.memory_space<hbm>>) target_semaphore(%run_scoped3A : memref<!tpu.dma_semaphore, #tpu.memory_space<semaphore_mem>>)
        %dma_wait3A = arith.constant 0 : i32
        %dma_wait3A_78 = tpu.memref_slice %arg5[%add3A_73, %dma_wait3A] : memref<20000x128xf32, #tpu.memory_space<hbm>> -> memref<624x128xf32, #tpu.memory_space<hbm>>
        %dma_wait3A_79 = arith.constant 0 : i32
        %dma_wait3A_80 = tpu.memref_slice %arg6[%multiple_of3A_72, %dma_wait3A_79] : memref<10016x128xf32, #tpu.memory_space<vmem_shared>> -> memref<624x128xf32, #tpu.memory_space<vmem_shared>>
        tpu.wait_dma2 semaphore(%run_scoped3A : memref<!tpu.dma_semaphore, #tpu.memory_space<semaphore_mem>>) src(%dma_wait3A_80 : memref<624x128xf32, #tpu.memory_space<vmem_shared>>) dst(%dma_wait3A_78 : memref<624x128xf32, #tpu.memory_space<hbm>>)
        tpu.yield
      }) : () -> ()
    } else {
    }
    %eq3A_64 = arith.constant 15 : i32
    %eq3A_65 = arith.cmpi eq, %arg1, %eq3A_64 : i32
    %convert_element_type3A_66 = arith.extui %eq3A_65 : i1 to i32
    %cond3A_67 = arith.constant 0 : i32
    %cond3A_68 = arith.cmpi ne, %convert_element_type3A_66, %cond3A_67 : i32
    scf.if %cond3A_68 {
      %add3A_70 = arith.constant 9360 : i32
      %add3A_71 = arith.addi %multiple_of3A, %add3A_70 : i32
      "tpu.region"() ({
        %run_scoped3A = tpu.sem_alloc : memref<!tpu.dma_semaphore, #tpu.memory_space<semaphore_mem>>
        %dma_start3A_72 = arith.constant 0 : i32
        %dma_start3A_73 = tpu.memref_slice %arg5[%add3A_71, %dma_start3A_72] : memref<20000x128xf32, #tpu.memory_space<hbm>> -> memref<640x128xf32, #tpu.memory_space<hbm>>
        %dma_start3A_74 = arith.constant 9360 : i32
        %dma_start3A_75 = arith.constant 0 : i32
        %dma_start3A_76 = tpu.memref_slice %arg6[%dma_start3A_74, %dma_start3A_75] : memref<10016x128xf32, #tpu.memory_space<vmem_shared>> -> memref<640x128xf32, #tpu.memory_space<vmem_shared>>
        tpu.enqueue_dma source(%dma_start3A_76 : memref<640x128xf32, #tpu.memory_space<vmem_shared>>) target(%dma_start3A_73 : memref<640x128xf32, #tpu.memory_space<hbm>>) target_semaphore(%run_scoped3A : memref<!tpu.dma_semaphore, #tpu.memory_space<semaphore_mem>>)
        %dma_wait3A = arith.constant 0 : i32
        %dma_wait3A_77 = tpu.memref_slice %arg5[%add3A_71, %dma_wait3A] : memref<20000x128xf32, #tpu.memory_space<hbm>> -> memref<640x128xf32, #tpu.memory_space<hbm>>
        %dma_wait3A_78 = arith.constant 9360 : i32
        %dma_wait3A_79 = arith.constant 0 : i32
        %dma_wait3A_80 = tpu.memref_slice %arg6[%dma_wait3A_78, %dma_wait3A_79] : memref<10016x128xf32, #tpu.memory_space<vmem_shared>> -> memref<640x128xf32, #tpu.memory_space<vmem_shared>>
        tpu.wait_dma2 semaphore(%run_scoped3A : memref<!tpu.dma_semaphore, #tpu.memory_space<semaphore_mem>>) src(%dma_wait3A_80 : memref<640x128xf32, #tpu.memory_space<vmem_shared>>) dst(%dma_wait3A_77 : memref<640x128xf32, #tpu.memory_space<hbm>>)
        tpu.yield
      }) : () -> ()
    } else {
    }
    %barrier3A_69 = arith.constant 0 : index
    tpu.barrier barrier_id(%barrier3A_69)
    return
  }
}

module attributes {stable_mosaic.version = 14 : i64} {
  func.func @body(%arg0: i32, %arg1: i32, %arg2: memref<1x1x1000xf32, #tpu.memory_space<vmem>>, %arg3: memref<1x1x1000xf32, #tpu.memory_space<vmem>>, %arg4: memref<1000x128xf32, #tpu.memory_space<vmem>>, %arg5: memref<1000x128xf32, #tpu.memory_space<vmem>>, %arg6: memref<1x1x1000xf32, #tpu.memory_space<vmem>>) attributes {dimension_semantics = [#tpu.dimension_semantics<arbitrary>, #tpu.dimension_semantics<arbitrary>], iteration_bounds = array<i64: 10, 2>, scalar_prefetch = 0 : i64, scratch_operands = 0 : i64, tpu.core_type = #tpu.core_type<tc>, window_params = [{transform_indices = @transform_0, window_bounds = array<i64: 1, 1, 1000>}, {transform_indices = @transform_1, window_bounds = array<i64: 1, 1, 1000>}, {transform_indices = @transform_2, window_bounds = array<i64: 1000, 128>}, {transform_indices = @transform_3, window_bounds = array<i64: 1000, 128>}, {transform_indices = @transform_4, window_bounds = array<i64: 1, 1, 1000>}]} {
    %get3A = arith.constant 0 : index
    %get3A_0 = arith.constant 0 : index
    %get3A_1 = arith.constant 0 : index
    %get3A_2 = vector.load %arg2[%get3A, %get3A_0, %get3A_1] : memref<1x1x1000xf32, #tpu.memory_space<vmem>>, vector<1x1x1000xf32>
    %get3A_3 = vector.shape_cast %get3A_2 : vector<1x1x1000xf32> to vector<1000xf32>
    %get3A_4 = arith.constant 0 : index
    %get3A_5 = arith.constant 0 : index
    %get3A_6 = arith.constant 0 : index
    %get3A_7 = vector.load %arg3[%get3A_4, %get3A_5, %get3A_6] : memref<1x1x1000xf32, #tpu.memory_space<vmem>>, vector<1x1x1000xf32>
    %get3A_8 = vector.shape_cast %get3A_7 : vector<1x1x1000xf32> to vector<1000xf32>
    %add3A = arith.addf %get3A_3, %get3A_8 : vector<1000xf32>
    %add3A_9 = arith.constant 1.000000e+00 : f32
    %add3A_10 = vector.broadcast %add3A_9 : f32 to vector<1000xf32>
    %add3A_11 = arith.addf %add3A, %add3A_10 : vector<1000xf32>
    %rsqrt3A = math.rsqrt %add3A_11 : vector<1000xf32>
    %swap3A = arith.constant 0 : index
    %swap3A_12 = arith.constant 0 : index
    %swap3A_13 = arith.constant 0 : index
    %swap3A_14 = vector.load %arg6[%swap3A, %swap3A_12, %swap3A_13] : memref<1x1x1000xf32, #tpu.memory_space<vmem>>, vector<1x1x1000xf32>
    %swap3A_15 = vector.shape_cast %swap3A_14 : vector<1x1x1000xf32> to vector<1000xf32>
    %swap3A_16 = vector.shape_cast %rsqrt3A : vector<1000xf32> to vector<1x1x1000xf32>
    tpu.vector_store %arg6[%swap3A, %swap3A_12, %swap3A_13], %swap3A_16 {strides = array<i32>} : memref<1x1x1000xf32, #tpu.memory_space<vmem>>, vector<1x1x1000xf32>,
    %get3A_17 = arith.constant 0 : index
    %get3A_18 = arith.constant 0 : index
    %get3A_19 = vector.load %arg4[%get3A_17, %get3A_18] : memref<1000x128xf32, #tpu.memory_space<vmem>>, vector<1000x128xf32>
    %broadcast_in_dim3A = vector.shape_cast %rsqrt3A : vector<1000xf32> to vector<1000x1xf32>
    %mul3A = vector.broadcast %broadcast_in_dim3A : vector<1000x1xf32> to vector<1000x128xf32>
    %mul3A_20 = arith.mulf %get3A_19, %mul3A : vector<1000x128xf32>
    %swap3A_21 = arith.constant 0 : index
    %swap3A_22 = arith.constant 0 : index
    %swap3A_23 = vector.load %arg5[%swap3A_21, %swap3A_22] : memref<1000x128xf32, #tpu.memory_space<vmem>>, vector<1000x128xf32>
    tpu.vector_store %arg5[%swap3A_21, %swap3A_22], %mul3A_20 {strides = array<i32>} : memref<1000x128xf32, #tpu.memory_space<vmem>>, vector<1000x128xf32>,
    return
  }
  func.func @transform_0(%arg0: i32, %arg1: i32) -> (i32, i32, i32) {
    %c0_i32 = arith.constant 0 : i32
    %c0_i32_0 = arith.constant 0 : i32
    %c0_i32_1 = arith.constant 0 : i32
    return %arg0, %c0_i32, %c0_i32_0 : i32, i32, i32
  }
  func.func @transform_1(%arg0: i32, %arg1: i32) -> (i32, i32, i32) {
    %c0_i32 = arith.constant 0 : i32
    %c0_i32_0 = arith.constant 0 : i32
    %c0_i32_1 = arith.constant 0 : i32
    return %arg0, %c0_i32, %c0_i32_0 : i32, i32, i32
  }
  func.func @transform_2(%arg0: i32, %arg1: i32) -> (i32, i32) {
    %c0_i32 = arith.constant 0 : i32
    return %arg0, %arg1 : i32, i32
  }
  func.func @transform_3(%arg0: i32, %arg1: i32) -> (i32, i32) {
    %mul3A = arith.constant 10 : i32
    %mul3A_0 = arith.muli %arg1, %mul3A : i32
    %add3A = arith.addi %mul3A_0, %arg0 : i32
    %c0_i32 = arith.constant 0 : i32
    %c0_i32_1 = arith.constant 0 : i32
    return %add3A, %c0_i32 : i32, i32
  }
  func.func @transform_4(%arg0: i32, %arg1: i32) -> (i32, i32, i32) {
    %c0_i32 = arith.constant 0 : i32
    %c0_i32_0 = arith.constant 0 : i32
    %c0_i32_1 = arith.constant 0 : i32
    return %arg0, %c0_i32, %c0_i32_0 : i32, i32, i32
  }
}

module attributes {stable_mosaic.version = 14 : i64} {
  func.func @body(%arg0: i32, %arg1: memref<2x1000x128xf32, #tpu.memory_space<vmem>>, %arg2: memref<1x1x1000xf32, #tpu.memory_space<vmem>>, %arg3: memref<2x128x1024xf32, #tpu.memory_space<vmem>>, %arg4: memref<1024xf32, #tpu.memory_space<vmem>>, %arg5: memref<4x1024x128xf32, #tpu.memory_space<vmem>>, %arg6: memref<4x1000x128xf32, #tpu.memory_space<vmem>>) attributes {dimension_semantics = [#tpu.dimension_semantics<arbitrary>], iteration_bounds = array<i64: 10>, scalar_prefetch = 0 : i64, scratch_operands = 0 : i64, tpu.core_type = #tpu.core_type<tc>, window_params = [{transform_indices = @transform_0, window_bounds = array<i64: 2, 1000, 128>}, {transform_indices = @transform_1, window_bounds = array<i64: 1, 1, 1000>}, {pipeline_mode = #tpu.pipeline_mode<synchronous>, transform_indices = @transform_2, window_bounds = array<i64: 2, 128, 1024>}, {pipeline_mode = #tpu.pipeline_mode<synchronous>, transform_indices = @transform_3, window_bounds = array<i64: 1024>}, {pipeline_mode = #tpu.pipeline_mode<synchronous>, transform_indices = @transform_4, window_bounds = array<i64: 4, 1024, 128>}, {transform_indices = @transform_5, window_bounds = array<i64: 4, 1000, 128>}]} {
    %get3A = arith.constant 0 : index
    %get3A_0 = arith.constant 0 : index
    %get3A_1 = arith.constant 0 : index
    %get3A_2 = vector.load %arg2[%get3A, %get3A_0, %get3A_1] : memref<1x1x1000xf32, #tpu.memory_space<vmem>>, vector<1x1x1000xf32>
    %get3A_3 = vector.shape_cast %get3A_2 : vector<1x1x1000xf32> to vector<1000xf32>
    %broadcast_in_dim3A = vector.shape_cast %get3A_3 : vector<1000xf32> to vector<1000x1xf32>
    %get3A_4 = arith.constant 0 : index
    %get3A_5 = vector.load %arg4[%get3A_4] : memref<1024xf32, #tpu.memory_space<vmem>>, vector<1024xf32>
    %broadcast_in_dim3A_6 = vector.shape_cast %get3A_5 : vector<1024xf32> to vector<1x1024xf32>
    %get3A_7 = arith.constant 0 : index
    %get3A_8 = arith.constant 0 : index
    %get3A_9 = arith.constant 0 : index
    %get3A_10 = vector.load %arg1[%get3A_7, %get3A_8, %get3A_9] : memref<2x1000x128xf32, #tpu.memory_space<vmem>>, vector<1x1000x128xf32>
    %get3A_11 = vector.shape_cast %get3A_10 : vector<1x1000x128xf32> to vector<1000x128xf32>
    %mul3A = vector.broadcast %broadcast_in_dim3A : vector<1000x1xf32> to vector<1000x128xf32>
    %mul3A_12 = arith.mulf %get3A_11, %mul3A : vector<1000x128xf32>
    %get3A_13 = arith.constant 0 : index
    %get3A_14 = arith.constant 0 : index
    %get3A_15 = arith.constant 0 : index
    %get3A_16 = vector.load %arg3[%get3A_13, %get3A_14, %get3A_15] : memref<2x128x1024xf32, #tpu.memory_space<vmem>>, vector<1x128x1024xf32>
    %get3A_17 = vector.shape_cast %get3A_16 : vector<1x128x1024xf32> to vector<128x1024xf32>
    %dot_general3A = arith.constant dense<0.000000e+00> : vector<1000x1024xf32>
    %dot_general3A_18 = tpu.matmul %mul3A_12, %get3A_17, %dot_general3A {dimension_numbers = #tpu.dot_dimension_numbers<[1], [0], [0], [1], [0, 0, 1, 1], [], []>, transpose_lhs_hint = false} : vector<1000x128xf32>, vector<128x1024xf32>, vector<1000x1024xf32> -> vector<1000x1024xf32>
    %add3A = vector.broadcast %broadcast_in_dim3A_6 : vector<1x1024xf32> to vector<1000x1024xf32>
    %add3A_19 = arith.addf %add3A, %dot_general3A_18 : vector<1000x1024xf32>
    %get3A_20 = arith.constant 1 : index
    %get3A_21 = arith.constant 0 : index
    %get3A_22 = arith.constant 0 : index
    %get3A_23 = vector.load %arg1[%get3A_20, %get3A_21, %get3A_22] : memref<2x1000x128xf32, #tpu.memory_space<vmem>>, vector<1x1000x128xf32>
    %get3A_24 = vector.shape_cast %get3A_23 : vector<1x1000x128xf32> to vector<1000x128xf32>
    %mul3A_25 = vector.broadcast %broadcast_in_dim3A : vector<1000x1xf32> to vector<1000x128xf32>
    %mul3A_26 = arith.mulf %get3A_24, %mul3A_25 : vector<1000x128xf32>
    %get3A_27 = arith.constant 1 : index
    %get3A_28 = arith.constant 0 : index
    %get3A_29 = arith.constant 0 : index
    %get3A_30 = vector.load %arg3[%get3A_27, %get3A_28, %get3A_29] : memref<2x128x1024xf32, #tpu.memory_space<vmem>>, vector<1x128x1024xf32>
    %get3A_31 = vector.shape_cast %get3A_30 : vector<1x128x1024xf32> to vector<128x1024xf32>
    %dot_general3A_32 = arith.constant dense<0.000000e+00> : vector<1000x1024xf32>
    %dot_general3A_33 = tpu.matmul %mul3A_26, %get3A_31, %dot_general3A_32 {dimension_numbers = #tpu.dot_dimension_numbers<[1], [0], [0], [1], [0, 0, 1, 1], [], []>, transpose_lhs_hint = false} : vector<1000x128xf32>, vector<128x1024xf32>, vector<1000x1024xf32> -> vector<1000x1024xf32>
    %add3A_34 = arith.addf %add3A_19, %dot_general3A_33 : vector<1000x1024xf32>
    %max3A = arith.constant 0.000000e+00 : f32
    %max3A_35 = vector.broadcast %max3A : f32 to vector<1000x1024xf32>
    %max3A_36 = arith.maximumf %add3A_34, %max3A_35 : vector<1000x1024xf32>
    %get3A_37 = arith.constant 0 : index
    %get3A_38 = arith.constant 0 : index
    %get3A_39 = arith.constant 0 : index
    %get3A_40 = vector.load %arg5[%get3A_37, %get3A_38, %get3A_39] : memref<4x1024x128xf32, #tpu.memory_space<vmem>>, vector<1x1024x128xf32>
    %get3A_41 = vector.shape_cast %get3A_40 : vector<1x1024x128xf32> to vector<1024x128xf32>
    %dot_general3A_42 = arith.constant dense<0.000000e+00> : vector<1000x128xf32>
    %dot_general3A_43 = tpu.matmul %max3A_36, %get3A_41, %dot_general3A_42 {dimension_numbers = #tpu.dot_dimension_numbers<[1], [0], [0], [1], [0, 0, 1, 1], [], []>, transpose_lhs_hint = false} : vector<1000x1024xf32>, vector<1024x128xf32>, vector<1000x128xf32> -> vector<1000x128xf32>
    %mul3A_44 = vector.broadcast %broadcast_in_dim3A : vector<1000x1xf32> to vector<1000x128xf32>
    %mul3A_45 = arith.mulf %dot_general3A_43, %mul3A_44 : vector<1000x128xf32>
    %swap3A = arith.constant 0 : index
    %swap3A_46 = arith.constant 0 : index
    %swap3A_47 = arith.constant 0 : index
    %swap3A_48 = vector.load %arg6[%swap3A, %swap3A_46, %swap3A_47] : memref<4x1000x128xf32, #tpu.memory_space<vmem>>, vector<1x1000x128xf32>
    %swap3A_49 = vector.shape_cast %swap3A_48 : vector<1x1000x128xf32> to vector<1000x128xf32>
    %swap3A_50 = vector.shape_cast %mul3A_45 : vector<1000x128xf32> to vector<1x1000x128xf32>
    tpu.vector_store %arg6[%swap3A, %swap3A_46, %swap3A_47], %swap3A_50 {strides = array<i32>} : memref<4x1000x128xf32, #tpu.memory_space<vmem>>, vector<1x1000x128xf32>,
    %get3A_51 = arith.constant 1 : index
    %get3A_52 = arith.constant 0 : index
    %get3A_53 = arith.constant 0 : index
    %get3A_54 = vector.load %arg5[%get3A_51, %get3A_52, %get3A_53] : memref<4x1024x128xf32, #tpu.memory_space<vmem>>, vector<1x1024x128xf32>
    %get3A_55 = vector.shape_cast %get3A_54 : vector<1x1024x128xf32> to vector<1024x128xf32>
    %dot_general3A_56 = arith.constant dense<0.000000e+00> : vector<1000x128xf32>
    %dot_general3A_57 = tpu.matmul %max3A_36, %get3A_55, %dot_general3A_56 {dimension_numbers = #tpu.dot_dimension_numbers<[1], [0], [0], [1], [0, 0, 1, 1], [], []>, transpose_lhs_hint = false} : vector<1000x1024xf32>, vector<1024x128xf32>, vector<1000x128xf32> -> vector<1000x128xf32>
    %mul3A_58 = vector.broadcast %broadcast_in_dim3A : vector<1000x1xf32> to vector<1000x128xf32>
    %mul3A_59 = arith.mulf %dot_general3A_57, %mul3A_58 : vector<1000x128xf32>
    %swap3A_60 = arith.constant 1 : index
    %swap3A_61 = arith.constant 0 : index
    %swap3A_62 = arith.constant 0 : index
    %swap3A_63 = vector.load %arg6[%swap3A_60, %swap3A_61, %swap3A_62] : memref<4x1000x128xf32, #tpu.memory_space<vmem>>, vector<1x1000x128xf32>
    %swap3A_64 = vector.shape_cast %swap3A_63 : vector<1x1000x128xf32> to vector<1000x128xf32>
    %swap3A_65 = vector.shape_cast %mul3A_59 : vector<1000x128xf32> to vector<1x1000x128xf32>
    tpu.vector_store %arg6[%swap3A_60, %swap3A_61, %swap3A_62], %swap3A_65 {strides = array<i32>} : memref<4x1000x128xf32, #tpu.memory_space<vmem>>, vector<1x1000x128xf32>,
    %get3A_66 = arith.constant 2 : index
    %get3A_67 = arith.constant 0 : index
    %get3A_68 = arith.constant 0 : index
    %get3A_69 = vector.load %arg5[%get3A_66, %get3A_67, %get3A_68] : memref<4x1024x128xf32, #tpu.memory_space<vmem>>, vector<1x1024x128xf32>
    %get3A_70 = vector.shape_cast %get3A_69 : vector<1x1024x128xf32> to vector<1024x128xf32>
    %dot_general3A_71 = arith.constant dense<0.000000e+00> : vector<1000x128xf32>
    %dot_general3A_72 = tpu.matmul %max3A_36, %get3A_70, %dot_general3A_71 {dimension_numbers = #tpu.dot_dimension_numbers<[1], [0], [0], [1], [0, 0, 1, 1], [], []>, transpose_lhs_hint = false} : vector<1000x1024xf32>, vector<1024x128xf32>, vector<1000x128xf32> -> vector<1000x128xf32>
    %mul3A_73 = vector.broadcast %broadcast_in_dim3A : vector<1000x1xf32> to vector<1000x128xf32>
    %mul3A_74 = arith.mulf %dot_general3A_72, %mul3A_73 : vector<1000x128xf32>
    %swap3A_75 = arith.constant 2 : index
    %swap3A_76 = arith.constant 0 : index
    %swap3A_77 = arith.constant 0 : index
    %swap3A_78 = vector.load %arg6[%swap3A_75, %swap3A_76, %swap3A_77] : memref<4x1000x128xf32, #tpu.memory_space<vmem>>, vector<1x1000x128xf32>
    %swap3A_79 = vector.shape_cast %swap3A_78 : vector<1x1000x128xf32> to vector<1000x128xf32>
    %swap3A_80 = vector.shape_cast %mul3A_74 : vector<1000x128xf32> to vector<1x1000x128xf32>
    tpu.vector_store %arg6[%swap3A_75, %swap3A_76, %swap3A_77], %swap3A_80 {strides = array<i32>} : memref<4x1000x128xf32, #tpu.memory_space<vmem>>, vector<1x1000x128xf32>,
    %get3A_81 = arith.constant 3 : index
    %get3A_82 = arith.constant 0 : index
    %get3A_83 = arith.constant 0 : index
    %get3A_84 = vector.load %arg5[%get3A_81, %get3A_82, %get3A_83] : memref<4x1024x128xf32, #tpu.memory_space<vmem>>, vector<1x1024x128xf32>
    %get3A_85 = vector.shape_cast %get3A_84 : vector<1x1024x128xf32> to vector<1024x128xf32>
    %dot_general3A_86 = arith.constant dense<0.000000e+00> : vector<1000x128xf32>
    %dot_general3A_87 = tpu.matmul %max3A_36, %get3A_85, %dot_general3A_86 {dimension_numbers = #tpu.dot_dimension_numbers<[1], [0], [0], [1], [0, 0, 1, 1], [], []>, transpose_lhs_hint = false} : vector<1000x1024xf32>, vector<1024x128xf32>, vector<1000x128xf32> -> vector<1000x128xf32>
    %mul3A_88 = vector.broadcast %broadcast_in_dim3A : vector<1000x1xf32> to vector<1000x128xf32>
    %mul3A_89 = arith.mulf %dot_general3A_87, %mul3A_88 : vector<1000x128xf32>
    %swap3A_90 = arith.constant 3 : index
    %swap3A_91 = arith.constant 0 : index
    %swap3A_92 = arith.constant 0 : index
    %swap3A_93 = vector.load %arg6[%swap3A_90, %swap3A_91, %swap3A_92] : memref<4x1000x128xf32, #tpu.memory_space<vmem>>, vector<1x1000x128xf32>
    %swap3A_94 = vector.shape_cast %swap3A_93 : vector<1x1000x128xf32> to vector<1000x128xf32>
    %swap3A_95 = vector.shape_cast %mul3A_89 : vector<1000x128xf32> to vector<1x1000x128xf32>
    tpu.vector_store %arg6[%swap3A_90, %swap3A_91, %swap3A_92], %swap3A_95 {strides = array<i32>} : memref<4x1000x128xf32, #tpu.memory_space<vmem>>, vector<1x1000x128xf32>,
    return
  }
  func.func @transform_0(%arg0: i32) -> (i32, i32, i32) {
    %c0_i32 = arith.constant 0 : i32
    %c0_i32_0 = arith.constant 0 : i32
    %c0_i32_1 = arith.constant 0 : i32
    return %c0_i32, %arg0, %c0_i32_0 : i32, i32, i32
  }
  func.func @transform_1(%arg0: i32) -> (i32, i32, i32) {
    %c0_i32 = arith.constant 0 : i32
    %c0_i32_0 = arith.constant 0 : i32
    %c0_i32_1 = arith.constant 0 : i32
    return %arg0, %c0_i32, %c0_i32_0 : i32, i32, i32
  }
  func.func @transform_2(%arg0: i32) -> (i32, i32, i32) {
    %c0_i32 = arith.constant 0 : i32
    %c0_i32_0 = arith.constant 0 : i32
    %c0_i32_1 = arith.constant 0 : i32
    %c0_i32_2 = arith.constant 0 : i32
    return %c0_i32, %c0_i32_0, %c0_i32_1 : i32, i32, i32
  }
  func.func @transform_3(%arg0: i32) -> i32 {
    %c0_i32 = arith.constant 0 : i32
    %c0_i32_0 = arith.constant 0 : i32
    return %c0_i32 : i32
  }
  func.func @transform_4(%arg0: i32) -> (i32, i32, i32) {
    %c0_i32 = arith.constant 0 : i32
    %c0_i32_0 = arith.constant 0 : i32
    %c0_i32_1 = arith.constant 0 : i32
    %c0_i32_2 = arith.constant 0 : i32
    return %c0_i32, %c0_i32_0, %c0_i32_1 : i32, i32, i32
  }
  func.func @transform_5(%arg0: i32) -> (i32, i32, i32) {
    %c0_i32 = arith.constant 0 : i32
    %c0_i32_0 = arith.constant 0 : i32
    %c0_i32_1 = arith.constant 0 : i32
    return %c0_i32, %arg0, %c0_i32_0 : i32, i32, i32
  }
}

module attributes {stable_mosaic.version = 14 : i64} {
  func.func @body(%arg0: i32, %arg1: memref<4x1000x128xf32, #tpu.memory_space<vmem>>, %arg2: memref<1x1x1000xf32, #tpu.memory_space<vmem>>, %arg3: memref<4x128xf32, #tpu.memory_space<vmem>>, %arg4: memref<4x128x8xf32, #tpu.memory_space<vmem>>, %arg5: memref<8xf32, #tpu.memory_space<vmem>>, %arg6: memref<1000x8xf32, #tpu.memory_space<vmem>>) attributes {dimension_semantics = [#tpu.dimension_semantics<arbitrary>], iteration_bounds = array<i64: 10>, scalar_prefetch = 0 : i64, scratch_operands = 0 : i64, tpu.core_type = #tpu.core_type<tc>, window_params = [{transform_indices = @transform_0, window_bounds = array<i64: 4, 1000, 128>}, {transform_indices = @transform_1, window_bounds = array<i64: 1, 1, 1000>}, {pipeline_mode = #tpu.pipeline_mode<synchronous>, transform_indices = @transform_2, window_bounds = array<i64: 4, 128>}, {pipeline_mode = #tpu.pipeline_mode<synchronous>, transform_indices = @transform_3, window_bounds = array<i64: 4, 128, 8>}, {pipeline_mode = #tpu.pipeline_mode<synchronous>, transform_indices = @transform_4, window_bounds = array<i64: 8>}, {transform_indices = @transform_5, window_bounds = array<i64: 1000, 8>}]} {
    %get3A = arith.constant 0 : index
    %get3A_0 = arith.constant 0 : index
    %get3A_1 = arith.constant 0 : index
    %get3A_2 = vector.load %arg2[%get3A, %get3A_0, %get3A_1] : memref<1x1x1000xf32, #tpu.memory_space<vmem>>, vector<1x1x1000xf32>
    %get3A_3 = vector.shape_cast %get3A_2 : vector<1x1x1000xf32> to vector<1000xf32>
    %broadcast_in_dim3A = vector.shape_cast %get3A_3 : vector<1000xf32> to vector<1000x1xf32>
    %get3A_4 = arith.constant 0 : index
    %get3A_5 = vector.load %arg5[%get3A_4] : memref<8xf32, #tpu.memory_space<vmem>>, vector<8xf32>
    %broadcast_in_dim3A_6 = vector.shape_cast %get3A_5 : vector<8xf32> to vector<1x8xf32>
    %get3A_7 = arith.constant 0 : index
    %get3A_8 = arith.constant 0 : index
    %get3A_9 = arith.constant 0 : index
    %get3A_10 = vector.load %arg1[%get3A_7, %get3A_8, %get3A_9] : memref<4x1000x128xf32, #tpu.memory_space<vmem>>, vector<1x1000x128xf32>
    %get3A_11 = vector.shape_cast %get3A_10 : vector<1x1000x128xf32> to vector<1000x128xf32>
    %mul3A = vector.broadcast %broadcast_in_dim3A : vector<1000x1xf32> to vector<1000x128xf32>
    %mul3A_12 = arith.mulf %get3A_11, %mul3A : vector<1000x128xf32>
    %get3A_13 = arith.constant 0 : index
    %get3A_14 = arith.constant 0 : index
    %get3A_15 = vector.load %arg3[%get3A_13, %get3A_14] : memref<4x128xf32, #tpu.memory_space<vmem>>, vector<1x128xf32>
    %get3A_16 = vector.shape_cast %get3A_15 : vector<1x128xf32> to vector<128xf32>
    %broadcast_in_dim3A_17 = vector.shape_cast %get3A_16 : vector<128xf32> to vector<1x128xf32>
    %add3A = vector.broadcast %broadcast_in_dim3A_17 : vector<1x128xf32> to vector<1000x128xf32>
    %add3A_18 = arith.addf %mul3A_12, %add3A : vector<1000x128xf32>
    %max3A = arith.constant 0.000000e+00 : f32
    %max3A_19 = vector.broadcast %max3A : f32 to vector<1000x128xf32>
    %max3A_20 = arith.maximumf %add3A_18, %max3A_19 : vector<1000x128xf32>
    %get3A_21 = arith.constant 0 : index
    %get3A_22 = arith.constant 0 : index
    %get3A_23 = arith.constant 0 : index
    %get3A_24 = vector.load %arg4[%get3A_21, %get3A_22, %get3A_23] : memref<4x128x8xf32, #tpu.memory_space<vmem>>, vector<1x128x8xf32>
    %get3A_25 = vector.shape_cast %get3A_24 : vector<1x128x8xf32> to vector<128x8xf32>
    %dot_general3A = arith.constant dense<0.000000e+00> : vector<1000x8xf32>
    %dot_general3A_26 = tpu.matmul %max3A_20, %get3A_25, %dot_general3A {dimension_numbers = #tpu.dot_dimension_numbers<[1], [0], [0], [1], [0, 0, 1, 1], [], []>, transpose_lhs_hint = false} : vector<1000x128xf32>, vector<128x8xf32>, vector<1000x8xf32> -> vector<1000x8xf32>
    %add3A_27 = vector.broadcast %broadcast_in_dim3A_6 : vector<1x8xf32> to vector<1000x8xf32>
    %add3A_28 = arith.addf %add3A_27, %dot_general3A_26 : vector<1000x8xf32>
    %get3A_29 = arith.constant 1 : index
    %get3A_30 = arith.constant 0 : index
    %get3A_31 = arith.constant 0 : index
    %get3A_32 = vector.load %arg1[%get3A_29, %get3A_30, %get3A_31] : memref<4x1000x128xf32, #tpu.memory_space<vmem>>, vector<1x1000x128xf32>
    %get3A_33 = vector.shape_cast %get3A_32 : vector<1x1000x128xf32> to vector<1000x128xf32>
    %mul3A_34 = vector.broadcast %broadcast_in_dim3A : vector<1000x1xf32> to vector<1000x128xf32>
    %mul3A_35 = arith.mulf %get3A_33, %mul3A_34 : vector<1000x128xf32>
    %get3A_36 = arith.constant 1 : index
    %get3A_37 = arith.constant 0 : index
    %get3A_38 = vector.load %arg3[%get3A_36, %get3A_37] : memref<4x128xf32, #tpu.memory_space<vmem>>, vector<1x128xf32>
    %get3A_39 = vector.shape_cast %get3A_38 : vector<1x128xf32> to vector<128xf32>
    %broadcast_in_dim3A_40 = vector.shape_cast %get3A_39 : vector<128xf32> to vector<1x128xf32>
    %add3A_41 = vector.broadcast %broadcast_in_dim3A_40 : vector<1x128xf32> to vector<1000x128xf32>
    %add3A_42 = arith.addf %mul3A_35, %add3A_41 : vector<1000x128xf32>
    %max3A_43 = arith.constant 0.000000e+00 : f32
    %max3A_44 = vector.broadcast %max3A_43 : f32 to vector<1000x128xf32>
    %max3A_45 = arith.maximumf %add3A_42, %max3A_44 : vector<1000x128xf32>
    %get3A_46 = arith.constant 1 : index
    %get3A_47 = arith.constant 0 : index
    %get3A_48 = arith.constant 0 : index
    %get3A_49 = vector.load %arg4[%get3A_46, %get3A_47, %get3A_48] : memref<4x128x8xf32, #tpu.memory_space<vmem>>, vector<1x128x8xf32>
    %get3A_50 = vector.shape_cast %get3A_49 : vector<1x128x8xf32> to vector<128x8xf32>
    %dot_general3A_51 = arith.constant dense<0.000000e+00> : vector<1000x8xf32>
    %dot_general3A_52 = tpu.matmul %max3A_45, %get3A_50, %dot_general3A_51 {dimension_numbers = #tpu.dot_dimension_numbers<[1], [0], [0], [1], [0, 0, 1, 1], [], []>, transpose_lhs_hint = false} : vector<1000x128xf32>, vector<128x8xf32>, vector<1000x8xf32> -> vector<1000x8xf32>
    %add3A_53 = arith.addf %add3A_28, %dot_general3A_52 : vector<1000x8xf32>
    %get3A_54 = arith.constant 2 : index
    %get3A_55 = arith.constant 0 : index
    %get3A_56 = arith.constant 0 : index
    %get3A_57 = vector.load %arg1[%get3A_54, %get3A_55, %get3A_56] : memref<4x1000x128xf32, #tpu.memory_space<vmem>>, vector<1x1000x128xf32>
    %get3A_58 = vector.shape_cast %get3A_57 : vector<1x1000x128xf32> to vector<1000x128xf32>
    %mul3A_59 = vector.broadcast %broadcast_in_dim3A : vector<1000x1xf32> to vector<1000x128xf32>
    %mul3A_60 = arith.mulf %get3A_58, %mul3A_59 : vector<1000x128xf32>
    %get3A_61 = arith.constant 2 : index
    %get3A_62 = arith.constant 0 : index
    %get3A_63 = vector.load %arg3[%get3A_61, %get3A_62] : memref<4x128xf32, #tpu.memory_space<vmem>>, vector<1x128xf32>
    %get3A_64 = vector.shape_cast %get3A_63 : vector<1x128xf32> to vector<128xf32>
    %broadcast_in_dim3A_65 = vector.shape_cast %get3A_64 : vector<128xf32> to vector<1x128xf32>
    %add3A_66 = vector.broadcast %broadcast_in_dim3A_65 : vector<1x128xf32> to vector<1000x128xf32>
    %add3A_67 = arith.addf %mul3A_60, %add3A_66 : vector<1000x128xf32>
    %max3A_68 = arith.constant 0.000000e+00 : f32
    %max3A_69 = vector.broadcast %max3A_68 : f32 to vector<1000x128xf32>
    %max3A_70 = arith.maximumf %add3A_67, %max3A_69 : vector<1000x128xf32>
    %get3A_71 = arith.constant 2 : index
    %get3A_72 = arith.constant 0 : index
    %get3A_73 = arith.constant 0 : index
    %get3A_74 = vector.load %arg4[%get3A_71, %get3A_72, %get3A_73] : memref<4x128x8xf32, #tpu.memory_space<vmem>>, vector<1x128x8xf32>
    %get3A_75 = vector.shape_cast %get3A_74 : vector<1x128x8xf32> to vector<128x8xf32>
    %dot_general3A_76 = arith.constant dense<0.000000e+00> : vector<1000x8xf32>
    %dot_general3A_77 = tpu.matmul %max3A_70, %get3A_75, %dot_general3A_76 {dimension_numbers = #tpu.dot_dimension_numbers<[1], [0], [0], [1], [0, 0, 1, 1], [], []>, transpose_lhs_hint = false} : vector<1000x128xf32>, vector<128x8xf32>, vector<1000x8xf32> -> vector<1000x8xf32>
    %add3A_78 = arith.addf %add3A_53, %dot_general3A_77 : vector<1000x8xf32>
    %get3A_79 = arith.constant 3 : index
    %get3A_80 = arith.constant 0 : index
    %get3A_81 = arith.constant 0 : index
    %get3A_82 = vector.load %arg1[%get3A_79, %get3A_80, %get3A_81] : memref<4x1000x128xf32, #tpu.memory_space<vmem>>, vector<1x1000x128xf32>
    %get3A_83 = vector.shape_cast %get3A_82 : vector<1x1000x128xf32> to vector<1000x128xf32>
    %mul3A_84 = vector.broadcast %broadcast_in_dim3A : vector<1000x1xf32> to vector<1000x128xf32>
    %mul3A_85 = arith.mulf %get3A_83, %mul3A_84 : vector<1000x128xf32>
    %get3A_86 = arith.constant 3 : index
    %get3A_87 = arith.constant 0 : index
    %get3A_88 = vector.load %arg3[%get3A_86, %get3A_87] : memref<4x128xf32, #tpu.memory_space<vmem>>, vector<1x128xf32>
    %get3A_89 = vector.shape_cast %get3A_88 : vector<1x128xf32> to vector<128xf32>
    %broadcast_in_dim3A_90 = vector.shape_cast %get3A_89 : vector<128xf32> to vector<1x128xf32>
    %add3A_91 = vector.broadcast %broadcast_in_dim3A_90 : vector<1x128xf32> to vector<1000x128xf32>
    %add3A_92 = arith.addf %mul3A_85, %add3A_91 : vector<1000x128xf32>
    %max3A_93 = arith.constant 0.000000e+00 : f32
    %max3A_94 = vector.broadcast %max3A_93 : f32 to vector<1000x128xf32>
    %max3A_95 = arith.maximumf %add3A_92, %max3A_94 : vector<1000x128xf32>
    %get3A_96 = arith.constant 3 : index
    %get3A_97 = arith.constant 0 : index
    %get3A_98 = arith.constant 0 : index
    %get3A_99 = vector.load %arg4[%get3A_96, %get3A_97, %get3A_98] : memref<4x128x8xf32, #tpu.memory_space<vmem>>, vector<1x128x8xf32>
    %get3A_100 = vector.shape_cast %get3A_99 : vector<1x128x8xf32> to vector<128x8xf32>
    %dot_general3A_101 = arith.constant dense<0.000000e+00> : vector<1000x8xf32>
    %dot_general3A_102 = tpu.matmul %max3A_95, %get3A_100, %dot_general3A_101 {dimension_numbers = #tpu.dot_dimension_numbers<[1], [0], [0], [1], [0, 0, 1, 1], [], []>, transpose_lhs_hint = false} : vector<1000x128xf32>, vector<128x8xf32>, vector<1000x8xf32> -> vector<1000x8xf32>
    %add3A_103 = arith.addf %add3A_78, %dot_general3A_102 : vector<1000x8xf32>
    %reduce_max3A = arith.constant dense<0xFF800000> : vector<1000xf32>
    %reduce_max3A_104 = vector.multi_reduction <maximumf>, %add3A_103, %reduce_max3A [1] : vector<1000x8xf32> to vector<1000xf32>
    %broadcast_in_dim3A_105 = vector.shape_cast %reduce_max3A_104 : vector<1000xf32> to vector<1000x1xf32>
    %sub3A = vector.broadcast %broadcast_in_dim3A_105 : vector<1000x1xf32> to vector<1000x8xf32>
    %sub3A_106 = arith.subf %add3A_103, %sub3A : vector<1000x8xf32>
    %exp3A = math.exp %sub3A_106 : vector<1000x8xf32>
    %reduce_sum3A = arith.constant dense<0.000000e+00> : vector<1000xf32>
    %reduce_sum3A_107 = vector.multi_reduction <add>, %exp3A, %reduce_sum3A [1] : vector<1000x8xf32> to vector<1000xf32>
    %broadcast_in_dim3A_108 = vector.shape_cast %reduce_sum3A_107 : vector<1000xf32> to vector<1000x1xf32>
    %log3A = math.log %broadcast_in_dim3A_108 : vector<1000x1xf32>
    %sub3A_109 = vector.broadcast %log3A : vector<1000x1xf32> to vector<1000x8xf32>
    %sub3A_110 = arith.subf %sub3A_106, %sub3A_109 : vector<1000x8xf32>
    %swap3A = arith.constant 0 : index
    %swap3A_111 = arith.constant 0 : index
    %swap3A_112 = vector.load %arg6[%swap3A, %swap3A_111] : memref<1000x8xf32, #tpu.memory_space<vmem>>, vector<1000x8xf32>
    tpu.vector_store %arg6[%swap3A, %swap3A_111], %sub3A_110 {strides = array<i32>} : memref<1000x8xf32, #tpu.memory_space<vmem>>, vector<1000x8xf32>,
    return
  }
  func.func @transform_0(%arg0: i32) -> (i32, i32, i32) {
    %c0_i32 = arith.constant 0 : i32
    %c0_i32_0 = arith.constant 0 : i32
    %c0_i32_1 = arith.constant 0 : i32
    return %c0_i32, %arg0, %c0_i32_0 : i32, i32, i32
  }
  func.func @transform_1(%arg0: i32) -> (i32, i32, i32) {
    %c0_i32 = arith.constant 0 : i32
    %c0_i32_0 = arith.constant 0 : i32
    %c0_i32_1 = arith.constant 0 : i32
    return %arg0, %c0_i32, %c0_i32_0 : i32, i32, i32
  }
  func.func @transform_2(%arg0: i32) -> (i32, i32) {
    %c0_i32 = arith.constant 0 : i32
    %c0_i32_0 = arith.constant 0 : i32
    %c0_i32_1 = arith.constant 0 : i32
    return %c0_i32, %c0_i32_0 : i32, i32
  }
  func.func @transform_3(%arg0: i32) -> (i32, i32, i32) {
    %c0_i32 = arith.constant 0 : i32
    %c0_i32_0 = arith.constant 0 : i32
    %c0_i32_1 = arith.constant 0 : i32
    %c0_i32_2 = arith.constant 0 : i32
    return %c0_i32, %c0_i32_0, %c0_i32_1 : i32, i32, i32
  }
  func.func @transform_4(%arg0: i32) -> i32 {
    %c0_i32 = arith.constant 0 : i32
    %c0_i32_0 = arith.constant 0 : i32
    return %c0_i32 : i32
  }
  func.func @transform_5(%arg0: i32) -> (i32, i32) {
    %c0_i32 = arith.constant 0 : i32
    %c0_i32_0 = arith.constant 0 : i32
    return %arg0, %c0_i32 : i32, i32
  }
}

</mosaic_0001>

<sc_bundles>
// kernel: kernel.11.cloned.1.call-start
scs
__scs_entry_jumppad:
0x0: {  	(pc) =	sbr.rel $0x88, $3  }
0x1: {  	(tag) =	ssettag $0x0;
	lr =	simm.s32 $0x1  }
0x2: {  	[smem:$0x3F99] =	sst lr;
	_ =	strace $0xD0000000  }
0x3: {  	_ = 	snop  }
0x4: {  	_ = 	snop  }
0x5: {  	_ = 	snop  }
0x6: {  	_ = 	snop  }
0x7: {  	_ = 	snop  }
__scs_overlays_trampoline_lowered:
0x8: {  	[smem:$0x3FA8] =	sst s0  }
0x9: {  	[smem:$0x3FA9] =	sst s1  }
0xa: {  	[smem:$0x3FAA] =	sst s2  }
0xb: {  	[smem:$0x3FAB] =	sst s3  }
0xc: {  	[smem:$0x3FAC] =	sst s4  }
0xd: {  	[smem:$0x3FAD] =	sst s5  }
0xe: {  	[smem:$0x3FAE] =	sst s6  }
0xf: {  	[smem:$0x3FAF] =	sst s7  }
0x10: {  	[smem:$0x3FB0] =	sst s8  }
0x11: {  	[smem:$0x3FB1] =	sst s9;
	s0 =	simm.s32 @!p0 $0x0  }
0x12: {  	s1 =	sld [smem:$0x3F97];
	s0 =	simm.s32 @p0 $0x1  }
0x13: {  	[smem:$0x3FB2] =	sst s0;
	s0 =	simm.s32 @!p1 $0x0  }
0x14: {  	s2 =	sld [smem:$0x3F96];
	s0 =	simm.s32 @p1 $0x1  }
0x15: {  	[smem:$0x3FB3] =	sst s0;
	s0 =	simm.s32 @!p2 $0x0  }
0x16: {  	s3 =	sld [smem:$0x3FDB];
	s0 =	simm.s32 @p2 $0x1  }
0x17: {  	s4 =	simm.s32 $0x1BF5;
	[smem:$0x3FB5] =	sst s0  }
0x18: {  	s0 =	sld [smem:$0x3F98];
	_ =	swait.ge [sflag:s4], $0x0  }
0x19: {  	s7 =	sld [smem:$0x3F99]  }
0x1a: {  	s8 =	sadd.s32 $0xFFFFE003, lr  }
0x1b: {  	s9 =	sadd.s32 $0xFFFFFEF7, lr;
	s5 =	simm.s32 $0xFFFFFFFF;
	p2 =	slt.u32 s8, $0xFFFFF086  }
0x1c: {  	p1 =	slt.u32 s9, $0xF7A;
	s5 =	simm.s32 @!p2 $0x0  }
0x1d: {  	s5 =	simm.s32 @p1 $0x1;
	p0 =	seq.s32 s7, s2  }
0x1e: {  	s7 =	smul.u32 @!p0 $0xF7A, s2;
	p2 =	seq.s32 @!p0 s5, $0x0  }
0x1f: {  	s9 =	smul.u32 $0xF7A, s1;
	s8 =	simm.s32 @!p0 $0x1BF5;
	p2 =	por !p2, p0  }
0x20: {  	[sflag:s8] =	ssyncset.s32 @!p0 $0xFFFFF086;
	s6 =	sadd.s32 @!p0 s3, s7;
	s7 =	simm.s32 @!p0 $0x108  }
0x21: {  	s3 =	sadd.s32 s3, s9;
	s6 =	sadd.s32 @!p0 $0x88, s6;
	s7 =	simm.s32 @p2 $0x1082  }
0x22: {  	[simem:s7], [sflag:s8] =	dma.local @!p0 [hbm:s6], $0xF7A  }
0x23: {  	s9 =	sor.u32 $0xD0000000, s2;
	s6 =	simm.s32 $0x108;
	_ =	swait.ge @!p0 [sflag:s8], $0x0  }
0x24: {  	s3 =	sadd.s32 $0x88, s3;
	s6 =	simm.s32 @!p1 $0x1082;
	[sflag:s4] =	ssyncset.s32 $0xFFFFF086  }
0x25: {  	[simem:s6], [sflag:s4] =	dma.local [hbm:s3], $0xF7A  }
0x26: {  	[smem:$0x3F99] =	sst s1;
	(tag) =	ssettag s2;
	_ =	strace s9  }
0x27: {  	s1 =	sld [smem:$0x3FA9]  }
0x28: {  	s2 =	sld [smem:$0x3FAA]  }
0x29: {  	s4 =	sld [smem:$0x3FAC]  }
0x2a: {  	p0 =	seq.s32 s5, $0x0;
	s5 =	sld [smem:$0x3FAD]  }
0x2b: {  	s6 =	sld [smem:$0x3FAE]  }
0x2c: {  	s7 =	sld [smem:$0x3FAF]  }
0x2d: {  	s3 =	simm.s32 $0x108;
	s8 =	sld [smem:$0x3FB0]  }
0x2e: {  	s3 =	simm.s32 @!p0 $0x1082;
	s9 =	sld [smem:$0x3FB1]  }
0x2f: {  	lr =	sadd.s32 s0, s3;
	s0 =	sld [smem:$0x3FA8]  }
0x30: {  	s3 =	sld [smem:$0x3FAB]  }
0x31: {  	[smem:$0x3FB4] =	sst s10  }
0x32: {  	s10 =	sld [smem:$0x3FB2];
	_ =	sdelay $0x3  }
0x33: {  	p0 =	seq.s32 s10, $0x1;
	s10 =	sld [smem:$0x3FB4];
	_ =	sdelay $0x3  }
0x34: {  	[smem:$0x3FB4] =	sst s10  }
0x35: {  	s10 =	sld [smem:$0x3FB3];
	_ =	sdelay $0x3  }
0x36: {  	p1 =	seq.s32 s10, $0x1;
	s10 =	sld [smem:$0x3FB4];
	_ =	sdelay $0x3  }
0x37: {  	[smem:$0x3FB4] =	sst s10  }
0x38: {  	s10 =	sld [smem:$0x3FB5]  }
0x39: {  	_ = 	snop;
	(pc) =	sbr.ind lr, $3  }
0x3a: {  	_ = 	snop  }
0x3b: {  	_ = 	snop  }
0x3c: {  	p2 =	seq.s32 s10, $0x1;
	s10 =	sld [smem:$0x3FB4]  }
0x3d: {  	_ =	shalt  }
0x3e: {  	_ =	shalt  }
0x3f: {  	_ =	shalt  }
0x40: {  	_ =	shalt  }
0x41: {  	_ =	shalt  }
0x42: {  	_ =	shalt  }
0x43: {  	_ =	shalt  }
0x44: {  	_ =	shalt  }
0x45: {  	_ =	shalt  }
0x46: {  	_ =	shalt  }
0x47: {  	_ =	shalt  }
0x48: {  	_ =	shalt  }
0x49: {  	_ =	shalt  }
0x4a: {  	_ =	shalt  }
0x4b: {  	_ =	shalt  }
0x4c: {  	_ =	shalt  }
0x4d: {  	_ =	shalt  }
0x4e: {  	_ =	shalt  }
0x4f: {  	_ =	shalt  }
0x50: {  	_ =	shalt  }
0x51: {  	_ =	shalt  }
0x52: {  	_ =	shalt  }
0x53: {  	_ =	shalt  }
0x54: {  	_ =	shalt  }
0x55: {  	_ =	shalt  }
0x56: {  	_ =	shalt  }
0x57: {  	_ =	shalt  }
0x58: {  	_ =	shalt  }
0x59: {  	_ =	shalt  }
0x5a: {  	_ =	shalt  }
0x5b: {  	_ =	shalt  }
0x5c: {  	_ =	shalt  }
0x5d: {  	_ =	shalt  }
0x5e: {  	_ =	shalt  }
0x5f: {  	_ =	shalt  }
0x60: {  	_ =	shalt  }
0x61: {  	_ =	shalt  }
0x62: {  	_ =	shalt  }
0x63: {  	_ =	shalt  }
0x64: {  	_ =	shalt  }
0x65: {  	_ =	shalt  }
0x66: {  	_ =	shalt  }
0x67: {  	_ =	shalt  }
0x68: {  	_ =	shalt  }
0x69: {  	_ =	shalt  }
0x6a: {  	_ =	shalt  }
0x6b: {  	_ =	shalt  }
0x6c: {  	_ =	shalt  }
0x6d: {  	_ =	shalt  }
0x6e: {  	_ =	shalt  }
0x6f: {  	_ =	shalt  }
0x70: {  	_ =	shalt  }
0x71: {  	_ =	shalt  }
0x72: {  	_ =	shalt  }
0x73: {  	_ =	shalt  }
0x74: {  	_ =	shalt  }
0x75: {  	_ =	shalt  }
0x76: {  	_ =	shalt  }
0x77: {  	_ =	shalt  }
0x78: {  	_ =	shalt  }
0x79: {  	_ =	shalt  }
0x7a: {  	_ =	shalt  }
0x7b: {  	_ =	shalt  }
0x7c: {  	_ =	shalt  }
0x7d: {  	_ =	shalt  }
0x7e: {  	_ =	shalt  }
0x7f: {  	_ =	shalt  }
0x80: {  	_ =	shalt  }
0x81: {  	_ =	shalt  }
0x82: {  	_ =	shalt  }
0x83: {  	_ =	shalt  }
0x84: {  	_ =	shalt  }
0x85: {  	_ =	shalt  }
0x86: {  	_ =	shalt  }
0x87: {  	_ =	shalt  }
.Lfunc_end0:
.L_simem_size_0:
called_computation.1_lowered:
.L_overlay_start_0:
0x88: {  	s2 =	sld [smem:$0x3FD9]  }
0x89: {  	s3 =	sld [smem:$0x3FFE];
	_ =	sdelay $0x1  }
0x8a: {  	s1 =	srdreg.scid  }
0x8b: {  	s0 =	sand.u32 $0x1, s1  }
0x8c: {  	s16 =	sshll.u32 s0, $0xA;
	s2 =	sadd.s32 s3, s2  }
0x8d: {  	s2 =	sadd.s32 s2, s16  }
0x8e: {  	[smem:$0x3FC0] =	sst s2  }
0x8f: {  	_ = 	snop  }
0x90: {  	(tm) =	ssettm $0x1  }
0x91: {  	s17 =	sld [smem:$0x3FFB];
	_ =	sdelay $0x3  }
0x92: {  	_ =	strace s17  }
0x93: {  	s2 =	sld [smem:$0x3FFC];
	_ =	sdelay $0x3  }
0x94: {  	_ =	strace s2  }
0x95: {  	s2 =	sld [smem:$0x3FFD];
	_ =	sdelay $0x3  }
0x96: {  	_ =	strace s2  }
0x97: {  	_ =	strace $0x8FFFFFFF  }
0x98: {  	s18 =	sld [smem:$0x3FDB];
	_ =	sdelay $0x1  }
0x99: {  	s19 =	simm.s32 $_scs_section_size  }
0x9a: {  	s4 =	simm.s32 $_size__tile_overlayer_lowered;
	s5 =	simm.s32 $_tile_overlayer_lowered  }
0x9b: {  	s22 =	simm.s32 $0x1BFF;
	s21 =	sshll.u32 s5, $0x1;
	s2 =	sadd.s32 s19, s18  }
0x9c: {  	s6 =	simm.s32 $0x0;
	s20 =	sshll.u32 s4, $0x1;
	s4 =	sadd.s32 s21, s2  }
0x9d: {  	[timem:s6], [sflag:s22] =	dma.local [hbm:s4], s20  }
0x9e: {  	_ =	swait.ge [sflag:s22], s20  }
0x9f: {  	s3 =	ssub.s32 $0x0, s20;
	[sflag:s22] =	ssyncset.done $0x0  }
0xa0: {  	[sflag:s22] =	ssyncadd.s32 s3;
	_ =	sdelay $0x1  }
0xa1: {  	s23 =	simm.s32 $0x1B8B  }
0xa2: {  	_ =	swait.ge [sflag:s23], $0x1  }
0xa3: {  	[sflag:s23] =	ssyncset.done $0x0  }
0xa4: {  	s25 =	simm.s32 $0x1B8E;
	s24 =	sld [smem:$0x3FFE];
	[sflag:s23] =	ssyncadd.s32 $0xFFFFFFFF  }
0xa5: {  	s26 =	simm.s32 $execute0_lowered;
	[smem:$0x3FD2] =	sst s25  }
0xa6: {  	s4 =	sshll.u32 s26, $0x1;
	_ =	strace $0x80000049;
	[dreg:$0x1] =	wrdreg $0xFFFFFFFF  }
0xa7: {  	s28 =	simm.s32 $_size_execute0_lowered;
	s2 =	sadd.s32 s2, s4;
	[dreg:$0x0] =	wrdreg $0x0  }
0xa8: {  	s4 =	sshll.u32 s28, $0x1;
	[dreg:$0x2] =	wrdreg s2  }
0xa9: {  	[dreg:$0x3] =	wrdreg s4  }
0xaa: {  	[dreg:$0x4] =	wrdreg $0xC0  }
0xab: {  	_ =	task [dreg:s6], $0x5FFFF  }
0xac: {  	[dreg:$0x1] =	wrdreg $0xFFFFFFFF  }
0xad: {  	[dreg:$0x0] =	wrdreg $0x60  }
0xae: {  	[dreg:$0x2] =	wrdreg s24  }
0xaf: {  	[dreg:$0x3] =	wrdreg $0x0  }
0xb0: {  	[dreg:$0x4] =	wrdreg $0x9  }
0xb1: {  	_ =	task.clear_ibuf [dreg:s6], $0x5FFFF;
	_ =	strace $0x90000049  }
0xb2: {  	s29 =	simm.s32 $0x9;
	_ =	strace $0x8000004B  }
0xb3: {  	_ =	swait.ge [sflag:s29], $0x1  }
0xb4: {  	[sflag:s29] =	ssyncadd.s32 $0xFFFFFFFF  }
0xb5: {  	_ =	strace $0x9000004B  }
0xb6: {  	_ =	sfence  }
0xb7: {  	s30 =	sld [smem:$0x0];
	_ =	sdelay $0x2  }
0xb8: {  	s31 =	sshll.u32 s1, $0xD;
	s1 =	sshrl.u32 s1, $0x2  }
0xb9: {  	s3 =	sand.u32 $0x4000, s31;
	s1 =	sadd.s32 s1, s30  }
0xba: {  	s0 =	sor.u32 s3, s0;
	s1 =	sshll.u32 s1, $0x11  }
0xbb: {  	s0 =	sor.u32 s1, s0  }
0xbc: {  	s0 =	sadd.s32 $0x8F2B, s0  }
0xbd: {  	[sflag:s0] =	ssyncadd.remote.s32 $0x1  }
0xbe: {  	_ =	sfence.sel $0xFFFF  }
0xbf: {  	[dreg:$0x0] =	wrdreg $0xFFFFFFFF;
	(pc) =	sbr.abs _section_cstart, $3  }
0xc0: {  	[dreg:$0x1] =	wrdreg $0xFFFFFFFF  }
0xc1: {  	_ =	task.clear_ibuf [dreg:s6], $0x2FFFF;
	_ =	strace $0x9FFFFFFF  }
0xc2: {  	(tm) =	ssettm $0x7FFFFFFF  }
0xc3: {  	_ =	shalt  }
tec
execute0_lowered:
.L_overlay_start_1:
0x0: {  	(tag) =	ssettag $0x1  }
0x1: {  	s0 =	rddreg [dreg:$0x0]  }
0x2: {  	s1 =	rddreg [dreg:$0x1];
	s2 =	simm.s32 $0x0  }
0x3: {  	s3 =	srdreg.scid;
	s15 =	stileid.u32;
	s17 =	simm.s32 $0x13900  }
0x4: {  	s18 =	simm.s32 $0x3;
	s19 =	simm.s32 $0x14D00;
	s20 =	simm.s32 $0x80  }
0x5: {  	s21 =	simm.s32 $0x16100;
	s22 =	simm.s32 $0x1A100;
	s23 =	simm.s32 $0x1  }
0x6: {  	s28 =	simm.s32 $0x16080;
	s29 =	simm.s32 $0x0;
	s6 =	smul.u32 $0x270, s15  }
0x7: {  	[smem:$0x7FF] =	sst s2;
	s4 =	sadd.s32 $0xB000, s0;
	s8 =	smul.u32 $0x4E000, s15  }
0x8: {  	s3 =	sand.u32 $0x1, s3;
	s9 =	sadd.s32 $0x1000, s0;
	s30 =	smul.u32 $0x2800, s15  }
0x9: {  	s10 =	sadd.s32 $0x6000, s0;
	s0 =	sadd.s32 $0x59200, s0;
	s31 =	smul.u32 $0x500, s15  }
0xa: {  	s14 =	sadd.s32 $0x124800, s1;
	p0 =	seq.s32 s15, $0xF;
	s26 =	smul.u32 $0x2710, s3  }
0xb: {  	_ =	strace $0x8000004A;
	s5 =	ssub.s32 $0x2, s3;
	s3 =	smul.u32 $0x138800, s3  }
0xc: {  	s14 =	sshrl.u32 @p0 s14, $0x3;
	s7 =	sshrl.u32 s5, $0x1;
	s25 =	sshrl.u32 s8, $0x2  }
0xd: {  	s8 =	sadd.s32 s10, s31;
	s13 =	ssub.s32 s5, s7;
	s24 =	sadd.s32 s6, s26  }
0xe: {  	s16 =	sadd.s32 s25, s1;
	s3 =	sshrl.u32 s3, $0x3;
	s7 =	sshrl.u32 s30, $0x3  }
0xf: {  	s25 =	simm.s32 $0x14C80;
	v0 =	vmov s26;
	s26 =	simm.s32 $0x16000;
	s11 =	sshll.u32 s24, $0x4  }
0x10: {  	s3 =	sadd.s32 $0x24900, s3;
	s12 =	sadd.s32 $0x280, s7;
	s7 =	sadd.s32 s9, s31  }
0x11: {  	s13 =	smax.u32 s13, $0x1;
	s16 =	sshrl.u32 @!p0 s16, $0x3;
	s24 =	simm.s32 $0x2  }
0x12: {  	s5 =	sadd.s32 s4, s11;
	s9 =	sadd.s32 s9, s12;
	s10 =	sadd.s32 s10, s12  }
0x13: {  	s11 =	sadd.s32 s0, s11;
	s12 =	sadd.s32 s0, s3;
	s0 =	sshll.u32 @!p0 s15, $0x6  }
0x14: {  	s6 =	sadd.s32 s4, s3;
	[dreg:$0x3] =	wrdreg s5;
	s15 =	sor.u32 @!p0 $0x1C03, s0  }
.LBB2_1:
0x15: {  	s0 =	simm.s32 @p0 $0x1FC3  }
0x16: {  	[spmem:s14], [sflag:s0] =	dma.local @p0 [hbm:s6], $0x2800  }
0x17: {  	s0 =	simm.s32 @p0 $0x3  }
0x18: {  	_ =	swait.ge @p0 [sflag:s0], $0x2800  }
0x19: {  	[sflag:s0] =	ssyncset.done @p0 $0x0  }
0x1a: {  	[sflag:s0] =	ssyncadd.s32 @p0 $0xFFFFD800;
	s0 =	rddreg [dreg:$0x3]  }
0x1b: {  	[spmem:s16], [sflag:s15] =	dma.local @!p0 [hbm:s0], $0x2700  }
0x1c: {  	s0 =	simm.s32 @!p0 $0x3  }
0x1d: {  	_ =	swait.ge @!p0 [sflag:s0], $0x2700  }
0x1e: {  	[sflag:s0] =	ssyncset.done @!p0 $0x0  }
0x1f: {  	[sflag:s0] =	ssyncadd.s32 @!p0 $0xFFFFD900  }
0x20: {  	[bflag:$0x0] =	sbarrier.arrive $0xFFFF  }
0x21: {  	[tilespmem:s17], [sflag:$0x3] =	stream.linear.gather [hbm4b:s7+s2], $0x1400, $0x38;
	[tilespmem:$0x1E100] =	vst v63  }
0x22: {  	_ =	swait.ge [sflag:s18], $0x1400  }
0x23: {  	[sflag:s18] =	ssyncset.done $0x0  }
0x24: {  	[sflag:s18] =	ssyncadd.s32 $0xFFFFEC00  }
0x25: {  	[tilespmem:s19], [sflag:$0x3] =	stream.linear.gather [hbm4b:s8+s2], $0x1400, $0x38;
	[tilespmem:$0x1E100] =	vst v63  }
0x26: {  	s5 =	sand.u32 $0x7E00, s2;
	_ =	swait.ge [sflag:s18], $0x1400  }
0x27: {  	s3 =	sand.u32 $0x70, s2;
	s0 =	sshrl.u32 s5, $0x2;
	[sflag:s18] =	ssyncset.done $0x0  }
0x28: {  	s30 =	sor.u32 s3, s0;
	[sflag:s18] =	ssyncadd.s32 $0xFFFFEC00  }
0x29: {  	v1 =	vld [tilespmem:s30+$0x13900];
	_ =	sdelay $0x2  }
0x2a: {  	s31 =	simm.s32 $0x40  }
0x2b: {  	s3 =	sand.u32 $0x7E00, s31;
	s0 =	simm.s32 $0x80;
	s31 =	simm.s32 $0x10  }
.LBB2_2:
0x2c: {  	p1 =	sne.s32 s0, $0x4FC0;
	s5 =	sand.u32 $0x70, s31;
	s3 =	sshrl.u32 s3, $0x2;
	v1 =	vadd.s32 v0, v1  }
0x2d: {  	[tilespmem:s30+$0x13900] =	vst v1;
	s30 =	sor.u32 s5, s3  }
.Ltmp0:
0x2e: {  	v1 =	vld [tilespmem:s30+$0x13900];
	(pc) =	sbr.rel @p1 .LBB2_2-.Ltmp0, $2  }
0x2f: {  	_ =	sdelay $0x2  }
0x30: {  	s31 =	sadd.s32 $0x10, s31;
	s3 =	sand.u32 $0x7E00, s0;
	s0 =	sadd.s32 $0x40, s0  }
0x31: {  	s0 =	sand.u32 $0x70, s31;
	s3 =	sshrl.u32 s3, $0x2;
	v1 =	vadd.s32 v0, v1  }
0x32: {  	s0 =	sor.u32 s0, s3;
	[tilespmem:s30+$0x13900] =	vst v1  }
0x33: {  	v1 =	vld [tilespmem:s0+$0x13900];
	_ =	sdelay $0x4  }
0x34: {  	v1 =	vadd.s32 v0, v1  }
0x35: {  	[tilespmem:s0+$0x13900] =	vst v1  }
0x36: {  	[tilespmem:s21], [sflag:$0x1] =	stream.indirect.gather [hbm4b:s4+s20], $0x80, s17, s20, $0xb8;
	[tilespmem:$0x1E100] =	vst v63  }
0x37: {  	s31 =	simm.s32 $0x13980  }
0x38: {  	[tilespmem:s22], [sflag:$0x2] =	stream.indirect.gather [hbm4b:s4+s20], $0x80, s31, s20, $0xb8;
	[tilespmem:$0x1E100] =	vst v63  }
0x39: {  	_ =	swait.ge [sflag:s23], $0x4000  }
0x3a: {  	[sflag:s23] =	ssyncset.done $0x0  }
0x3b: {  	s3 =	simm.s32 $0x14D00;
	[sflag:s23] =	ssyncadd.s32 $0xFFFFC000  }
0x3c: {  	[spmem:s1] =	stream.indirect.scatter.add.f32 [tilespmem:s21], [sflag:$0x3], $0x80, s3, s20, $0xb8;
	[tilespmem:$0x1E100] =	vst v63  }
0x3d: {  	_ =	swait.ge [sflag:s18], $0x4000  }
0x3e: {  	[sflag:s18] =	ssyncset.done $0x0  }
0x3f: {  	s5 =	simm.s32 $0x13A00;
	[sflag:s18] =	ssyncadd.s32 $0xFFFFC000  }
0x40: {  	[tilespmem:s21], [sflag:$0x1] =	stream.indirect.gather [hbm4b:s4+s20], $0x80, s5, s20, $0xb8;
	[tilespmem:$0x1E100] =	vst v63  }
0x41: {  	_ =	swait.ge [sflag:s24], $0x4000  }
0x42: {  	[sflag:s24] =	ssyncset.done $0x0  }
0x43: {  	s31 =	simm.s32 $0x14D80;
	[sflag:s24] =	ssyncadd.s32 $0xFFFFC000  }
0x44: {  	[spmem:s1] =	stream.indirect.scatter.add.f32 [tilespmem:s22], [sflag:$0x3], $0x80, s31, s20, $0xb8;
	[tilespmem:$0x1E100] =	vst v63  }
0x45: {  	_ =	swait.ge [sflag:s18], $0x4000  }
0x46: {  	s30 =	simm.s32 $0x100;
	s0 =	simm.s32 $0x800;
	[sflag:s18] =	ssyncset.done $0x0  }
.LBB2_4:
0x47: {  	s3 =	sadd.s32 $0x13980, s30  }
0x48: {  	[sflag:s18] =	ssyncadd.s32 $0xFFFFC000;
	s5 =	smov.u32 s0;
	s31 =	sadd.s32 $0x400, s0  }
0x49: {  	[tilespmem:s22], [sflag:$0x2] =	stream.indirect.gather [hbm4b:s4+s20], $0x80, s3, s20, $0xb8;
	[tilespmem:$0x1E100] =	vst v63  }
0x4a: {  	p1 =	sne.s32 s0, $0x4800;
	_ =	swait.ge [sflag:s23], $0x4000  }
0x4b: {  	[sflag:s23] =	ssyncset.done $0x0  }
0x4c: {  	s0 =	sadd.s32 $0x14D00, s30;
	[sflag:s23] =	ssyncadd.s32 $0xFFFFC000  }
0x4d: {  	[spmem:s1] =	stream.indirect.scatter.add.f32 [tilespmem:s21], [sflag:$0x3], $0x80, s0, s20, $0xb8;
	[tilespmem:$0x1E100] =	vst v63  }
0x4e: {  	_ =	swait.ge [sflag:s18], $0x4000  }
0x4f: {  	[sflag:s18] =	ssyncset.done $0x0  }
0x50: {  	s0 =	sadd.s32 $0x13A00, s30;
	[sflag:s18] =	ssyncadd.s32 $0xFFFFC000  }
0x51: {  	[tilespmem:s21], [sflag:$0x1] =	stream.indirect.gather [hbm4b:s4+s20], $0x80, s0, s20, $0xb8;
	[tilespmem:$0x1E100] =	vst v63  }
0x52: {  	_ =	swait.ge [sflag:s24], $0x4000  }
.Ltmp1:
0x53: {  	[sflag:s24] =	ssyncset.done $0x0;
	(pc) =	sbr.rel @p1 .LBB2_4-.Ltmp1, $4  }
0x54: {  	s0 =	sadd.s32 $0x14D80, s30;
	[sflag:s24] =	ssyncadd.s32 $0xFFFFC000  }
0x55: {  	[spmem:s1] =	stream.indirect.scatter.add.f32 [tilespmem:s22], [sflag:$0x3], $0x80, s0, s20, $0xb8;
	[tilespmem:$0x1E100] =	vst v63  }
0x56: {  	_ =	swait.ge [sflag:s18], $0x4000  }
0x57: {  	s30 =	sshra.s32 s5, $0x2;
	s0 =	smov.u32 s31;
	[sflag:s18] =	ssyncset.done $0x0  }
0x58: {  	s0 =	sadd.s32 $0x13980, s30;
	[sflag:s18] =	ssyncadd.s32 $0xFFFFC000  }
0x59: {  	[tilespmem:s22], [sflag:$0x2] =	stream.indirect.gather [hbm4b:s4+s20], $0x80, s0, s20, $0xb8;
	[tilespmem:$0x1E100] =	vst v63  }
0x5a: {  	_ =	swait.ge [sflag:s23], $0x4000  }
0x5b: {  	[sflag:s23] =	ssyncset.done $0x0  }
0x5c: {  	s3 =	sadd.s32 $0x14D00, s30;
	[sflag:s23] =	ssyncadd.s32 $0xFFFFC000  }
0x5d: {  	[spmem:s1] =	stream.indirect.scatter.add.f32 [tilespmem:s21], [sflag:$0x3], $0x80, s3, s20, $0xb8;
	[tilespmem:$0x1E100] =	vst v63  }
0x5e: {  	_ =	swait.ge [sflag:s18], $0x4000  }
0x5f: {  	[sflag:s18] =	ssyncset.done $0x0  }
0x60: {  	s5 =	sadd.s32 $0x13A00, s30;
	[sflag:s18] =	ssyncadd.s32 $0xFFFFC000  }
0x61: {  	[tilespmem:s21], [sflag:$0x1] =	stream.indirect.gather [hbm4b:s4+s20], $0x80, s5, s20, $0xb8;
	[tilespmem:$0x1E100] =	vst v63  }
0x62: {  	_ =	swait.ge [sflag:s24], $0x4000  }
0x63: {  	[sflag:s24] =	ssyncset.done $0x0  }
0x64: {  	s3 =	sadd.s32 $0x14D80, s30;
	[sflag:s24] =	ssyncadd.s32 $0xFFFFC000  }
0x65: {  	[spmem:s1] =	stream.indirect.scatter.add.f32 [tilespmem:s22], [sflag:$0x3], $0x80, s3, s20, $0xb8;
	[tilespmem:$0x1E100] =	vst v63  }
0x66: {  	_ =	swait.ge [sflag:s18], $0x4000  }
0x67: {  	[sflag:s18] =	ssyncset.done $0x0  }
0x68: {  	[sflag:s18] =	ssyncadd.s32 $0xFFFFC000  }
0x69: {  	[tilespmem:s22], [sflag:$0x2] =	stream.indirect.gather [hbm4b:s4+s20], $0x80, s25, s20, $0xb8;
	[tilespmem:$0x1E100] =	vst v63  }
0x6a: {  	_ =	swait.ge [sflag:s23], $0x4000  }
0x6b: {  	[sflag:s23] =	ssyncset.done $0x0  }
0x6c: {  	[sflag:s23] =	ssyncadd.s32 $0xFFFFC000  }
0x6d: {  	[spmem:s1] =	stream.indirect.scatter.add.f32 [tilespmem:s21], [sflag:$0x3], $0x80, s26, s20, $0xb8;
	[tilespmem:$0x1E100] =	vst v63  }
0x6e: {  	_ =	swait.ge [sflag:s18], $0x4000  }
0x6f: {  	[sflag:s18] =	ssyncset.done $0x0  }
0x70: {  	[sflag:s18] =	ssyncadd.s32 $0xFFFFC000  }
0x71: {  	_ =	swait.ge [sflag:s24], $0x4000  }
0x72: {  	[sflag:s24] =	ssyncset.done $0x0  }
0x73: {  	[sflag:s24] =	ssyncadd.s32 $0xFFFFC000  }
0x74: {  	[spmem:s1] =	stream.indirect.scatter.add.f32 [tilespmem:s22], [sflag:$0x3], $0x80, s28, s20, $0xb8;
	[tilespmem:$0x1E100] =	vst v63  }
0x75: {  	_ =	swait.ge [sflag:s18], $0x4000  }
0x76: {  	[sflag:s18] =	ssyncset.done $0x0  }
0x77: {  	s5 =	simm.s32 $0x0;
	[sflag:s18] =	ssyncadd.s32 $0xFFFFC000  }
0x78: {  	[tilespmem:s17], [sflag:$0x3] =	stream.linear.gather [hbm4b:s9+s5], $0x1400, $0x38;
	[tilespmem:$0x1E100] =	vst v63  }
0x79: {  	_ =	swait.ge [sflag:s18], $0x1400  }
0x7a: {  	[sflag:s18] =	ssyncset.done $0x0  }
0x7b: {  	[sflag:s18] =	ssyncadd.s32 $0xFFFFEC00  }
0x7c: {  	[tilespmem:s19], [sflag:$0x3] =	stream.linear.gather [hbm4b:s10+s5], $0x1400, $0x38;
	[tilespmem:$0x1E100] =	vst v63  }
0x7d: {  	s3 =	sand.u32 $0x7E00, s5;
	_ =	swait.ge [sflag:s18], $0x1400  }
0x7e: {  	s0 =	sand.u32 $0x70, s5;
	s3 =	sshrl.u32 s3, $0x2;
	[sflag:s18] =	ssyncset.done $0x0  }
0x7f: {  	s30 =	sor.u32 s0, s3;
	[sflag:s18] =	ssyncadd.s32 $0xFFFFEC00  }
0x80: {  	v1 =	vld [tilespmem:s30+$0x13900];
	_ =	sdelay $0x2  }
0x81: {  	s5 =	simm.s32 $0x40  }
0x82: {  	s31 =	simm.s32 $0x10;
	s0 =	simm.s32 $0x80;
	s3 =	sand.u32 $0x7E00, s5  }
.LBB2_6:
0x83: {  	p1 =	sne.s32 s0, $0x4FC0;
	s5 =	sand.u32 $0x70, s31;
	s3 =	sshrl.u32 s3, $0x2;
	v1 =	vadd.s32 v0, v1  }
0x84: {  	[tilespmem:s30+$0x13900] =	vst v1;
	s30 =	sor.u32 s5, s3  }
.Ltmp2:
0x85: {  	v1 =	vld [tilespmem:s30+$0x13900];
	(pc) =	sbr.rel @p1 .LBB2_6-.Ltmp2, $2  }
0x86: {  	_ =	sdelay $0x2  }
0x87: {  	s31 =	sadd.s32 $0x10, s31;
	s3 =	sand.u32 $0x7E00, s0;
	s0 =	sadd.s32 $0x40, s0  }
0x88: {  	s0 =	sand.u32 $0x70, s31;
	s3 =	sshrl.u32 s3, $0x2;
	v1 =	vadd.s32 v0, v1  }
0x89: {  	s0 =	sor.u32 s0, s3;
	[tilespmem:s30+$0x13900] =	vst v1  }
0x8a: {  	v1 =	vld [tilespmem:s0+$0x13900];
	_ =	sdelay $0x4  }
0x8b: {  	v1 =	vadd.s32 v0, v1  }
0x8c: {  	[tilespmem:s0+$0x13900] =	vst v1  }
0x8d: {  	[tilespmem:s21], [sflag:$0x1] =	stream.indirect.gather [hbm4b:s4+s20], $0x80, s17, s20, $0xb8;
	[tilespmem:$0x1E100] =	vst v63  }
0x8e: {  	s31 =	simm.s32 $0x13980  }
0x8f: {  	[tilespmem:s22], [sflag:$0x2] =	stream.indirect.gather [hbm4b:s4+s20], $0x80, s31, s20, $0xb8;
	[tilespmem:$0x1E100] =	vst v63  }
0x90: {  	_ =	swait.ge [sflag:s23], $0x4000  }
0x91: {  	[sflag:s23] =	ssyncset.done $0x0  }
0x92: {  	s3 =	simm.s32 $0x14D00;
	[sflag:s23] =	ssyncadd.s32 $0xFFFFC000  }
0x93: {  	[spmem:s1] =	stream.indirect.scatter.add.f32 [tilespmem:s21], [sflag:$0x3], $0x80, s3, s20, $0xb8;
	[tilespmem:$0x1E100] =	vst v63  }
0x94: {  	_ =	swait.ge [sflag:s18], $0x4000  }
0x95: {  	[sflag:s18] =	ssyncset.done $0x0  }
0x96: {  	s5 =	simm.s32 $0x13A00;
	[sflag:s18] =	ssyncadd.s32 $0xFFFFC000  }
0x97: {  	[tilespmem:s21], [sflag:$0x1] =	stream.indirect.gather [hbm4b:s4+s20], $0x80, s5, s20, $0xb8;
	[tilespmem:$0x1E100] =	vst v63  }
0x98: {  	_ =	swait.ge [sflag:s24], $0x4000  }
0x99: {  	[sflag:s24] =	ssyncset.done $0x0  }
0x9a: {  	s31 =	simm.s32 $0x14D80;
	[sflag:s24] =	ssyncadd.s32 $0xFFFFC000  }
0x9b: {  	[spmem:s1] =	stream.indirect.scatter.add.f32 [tilespmem:s22], [sflag:$0x3], $0x80, s31, s20, $0xb8;
	[tilespmem:$0x1E100] =	vst v63  }
0x9c: {  	_ =	swait.ge [sflag:s18], $0x4000  }
0x9d: {  	s30 =	simm.s32 $0x100;
	s0 =	simm.s32 $0x800;
	[sflag:s18] =	ssyncset.done $0x0  }
.LBB2_8:
0x9e: {  	s3 =	sadd.s32 $0x13980, s30  }
0x9f: {  	[sflag:s18] =	ssyncadd.s32 $0xFFFFC000;
	s5 =	smov.u32 s0;
	s31 =	sadd.s32 $0x400, s0  }
0xa0: {  	[tilespmem:s22], [sflag:$0x2] =	stream.indirect.gather [hbm4b:s4+s20], $0x80, s3, s20, $0xb8;
	[tilespmem:$0x1E100] =	vst v63  }
0xa1: {  	p1 =	sne.s32 s0, $0x4800;
	_ =	swait.ge [sflag:s23], $0x4000  }
0xa2: {  	[sflag:s23] =	ssyncset.done $0x0  }
0xa3: {  	s0 =	sadd.s32 $0x14D00, s30;
	[sflag:s23] =	ssyncadd.s32 $0xFFFFC000  }
0xa4: {  	[spmem:s1] =	stream.indirect.scatter.add.f32 [tilespmem:s21], [sflag:$0x3], $0x80, s0, s20, $0xb8;
	[tilespmem:$0x1E100] =	vst v63  }
0xa5: {  	_ =	swait.ge [sflag:s18], $0x4000  }
0xa6: {  	[sflag:s18] =	ssyncset.done $0x0  }
0xa7: {  	s0 =	sadd.s32 $0x13A00, s30;
	[sflag:s18] =	ssyncadd.s32 $0xFFFFC000  }
0xa8: {  	[tilespmem:s21], [sflag:$0x1] =	stream.indirect.gather [hbm4b:s4+s20], $0x80, s0, s20, $0xb8;
	[tilespmem:$0x1E100] =	vst v63  }
0xa9: {  	_ =	swait.ge [sflag:s24], $0x4000  }
.Ltmp3:
0xaa: {  	[sflag:s24] =	ssyncset.done $0x0;
	(pc) =	sbr.rel @p1 .LBB2_8-.Ltmp3, $4  }
0xab: {  	s0 =	sadd.s32 $0x14D80, s30;
	[sflag:s24] =	ssyncadd.s32 $0xFFFFC000  }
0xac: {  	[spmem:s1] =	stream.indirect.scatter.add.f32 [tilespmem:s22], [sflag:$0x3], $0x80, s0, s20, $0xb8;
	[tilespmem:$0x1E100] =	vst v63  }
0xad: {  	_ =	swait.ge [sflag:s18], $0x4000  }
0xae: {  	s30 =	sshra.s32 s5, $0x2;
	s0 =	smov.u32 s31;
	[sflag:s18] =	ssyncset.done $0x0  }
0xaf: {  	s0 =	sadd.s32 $0x13980, s30;
	[sflag:s18] =	ssyncadd.s32 $0xFFFFC000  }
0xb0: {  	[tilespmem:s22], [sflag:$0x2] =	stream.indirect.gather [hbm4b:s4+s20], $0x80, s0, s20, $0xb8;
	[tilespmem:$0x1E100] =	vst v63  }
0xb1: {  	_ =	swait.ge [sflag:s23], $0x4000  }
0xb2: {  	[sflag:s23] =	ssyncset.done $0x0  }
0xb3: {  	s3 =	sadd.s32 $0x14D00, s30;
	[sflag:s23] =	ssyncadd.s32 $0xFFFFC000  }
0xb4: {  	[spmem:s1] =	stream.indirect.scatter.add.f32 [tilespmem:s21], [sflag:$0x3], $0x80, s3, s20, $0xb8;
	[tilespmem:$0x1E100] =	vst v63  }
0xb5: {  	_ =	swait.ge [sflag:s18], $0x4000  }
0xb6: {  	[sflag:s18] =	ssyncset.done $0x0  }
0xb7: {  	s5 =	sadd.s32 $0x13A00, s30;
	[sflag:s18] =	ssyncadd.s32 $0xFFFFC000  }
0xb8: {  	[tilespmem:s21], [sflag:$0x1] =	stream.indirect.gather [hbm4b:s4+s20], $0x80, s5, s20, $0xb8;
	[tilespmem:$0x1E100] =	vst v63  }
0xb9: {  	_ =	swait.ge [sflag:s24], $0x4000  }
0xba: {  	[sflag:s24] =	ssyncset.done $0x0  }
0xbb: {  	s31 =	sadd.s32 $0x14D80, s30;
	[sflag:s24] =	ssyncadd.s32 $0xFFFFC000  }
0xbc: {  	[spmem:s1] =	stream.indirect.scatter.add.f32 [tilespmem:s22], [sflag:$0x3], $0x80, s31, s20, $0xb8;
	[tilespmem:$0x1E100] =	vst v63  }
0xbd: {  	_ =	swait.ge [sflag:s18], $0x4000  }
0xbe: {  	[sflag:s18] =	ssyncset.done $0x0  }
0xbf: {  	[sflag:s18] =	ssyncadd.s32 $0xFFFFC000  }
0xc0: {  	[tilespmem:s22], [sflag:$0x2] =	stream.indirect.gather [hbm4b:s4+s20], $0x80, s25, s20, $0xb8;
	[tilespmem:$0x1E100] =	vst v63  }
0xc1: {  	_ =	swait.ge [sflag:s23], $0x4000  }
0xc2: {  	[sflag:s23] =	ssyncset.done $0x0  }
0xc3: {  	[sflag:s23] =	ssyncadd.s32 $0xFFFFC000  }
0xc4: {  	[spmem:s1] =	stream.indirect.scatter.add.f32 [tilespmem:s21], [sflag:$0x3], $0x80, s26, s20, $0xb8;
	[tilespmem:$0x1E100] =	vst v63  }
0xc5: {  	_ =	swait.ge [sflag:s18], $0x4000  }
0xc6: {  	[sflag:s18] =	ssyncset.done $0x0  }
0xc7: {  	[sflag:s18] =	ssyncadd.s32 $0xFFFFC000  }
0xc8: {  	_ =	swait.ge [sflag:s24], $0x4000  }
0xc9: {  	[sflag:s24] =	ssyncset.done $0x0  }
0xca: {  	[sflag:s24] =	ssyncadd.s32 $0xFFFFC000  }
0xcb: {  	[spmem:s1] =	stream.indirect.scatter.add.f32 [tilespmem:s22], [sflag:$0x3], $0x80, s28, s20, $0xb8;
	[tilespmem:$0x1E100] =	vst v63  }
0xcc: {  	_ =	swait.ge [sflag:s18], $0x4000  }
0xcd: {  	[sflag:s18] =	ssyncset.done $0x0  }
0xce: {  	[sflag:s18] =	ssyncadd.s32 $0xFFFFC000  }
0xcf: {  	s0 =	simm.s32 @p0 $0x1FC3;
	[bflag:$0x0] =	sbarrier.arrive $0xFFFF  }
0xd0: {  	[hbm:s12], [sflag:s0] =	dma.local @p0 [spmem:s14], $0x2800  }
0xd1: {  	s0 =	simm.s32 @p0 $0x3  }
0xd2: {  	_ =	swait.ge @p0 [sflag:s0], $0x2800  }
0xd3: {  	s29 =	sadd.s32 $0x1, s29;
	[sflag:s0] =	ssyncset.done @p0 $0x0  }
0xd4: {  	p1 =	sne.s32 s29, s13;
	[sflag:s0] =	ssyncadd.s32 @p0 $0xFFFFD800;
	s0 =	simm.s32 @!p0 $0x3  }
0xd5: {  	[hbm:s11], [sflag:s15] =	dma.local @!p0 [spmem:s16], $0x2700  }
.Ltmp4:
0xd6: {  	_ =	swait.ge @!p0 [sflag:s0], $0x2700;
	(pc) =	sbr.rel @p1 .LBB2_1-.Ltmp4, $3  }
0xd7: {  	[sflag:s0] =	ssyncset.done @!p0 $0x0  }
0xd8: {  	[sflag:s0] =	ssyncadd.s32 @!p0 $0xFFFFD900  }
0xd9: {  	[bflag:$0x0] =	sbarrier.arrive $0xFFFF;
	_ =	sdelay $0x1  }
0xda: {  	_ =	sfence.sel $0x180000  }
0xdb: {  	[bflag:$0x0] =	sbarrier.arrive $0xFFFF  }
0xdc: {  	_ =	strace $0x9000004A  }
0xdd: {  	s0 =	stileid.u32;
	[bflag:$0x2] =	sbarrier.arrive $0xFFFF  }
0xde: {  	p0 =	sne.s32 s0, $0x0;
	s0 =	rddreg [dreg:$0x2]  }
0xdf: {  	s0 =	sadd.s32 @!p0 $0x100000, s0  }
0xe0: {  	[sflag:s0] =	ssyncadd.tile.s32 @!p0 $0x1;
	_ =	shalt  }
.Lfunc_end2:
_tile_overlayer_lowered:
.L_overlay_start_2:
0xe1: {  	(tag) =	ssettag $0x2  }
0xe2: {  	s0 =	rddreg [dreg:$0x0];
	s2 =	stileid.u32  }
0xe3: {  	s1 =	rddreg [dreg:$0x1];
	p0 =	sne.s32 s2, $0x0  }
0xe4: {  	s3 =	rddreg [dreg:$0x2];
	[bflag:$0x3] =	sbarrier.arrive $0xFFFF;
	s2 =	simm.s32 @!p0 $0x1C03  }
0xe5: {  	[timem:s3], [sflag:s2] =	dma.local @!p0 [hbm:s0], s1  }
0xe6: {  	s0 =	simm.s32 @!p0 $0x3  }
0xe7: {  	_ =	swait.ge @!p0 [sflag:s0], s1  }
0xe8: {  	s1 =	ssub.s32 @!p0 $0x0, s1;
	[sflag:s0] =	ssyncset.done @!p0 $0x0  }
0xe9: {  	[sflag:s0] =	ssyncadd.s32 @!p0 s1  }
0xea: {  	[bflag:$0x3] =	sbarrier.arrive $0xFFFF  }
0xeb: {  	_ =	shalt  }

// kernel: kernel.14.cloned.1.call-start
scs
__scs_entry_jumppad:
0x0: {  	(pc) =	sbr.rel $0x88, $3  }
0x1: {  	(tag) =	ssettag $0x0;
	lr =	simm.s32 $0x1  }
0x2: {  	[smem:$0x3F99] =	sst lr;
	_ =	strace $0xD0000000  }
0x3: {  	_ = 	snop  }
0x4: {  	_ = 	snop  }
0x5: {  	_ = 	snop  }
0x6: {  	_ = 	snop  }
0x7: {  	_ = 	snop  }
__scs_overlays_trampoline_lowered:
0x8: {  	[smem:$0x3FA8] =	sst s0  }
0x9: {  	[smem:$0x3FA9] =	sst s1  }
0xa: {  	[smem:$0x3FAA] =	sst s2  }
0xb: {  	[smem:$0x3FAB] =	sst s3  }
0xc: {  	[smem:$0x3FAC] =	sst s4  }
0xd: {  	[smem:$0x3FAD] =	sst s5  }
0xe: {  	[smem:$0x3FAE] =	sst s6  }
0xf: {  	[smem:$0x3FAF] =	sst s7  }
0x10: {  	[smem:$0x3FB0] =	sst s8  }
0x11: {  	[smem:$0x3FB1] =	sst s9;
	s0 =	simm.s32 @!p0 $0x0  }
0x12: {  	s1 =	sld [smem:$0x3F97];
	s0 =	simm.s32 @p0 $0x1  }
0x13: {  	[smem:$0x3FB2] =	sst s0;
	s0 =	simm.s32 @!p1 $0x0  }
0x14: {  	s2 =	sld [smem:$0x3F96];
	s0 =	simm.s32 @p1 $0x1  }
0x15: {  	[smem:$0x3FB3] =	sst s0;
	s0 =	simm.s32 @!p2 $0x0  }
0x16: {  	s3 =	sld [smem:$0x3FDB];
	s0 =	simm.s32 @p2 $0x1  }
0x17: {  	s4 =	simm.s32 $0x1BF5;
	[smem:$0x3FB5] =	sst s0  }
0x18: {  	s0 =	sld [smem:$0x3F98];
	_ =	swait.ge [sflag:s4], $0x0  }
0x19: {  	s7 =	sld [smem:$0x3F99]  }
0x1a: {  	s8 =	sadd.s32 $0xFFFFE003, lr  }
0x1b: {  	s9 =	sadd.s32 $0xFFFFFEF7, lr;
	s5 =	simm.s32 $0xFFFFFFFF;
	p2 =	slt.u32 s8, $0xFFFFF086  }
0x1c: {  	p1 =	slt.u32 s9, $0xF7A;
	s5 =	simm.s32 @!p2 $0x0  }
0x1d: {  	s5 =	simm.s32 @p1 $0x1;
	p0 =	seq.s32 s7, s2  }
0x1e: {  	s7 =	smul.u32 @!p0 $0xF7A, s2;
	p2 =	seq.s32 @!p0 s5, $0x0  }
0x1f: {  	s9 =	smul.u32 $0xF7A, s1;
	s8 =	simm.s32 @!p0 $0x1BF5;
	p2 =	por !p2, p0  }
0x20: {  	[sflag:s8] =	ssyncset.s32 @!p0 $0xFFFFF086;
	s6 =	sadd.s32 @!p0 s3, s7;
	s7 =	simm.s32 @!p0 $0x108  }
0x21: {  	s3 =	sadd.s32 s3, s9;
	s6 =	sadd.s32 @!p0 $0x88, s6;
	s7 =	simm.s32 @p2 $0x1082  }
0x22: {  	[simem:s7], [sflag:s8] =	dma.local @!p0 [hbm:s6], $0xF7A  }
0x23: {  	s9 =	sor.u32 $0xD0000000, s2;
	s6 =	simm.s32 $0x108;
	_ =	swait.ge @!p0 [sflag:s8], $0x0  }
0x24: {  	s3 =	sadd.s32 $0x88, s3;
	s6 =	simm.s32 @!p1 $0x1082;
	[sflag:s4] =	ssyncset.s32 $0xFFFFF086  }
0x25: {  	[simem:s6], [sflag:s4] =	dma.local [hbm:s3], $0xF7A  }
0x26: {  	[smem:$0x3F99] =	sst s1;
	(tag) =	ssettag s2;
	_ =	strace s9  }
0x27: {  	s1 =	sld [smem:$0x3FA9]  }
0x28: {  	s2 =	sld [smem:$0x3FAA]  }
0x29: {  	s4 =	sld [smem:$0x3FAC]  }
0x2a: {  	p0 =	seq.s32 s5, $0x0;
	s5 =	sld [smem:$0x3FAD]  }
0x2b: {  	s6 =	sld [smem:$0x3FAE]  }
0x2c: {  	s7 =	sld [smem:$0x3FAF]  }
0x2d: {  	s3 =	simm.s32 $0x108;
	s8 =	sld [smem:$0x3FB0]  }
0x2e: {  	s3 =	simm.s32 @!p0 $0x1082;
	s9 =	sld [smem:$0x3FB1]  }
0x2f: {  	lr =	sadd.s32 s0, s3;
	s0 =	sld [smem:$0x3FA8]  }
0x30: {  	s3 =	sld [smem:$0x3FAB]  }
0x31: {  	[smem:$0x3FB4] =	sst s10  }
0x32: {  	s10 =	sld [smem:$0x3FB2];
	_ =	sdelay $0x3  }
0x33: {  	p0 =	seq.s32 s10, $0x1;
	s10 =	sld [smem:$0x3FB4];
	_ =	sdelay $0x3  }
0x34: {  	[smem:$0x3FB4] =	sst s10  }
0x35: {  	s10 =	sld [smem:$0x3FB3];
	_ =	sdelay $0x3  }
0x36: {  	p1 =	seq.s32 s10, $0x1;
	s10 =	sld [smem:$0x3FB4];
	_ =	sdelay $0x3  }
0x37: {  	[smem:$0x3FB4] =	sst s10  }
0x38: {  	s10 =	sld [smem:$0x3FB5]  }
0x39: {  	_ = 	snop;
	(pc) =	sbr.ind lr, $3  }
0x3a: {  	_ = 	snop  }
0x3b: {  	_ = 	snop  }
0x3c: {  	p2 =	seq.s32 s10, $0x1;
	s10 =	sld [smem:$0x3FB4]  }
0x3d: {  	_ =	shalt  }
0x3e: {  	_ =	shalt  }
0x3f: {  	_ =	shalt  }
0x40: {  	_ =	shalt  }
0x41: {  	_ =	shalt  }
0x42: {  	_ =	shalt  }
0x43: {  	_ =	shalt  }
0x44: {  	_ =	shalt  }
0x45: {  	_ =	shalt  }
0x46: {  	_ =	shalt  }
0x47: {  	_ =	shalt  }
0x48: {  	_ =	shalt  }
0x49: {  	_ =	shalt  }
0x4a: {  	_ =	shalt  }
0x4b: {  	_ =	shalt  }
0x4c: {  	_ =	shalt  }
0x4d: {  	_ =	shalt  }
0x4e: {  	_ =	shalt  }
0x4f: {  	_ =	shalt  }
0x50: {  	_ =	shalt  }
0x51: {  	_ =	shalt  }
0x52: {  	_ =	shalt  }
0x53: {  	_ =	shalt  }
0x54: {  	_ =	shalt  }
0x55: {  	_ =	shalt  }
0x56: {  	_ =	shalt  }
0x57: {  	_ =	shalt  }
0x58: {  	_ =	shalt  }
0x59: {  	_ =	shalt  }
0x5a: {  	_ =	shalt  }
0x5b: {  	_ =	shalt  }
0x5c: {  	_ =	shalt  }
0x5d: {  	_ =	shalt  }
0x5e: {  	_ =	shalt  }
0x5f: {  	_ =	shalt  }
0x60: {  	_ =	shalt  }
0x61: {  	_ =	shalt  }
0x62: {  	_ =	shalt  }
0x63: {  	_ =	shalt  }
0x64: {  	_ =	shalt  }
0x65: {  	_ =	shalt  }
0x66: {  	_ =	shalt  }
0x67: {  	_ =	shalt  }
0x68: {  	_ =	shalt  }
0x69: {  	_ =	shalt  }
0x6a: {  	_ =	shalt  }
0x6b: {  	_ =	shalt  }
0x6c: {  	_ =	shalt  }
0x6d: {  	_ =	shalt  }
0x6e: {  	_ =	shalt  }
0x6f: {  	_ =	shalt  }
0x70: {  	_ =	shalt  }
0x71: {  	_ =	shalt  }
0x72: {  	_ =	shalt  }
0x73: {  	_ =	shalt  }
0x74: {  	_ =	shalt  }
0x75: {  	_ =	shalt  }
0x76: {  	_ =	shalt  }
0x77: {  	_ =	shalt  }
0x78: {  	_ =	shalt  }
0x79: {  	_ =	shalt  }
0x7a: {  	_ =	shalt  }
0x7b: {  	_ =	shalt  }
0x7c: {  	_ =	shalt  }
0x7d: {  	_ =	shalt  }
0x7e: {  	_ =	shalt  }
0x7f: {  	_ =	shalt  }
0x80: {  	_ =	shalt  }
0x81: {  	_ =	shalt  }
0x82: {  	_ =	shalt  }
0x83: {  	_ =	shalt  }
0x84: {  	_ =	shalt  }
0x85: {  	_ =	shalt  }
0x86: {  	_ =	shalt  }
0x87: {  	_ =	shalt  }
.Lfunc_end0:
.L_simem_size_0:
called_computation.2_lowered:
.L_overlay_start_0:
0x88: {  	s2 =	sld [smem:$0x3FD9]  }
0x89: {  	s3 =	sld [smem:$0x3FFE];
	_ =	sdelay $0x1  }
0x8a: {  	s1 =	srdreg.scid  }
0x8b: {  	s0 =	sand.u32 $0x1, s1  }
0x8c: {  	s16 =	sshll.u32 s0, $0xA;
	s2 =	sadd.s32 s3, s2  }
0x8d: {  	s2 =	sadd.s32 s2, s16  }
0x8e: {  	[smem:$0x3FC0] =	sst s2  }
0x8f: {  	_ = 	snop  }
0x90: {  	(tm) =	ssettm $0x1  }
0x91: {  	s17 =	sld [smem:$0x3FFB];
	_ =	sdelay $0x3  }
0x92: {  	_ =	strace s17  }
0x93: {  	s2 =	sld [smem:$0x3FFC];
	_ =	sdelay $0x3  }
0x94: {  	_ =	strace s2  }
0x95: {  	s2 =	sld [smem:$0x3FFD];
	_ =	sdelay $0x3  }
0x96: {  	_ =	strace s2  }
0x97: {  	_ =	strace $0x8FFFFFFF  }
0x98: {  	s18 =	sld [smem:$0x3FDB];
	_ =	sdelay $0x1  }
0x99: {  	s19 =	simm.s32 $_scs_section_size  }
0x9a: {  	s4 =	simm.s32 $_size__tile_overlayer_lowered;
	s5 =	simm.s32 $_tile_overlayer_lowered  }
0x9b: {  	s22 =	simm.s32 $0x1BFF;
	s21 =	sshll.u32 s5, $0x1;
	s2 =	sadd.s32 s19, s18  }
0x9c: {  	s6 =	simm.s32 $0x0;
	s20 =	sshll.u32 s4, $0x1;
	s4 =	sadd.s32 s21, s2  }
0x9d: {  	[timem:s6], [sflag:s22] =	dma.local [hbm:s4], s20  }
0x9e: {  	_ =	swait.ge [sflag:s22], s20  }
0x9f: {  	s3 =	ssub.s32 $0x0, s20;
	[sflag:s22] =	ssyncset.done $0x0  }
0xa0: {  	[sflag:s22] =	ssyncadd.s32 s3;
	_ =	sdelay $0x1  }
0xa1: {  	s23 =	simm.s32 $0x1B8B  }
0xa2: {  	_ =	swait.ge [sflag:s23], $0x1  }
0xa3: {  	[sflag:s23] =	ssyncset.done $0x0  }
0xa4: {  	s25 =	simm.s32 $0x1B8E;
	s24 =	sld [smem:$0x3FFE];
	[sflag:s23] =	ssyncadd.s32 $0xFFFFFFFF  }
0xa5: {  	s26 =	simm.s32 $execute0_lowered;
	[smem:$0x3FD2] =	sst s25  }
0xa6: {  	s4 =	sshll.u32 s26, $0x1;
	_ =	strace $0x8000004C;
	[dreg:$0x1] =	wrdreg $0xFFFFFFFF  }
0xa7: {  	s28 =	simm.s32 $_size_execute0_lowered;
	s2 =	sadd.s32 s2, s4;
	[dreg:$0x0] =	wrdreg $0x0  }
0xa8: {  	s4 =	sshll.u32 s28, $0x1;
	[dreg:$0x2] =	wrdreg s2  }
0xa9: {  	[dreg:$0x3] =	wrdreg s4  }
0xaa: {  	[dreg:$0x4] =	wrdreg $0xC0  }
0xab: {  	_ =	task [dreg:s6], $0x5FFFF  }
0xac: {  	[dreg:$0x1] =	wrdreg $0xFFFFFFFF  }
0xad: {  	[dreg:$0x0] =	wrdreg $0x60  }
0xae: {  	[dreg:$0x2] =	wrdreg s24  }
0xaf: {  	[dreg:$0x3] =	wrdreg $0x0  }
0xb0: {  	[dreg:$0x4] =	wrdreg $0x9  }
0xb1: {  	_ =	task.clear_ibuf [dreg:s6], $0x5FFFF;
	_ =	strace $0x9000004C  }
0xb2: {  	s29 =	simm.s32 $0x9;
	_ =	strace $0x8000004E  }
0xb3: {  	_ =	swait.ge [sflag:s29], $0x1  }
0xb4: {  	[sflag:s29] =	ssyncadd.s32 $0xFFFFFFFF  }
0xb5: {  	_ =	strace $0x9000004E  }
0xb6: {  	_ =	sfence  }
0xb7: {  	s30 =	sld [smem:$0x0];
	_ =	sdelay $0x2  }
0xb8: {  	s31 =	sshll.u32 s1, $0xD;
	s1 =	sshrl.u32 s1, $0x2  }
0xb9: {  	s3 =	sand.u32 $0x4000, s31;
	s1 =	sadd.s32 s1, s30  }
0xba: {  	s0 =	sor.u32 s3, s0;
	s1 =	sshll.u32 s1, $0x11  }
0xbb: {  	s0 =	sor.u32 s1, s0  }
0xbc: {  	s0 =	sadd.s32 $0x8F2B, s0  }
0xbd: {  	[sflag:s0] =	ssyncadd.remote.s32 $0x1  }
0xbe: {  	_ =	sfence.sel $0xFFFF  }
0xbf: {  	[dreg:$0x0] =	wrdreg $0xFFFFFFFF;
	(pc) =	sbr.abs _section_cstart, $3  }
0xc0: {  	[dreg:$0x1] =	wrdreg $0xFFFFFFFF  }
0xc1: {  	_ =	task.clear_ibuf [dreg:s6], $0x2FFFF;
	_ =	strace $0x9FFFFFFF  }
0xc2: {  	(tm) =	ssettm $0x7FFFFFFF  }
0xc3: {  	_ =	shalt  }
tec
execute0_lowered:
.L_overlay_start_1:
0x0: {  	(tag) =	ssettag $0x1  }
0x1: {  	s0 =	rddreg [dreg:$0x0]  }
0x2: {  	s1 =	rddreg [dreg:$0x1];
	s2 =	simm.s32 $0x0;
	s3 =	srdreg.scid  }
0x3: {  	s20 =	stileid.u32;
	s28 =	simm.s32 $0x2;
	s29 =	simm.s32 $0x14C80  }
0x4: {  	s31 =	simm.s32 $0x16080;
	[smem:$0x7FF] =	sst s2;
	s7 =	smul.u32 $0x4E000, s20  }
0x5: {  	s3 =	sand.u32 $0x1, s3;
	s4 =	sadd.s32 $0xB000, s0;
	s11 =	smul.u32 $0x270, s20  }
0x6: {  	s6 =	sadd.s32 $0x1000, s0;
	s8 =	sadd.s32 $0x6000, s0;
	s19 =	smul.u32 $0x500, s20  }
0x7: {  	s0 =	sadd.s32 $0xA7400, s0;
	s12 =	smul.u32 $0x2800, s20;
	s22 =	sadd.s32 $0x124800, s1  }
0x8: {  	p0 =	seq.s32 s20, $0xF;
	s20 =	simm.s32 $0x13900;
	s5 =	smul.u32 $0x2710, s3  }
0x9: {  	_ =	strace $0x8000004D;
	s9 =	ssub.s32 $0x2, s3;
	s3 =	smul.u32 $0x138800, s3  }
0xa: {  	[dreg:$0x5] =	wrdreg s22;
	s22 =	simm.s32 $0x14D00;
	s10 =	sshrl.u32 s9, $0x1  }
0xb: {  	s7 =	sshrl.u32 s7, $0x2;
	s12 =	sshrl.u32 s12, $0x3;
	s13 =	ssub.s32 s9, s10  }
0xc: {  	s7 =	sadd.s32 s7, s1;
	s18 =	sadd.s32 s11, s5;
	s3 =	sshrl.u32 s3, $0x3  }
0xd: {  	s9 =	sadd.s32 s6, s19;
	s30 =	sadd.s32 $0x4E20, s5;
	s10 =	sadd.s32 s8, s19  }
0xe: {  	s12 =	sadd.s32 $0x280, s12;
	[dreg:$0x3] =	wrdreg s7;
	s7 =	sshll.u32 s18, $0x4  }
0xf: {  	s14 =	sadd.s32 $0x24900, s3;
	s15 =	sadd.s32 s11, s30;
	s11 =	sadd.s32 s6, s12  }
0x10: {  	s12 =	sadd.s32 s8, s12;
	s3 =	sadd.s32 $0x72B00, s3;
	s18 =	smax.u32 s13, $0x1  }
0x11: {  	v1 =	vmov s30;
	s30 =	simm.s32 $0x16000;
	s21 =	sadd.s32 s4, s7;
	s23 =	sadd.s32 s4, s14  }
0x12: {  	s24 =	sshll.u32 s15, $0x4;
	s7 =	sadd.s32 s0, s7;
	[dreg:$0x4] =	wrdreg s21  }
0x13: {  	s26 =	sadd.s32 s0, s14;
	s16 =	sadd.s32 s4, s3;
	[dreg:$0x6] =	wrdreg s23  }
0x14: {  	s17 =	sadd.s32 s0, s3;
	[dreg:$0x7] =	wrdreg s7;
	s25 =	sadd.s32 s4, s24  }
0x15: {  	[dreg:$0x9] =	wrdreg s26;
	s19 =	sadd.s32 s0, s24;
	s21 =	simm.s32 $0x3  }
0x16: {  	s23 =	simm.s32 $0x80;
	s24 =	simm.s32 $0x16100;
	s26 =	simm.s32 $0x1  }
0x17: {  	v0 =	vmov s5;
	s0 =	simm.s32 $0x0;
	[dreg:$0x8] =	wrdreg s25;
	s25 =	simm.s32 $0x1A100  }
.LBB2_1:
0x18: {  	s3 =	rddreg [dreg:$0x5]  }
0x19: {  	s5 =	simm.s32 @p0 $0x1FC3;
	s6 =	rddreg [dreg:$0x6];
	s3 =	sshrl.u32 @p0 s3, $0x3  }
0x1a: {  	[spmem:s3], [sflag:s5] =	dma.local @p0 [hbm:s6], $0x2800  }
0x1b: {  	s5 =	simm.s32 @p0 $0x3  }
0x1c: {  	s6 =	stileid.u32;
	_ =	swait.ge @p0 [sflag:s5], $0x2800  }
0x1d: {  	s6 =	sshll.u32 @!p0 s6, $0x6;
	[sflag:s5] =	ssyncset.done @p0 $0x0  }
0x1e: {  	[sflag:s5] =	ssyncadd.s32 @p0 $0xFFFFD800;
	s5 =	sor.u32 @!p0 $0x1C03, s6;
	s6 =	rddreg [dreg:$0x3]  }
0x1f: {  	s7 =	rddreg [dreg:$0x4];
	s6 =	sshrl.u32 @!p0 s6, $0x3  }
0x20: {  	[spmem:s6], [sflag:s5] =	dma.local @!p0 [hbm:s7], $0x2700  }
0x21: {  	s7 =	simm.s32 @!p0 $0x3  }
0x22: {  	_ =	swait.ge @!p0 [sflag:s7], $0x2700  }
0x23: {  	[sflag:s7] =	ssyncset.done @!p0 $0x0  }
0x24: {  	[sflag:s7] =	ssyncadd.s32 @!p0 $0xFFFFD900  }
0x25: {  	[bflag:$0x0] =	sbarrier.arrive $0xFFFF  }
0x26: {  	[tilespmem:s20], [sflag:$0x3] =	stream.linear.gather [hbm4b:s9+s2], $0x1400, $0x38;
	[tilespmem:$0x1E100] =	vst v63  }
0x27: {  	_ =	swait.ge [sflag:s21], $0x1400  }
0x28: {  	[sflag:s21] =	ssyncset.done $0x0  }
0x29: {  	[sflag:s21] =	ssyncadd.s32 $0xFFFFEC00  }
0x2a: {  	[tilespmem:s22], [sflag:$0x3] =	stream.linear.gather [hbm4b:s10+s2], $0x1400, $0x38;
	[tilespmem:$0x1E100] =	vst v63  }
0x2b: {  	s15 =	sand.u32 $0x7E00, s2;
	_ =	swait.ge [sflag:s21], $0x1400  }
0x2c: {  	s8 =	sand.u32 $0x70, s2;
	s7 =	sshrl.u32 s15, $0x2;
	[sflag:s21] =	ssyncset.done $0x0  }
0x2d: {  	s7 =	sor.u32 s8, s7;
	[sflag:s21] =	ssyncadd.s32 $0xFFFFEC00  }
0x2e: {  	v2 =	vld [tilespmem:s7+$0x13900];
	_ =	sdelay $0x2  }
0x2f: {  	s13 =	simm.s32 $0x40  }
0x30: {  	s14 =	sand.u32 $0x7E00, s13;
	s13 =	simm.s32 $0x80;
	s8 =	simm.s32 $0x10  }
.LBB2_2:
0x31: {  	p1 =	sne.s32 s13, $0x4FC0;
	s15 =	sand.u32 $0x70, s8;
	s14 =	sshrl.u32 s14, $0x2;
	v2 =	vadd.s32 v0, v2  }
0x32: {  	[tilespmem:s7+$0x13900] =	vst v2;
	s7 =	sor.u32 s15, s14  }
.Ltmp0:
0x33: {  	v2 =	vld [tilespmem:s7+$0x13900];
	(pc) =	sbr.rel @p1 .LBB2_2-.Ltmp0, $2  }
0x34: {  	_ =	sdelay $0x2  }
0x35: {  	s8 =	sadd.s32 $0x10, s8;
	s14 =	sand.u32 $0x7E00, s13;
	s13 =	sadd.s32 $0x40, s13  }
0x36: {  	s8 =	sand.u32 $0x70, s8;
	s13 =	sshrl.u32 s14, $0x2;
	v2 =	vadd.s32 v0, v2  }
0x37: {  	s8 =	sor.u32 s8, s13;
	[tilespmem:s7+$0x13900] =	vst v2  }
0x38: {  	v2 =	vld [tilespmem:s8+$0x13900];
	_ =	sdelay $0x4  }
0x39: {  	v2 =	vadd.s32 v0, v2  }
0x3a: {  	[tilespmem:s8+$0x13900] =	vst v2  }
0x3b: {  	[tilespmem:s24], [sflag:$0x1] =	stream.indirect.gather [hbm4b:s4+s23], $0x80, s20, s23, $0xb8;
	[tilespmem:$0x1E100] =	vst v63  }
0x3c: {  	s8 =	simm.s32 $0x13980  }
0x3d: {  	[tilespmem:s25], [sflag:$0x2] =	stream.indirect.gather [hbm4b:s4+s23], $0x80, s8, s23, $0xb8;
	[tilespmem:$0x1E100] =	vst v63  }
0x3e: {  	_ =	swait.ge [sflag:s26], $0x4000  }
0x3f: {  	[sflag:s26] =	ssyncset.done $0x0  }
0x40: {  	s13 =	simm.s32 $0x14D00;
	[sflag:s26] =	ssyncadd.s32 $0xFFFFC000  }
0x41: {  	[spmem:s1] =	stream.indirect.scatter.add.f32 [tilespmem:s24], [sflag:$0x3], $0x80, s13, s23, $0xb8;
	[tilespmem:$0x1E100] =	vst v63  }
0x42: {  	_ =	swait.ge [sflag:s21], $0x4000  }
0x43: {  	[sflag:s21] =	ssyncset.done $0x0  }
0x44: {  	s14 =	simm.s32 $0x13A00;
	[sflag:s21] =	ssyncadd.s32 $0xFFFFC000  }
0x45: {  	[tilespmem:s24], [sflag:$0x1] =	stream.indirect.gather [hbm4b:s4+s23], $0x80, s14, s23, $0xb8;
	[tilespmem:$0x1E100] =	vst v63  }
0x46: {  	_ =	swait.ge [sflag:s28], $0x4000  }
0x47: {  	[sflag:s28] =	ssyncset.done $0x0  }
0x48: {  	s15 =	simm.s32 $0x14D80;
	[sflag:s28] =	ssyncadd.s32 $0xFFFFC000  }
0x49: {  	[spmem:s1] =	stream.indirect.scatter.add.f32 [tilespmem:s25], [sflag:$0x3], $0x80, s15, s23, $0xb8;
	[tilespmem:$0x1E100] =	vst v63  }
0x4a: {  	_ =	swait.ge [sflag:s21], $0x4000  }
0x4b: {  	s7 =	simm.s32 $0x100;
	s8 =	simm.s32 $0x800;
	[sflag:s21] =	ssyncset.done $0x0  }
.LBB2_4:
0x4c: {  	s13 =	sadd.s32 $0x13980, s7  }
0x4d: {  	[sflag:s21] =	ssyncadd.s32 $0xFFFFC000;
	s14 =	smov.u32 s8;
	s15 =	sadd.s32 $0x400, s8  }
0x4e: {  	[tilespmem:s25], [sflag:$0x2] =	stream.indirect.gather [hbm4b:s4+s23], $0x80, s13, s23, $0xb8;
	[tilespmem:$0x1E100] =	vst v63  }
0x4f: {  	p1 =	sne.s32 s8, $0x4800;
	_ =	swait.ge [sflag:s26], $0x4000  }
0x50: {  	[sflag:s26] =	ssyncset.done $0x0  }
0x51: {  	s8 =	sadd.s32 $0x14D00, s7;
	[sflag:s26] =	ssyncadd.s32 $0xFFFFC000  }
0x52: {  	[spmem:s1] =	stream.indirect.scatter.add.f32 [tilespmem:s24], [sflag:$0x3], $0x80, s8, s23, $0xb8;
	[tilespmem:$0x1E100] =	vst v63  }
0x53: {  	_ =	swait.ge [sflag:s21], $0x4000  }
0x54: {  	[sflag:s21] =	ssyncset.done $0x0  }
0x55: {  	s8 =	sadd.s32 $0x13A00, s7;
	[sflag:s21] =	ssyncadd.s32 $0xFFFFC000  }
0x56: {  	[tilespmem:s24], [sflag:$0x1] =	stream.indirect.gather [hbm4b:s4+s23], $0x80, s8, s23, $0xb8;
	[tilespmem:$0x1E100] =	vst v63  }
0x57: {  	_ =	swait.ge [sflag:s28], $0x4000  }
.Ltmp1:
0x58: {  	[sflag:s28] =	ssyncset.done $0x0;
	(pc) =	sbr.rel @p1 .LBB2_4-.Ltmp1, $4  }
0x59: {  	s7 =	sadd.s32 $0x14D80, s7;
	[sflag:s28] =	ssyncadd.s32 $0xFFFFC000  }
0x5a: {  	[spmem:s1] =	stream.indirect.scatter.add.f32 [tilespmem:s25], [sflag:$0x3], $0x80, s7, s23, $0xb8;
	[tilespmem:$0x1E100] =	vst v63  }
0x5b: {  	_ =	swait.ge [sflag:s21], $0x4000  }
0x5c: {  	s8 =	smov.u32 s15;
	s7 =	sshra.s32 s14, $0x2;
	[sflag:s21] =	ssyncset.done $0x0  }
0x5d: {  	s8 =	sadd.s32 $0x13980, s7;
	[sflag:s21] =	ssyncadd.s32 $0xFFFFC000  }
0x5e: {  	[tilespmem:s25], [sflag:$0x2] =	stream.indirect.gather [hbm4b:s4+s23], $0x80, s8, s23, $0xb8;
	[tilespmem:$0x1E100] =	vst v63  }
0x5f: {  	_ =	swait.ge [sflag:s26], $0x4000  }
0x60: {  	[sflag:s26] =	ssyncset.done $0x0  }
0x61: {  	s14 =	sadd.s32 $0x14D00, s7;
	[sflag:s26] =	ssyncadd.s32 $0xFFFFC000  }
0x62: {  	[spmem:s1] =	stream.indirect.scatter.add.f32 [tilespmem:s24], [sflag:$0x3], $0x80, s14, s23, $0xb8;
	[tilespmem:$0x1E100] =	vst v63  }
0x63: {  	_ =	swait.ge [sflag:s21], $0x4000  }
0x64: {  	[sflag:s21] =	ssyncset.done $0x0  }
0x65: {  	s15 =	sadd.s32 $0x13A00, s7;
	[sflag:s21] =	ssyncadd.s32 $0xFFFFC000  }
0x66: {  	[tilespmem:s24], [sflag:$0x1] =	stream.indirect.gather [hbm4b:s4+s23], $0x80, s15, s23, $0xb8;
	[tilespmem:$0x1E100] =	vst v63  }
0x67: {  	_ =	swait.ge [sflag:s28], $0x4000  }
0x68: {  	[sflag:s28] =	ssyncset.done $0x0  }
0x69: {  	s13 =	sadd.s32 $0x14D80, s7;
	[sflag:s28] =	ssyncadd.s32 $0xFFFFC000  }
0x6a: {  	[spmem:s1] =	stream.indirect.scatter.add.f32 [tilespmem:s25], [sflag:$0x3], $0x80, s13, s23, $0xb8;
	[tilespmem:$0x1E100] =	vst v63  }
0x6b: {  	_ =	swait.ge [sflag:s21], $0x4000  }
0x6c: {  	[sflag:s21] =	ssyncset.done $0x0  }
0x6d: {  	[sflag:s21] =	ssyncadd.s32 $0xFFFFC000  }
0x6e: {  	[tilespmem:s25], [sflag:$0x2] =	stream.indirect.gather [hbm4b:s4+s23], $0x80, s29, s23, $0xb8;
	[tilespmem:$0x1E100] =	vst v63  }
0x6f: {  	_ =	swait.ge [sflag:s26], $0x4000  }
0x70: {  	[sflag:s26] =	ssyncset.done $0x0  }
0x71: {  	[sflag:s26] =	ssyncadd.s32 $0xFFFFC000  }
0x72: {  	[spmem:s1] =	stream.indirect.scatter.add.f32 [tilespmem:s24], [sflag:$0x3], $0x80, s30, s23, $0xb8;
	[tilespmem:$0x1E100] =	vst v63  }
0x73: {  	_ =	swait.ge [sflag:s21], $0x4000  }
0x74: {  	[sflag:s21] =	ssyncset.done $0x0  }
0x75: {  	[sflag:s21] =	ssyncadd.s32 $0xFFFFC000  }
0x76: {  	_ =	swait.ge [sflag:s28], $0x4000  }
0x77: {  	[sflag:s28] =	ssyncset.done $0x0  }
0x78: {  	[sflag:s28] =	ssyncadd.s32 $0xFFFFC000  }
0x79: {  	[spmem:s1] =	stream.indirect.scatter.add.f32 [tilespmem:s25], [sflag:$0x3], $0x80, s31, s23, $0xb8;
	[tilespmem:$0x1E100] =	vst v63  }
0x7a: {  	_ =	swait.ge [sflag:s21], $0x4000  }
0x7b: {  	[sflag:s21] =	ssyncset.done $0x0  }
0x7c: {  	s14 =	simm.s32 $0x0;
	[sflag:s21] =	ssyncadd.s32 $0xFFFFC000  }
0x7d: {  	[tilespmem:s20], [sflag:$0x3] =	stream.linear.gather [hbm4b:s11+s14], $0x1400, $0x38;
	[tilespmem:$0x1E100] =	vst v63  }
0x7e: {  	_ =	swait.ge [sflag:s21], $0x1400  }
0x7f: {  	[sflag:s21] =	ssyncset.done $0x0  }
0x80: {  	[sflag:s21] =	ssyncadd.s32 $0xFFFFEC00  }
0x81: {  	[tilespmem:s22], [sflag:$0x3] =	stream.linear.gather [hbm4b:s12+s14], $0x1400, $0x38;
	[tilespmem:$0x1E100] =	vst v63  }
0x82: {  	s15 =	sand.u32 $0x7E00, s14;
	_ =	swait.ge [sflag:s21], $0x1400  }
0x83: {  	s7 =	sand.u32 $0x70, s14;
	s8 =	sshrl.u32 s15, $0x2;
	[sflag:s21] =	ssyncset.done $0x0  }
0x84: {  	s7 =	sor.u32 s7, s8;
	[sflag:s21] =	ssyncadd.s32 $0xFFFFEC00  }
0x85: {  	v2 =	vld [tilespmem:s7+$0x13900];
	_ =	sdelay $0x2  }
0x86: {  	s13 =	simm.s32 $0x40  }
0x87: {  	s8 =	simm.s32 $0x10;
	s14 =	sand.u32 $0x7E00, s13;
	s13 =	simm.s32 $0x80  }
.LBB2_6:
0x88: {  	p1 =	sne.s32 s13, $0x4FC0;
	s15 =	sand.u32 $0x70, s8;
	s14 =	sshrl.u32 s14, $0x2;
	v2 =	vadd.s32 v0, v2  }
0x89: {  	[tilespmem:s7+$0x13900] =	vst v2;
	s7 =	sor.u32 s15, s14  }
.Ltmp2:
0x8a: {  	v2 =	vld [tilespmem:s7+$0x13900];
	(pc) =	sbr.rel @p1 .LBB2_6-.Ltmp2, $2  }
0x8b: {  	_ =	sdelay $0x2  }
0x8c: {  	s8 =	sadd.s32 $0x10, s8;
	s14 =	sand.u32 $0x7E00, s13;
	s13 =	sadd.s32 $0x40, s13  }
0x8d: {  	s8 =	sand.u32 $0x70, s8;
	s13 =	sshrl.u32 s14, $0x2;
	v2 =	vadd.s32 v0, v2  }
0x8e: {  	s8 =	sor.u32 s8, s13;
	[tilespmem:s7+$0x13900] =	vst v2  }
0x8f: {  	v2 =	vld [tilespmem:s8+$0x13900];
	_ =	sdelay $0x4  }
0x90: {  	v2 =	vadd.s32 v0, v2  }
0x91: {  	[tilespmem:s8+$0x13900] =	vst v2  }
0x92: {  	[tilespmem:s24], [sflag:$0x1] =	stream.indirect.gather [hbm4b:s4+s23], $0x80, s20, s23, $0xb8;
	[tilespmem:$0x1E100] =	vst v63  }
0x93: {  	s8 =	simm.s32 $0x13980  }
0x94: {  	[tilespmem:s25], [sflag:$0x2] =	stream.indirect.gather [hbm4b:s4+s23], $0x80, s8, s23, $0xb8;
	[tilespmem:$0x1E100] =	vst v63  }
0x95: {  	_ =	swait.ge [sflag:s26], $0x4000  }
0x96: {  	[sflag:s26] =	ssyncset.done $0x0  }
0x97: {  	s13 =	simm.s32 $0x14D00;
	[sflag:s26] =	ssyncadd.s32 $0xFFFFC000  }
0x98: {  	[spmem:s1] =	stream.indirect.scatter.add.f32 [tilespmem:s24], [sflag:$0x3], $0x80, s13, s23, $0xb8;
	[tilespmem:$0x1E100] =	vst v63  }
0x99: {  	_ =	swait.ge [sflag:s21], $0x4000  }
0x9a: {  	[sflag:s21] =	ssyncset.done $0x0  }
0x9b: {  	s14 =	simm.s32 $0x13A00;
	[sflag:s21] =	ssyncadd.s32 $0xFFFFC000  }
0x9c: {  	[tilespmem:s24], [sflag:$0x1] =	stream.indirect.gather [hbm4b:s4+s23], $0x80, s14, s23, $0xb8;
	[tilespmem:$0x1E100] =	vst v63  }
0x9d: {  	_ =	swait.ge [sflag:s28], $0x4000  }
0x9e: {  	[sflag:s28] =	ssyncset.done $0x0  }
0x9f: {  	s15 =	simm.s32 $0x14D80;
	[sflag:s28] =	ssyncadd.s32 $0xFFFFC000  }
0xa0: {  	[spmem:s1] =	stream.indirect.scatter.add.f32 [tilespmem:s25], [sflag:$0x3], $0x80, s15, s23, $0xb8;
	[tilespmem:$0x1E100] =	vst v63  }
0xa1: {  	_ =	swait.ge [sflag:s21], $0x4000  }
0xa2: {  	s7 =	simm.s32 $0x100;
	s8 =	simm.s32 $0x800;
	[sflag:s21] =	ssyncset.done $0x0  }
.LBB2_8:
0xa3: {  	s13 =	sadd.s32 $0x13980, s7  }
0xa4: {  	[sflag:s21] =	ssyncadd.s32 $0xFFFFC000;
	s14 =	smov.u32 s8;
	s15 =	sadd.s32 $0x400, s8  }
0xa5: {  	[tilespmem:s25], [sflag:$0x2] =	stream.indirect.gather [hbm4b:s4+s23], $0x80, s13, s23, $0xb8;
	[tilespmem:$0x1E100] =	vst v63  }
0xa6: {  	p1 =	sne.s32 s8, $0x4800;
	_ =	swait.ge [sflag:s26], $0x4000  }
0xa7: {  	[sflag:s26] =	ssyncset.done $0x0  }
0xa8: {  	s8 =	sadd.s32 $0x14D00, s7;
	[sflag:s26] =	ssyncadd.s32 $0xFFFFC000  }
0xa9: {  	[spmem:s1] =	stream.indirect.scatter.add.f32 [tilespmem:s24], [sflag:$0x3], $0x80, s8, s23, $0xb8;
	[tilespmem:$0x1E100] =	vst v63  }
0xaa: {  	_ =	swait.ge [sflag:s21], $0x4000  }
0xab: {  	[sflag:s21] =	ssyncset.done $0x0  }
0xac: {  	s8 =	sadd.s32 $0x13A00, s7;
	[sflag:s21] =	ssyncadd.s32 $0xFFFFC000  }
0xad: {  	[tilespmem:s24], [sflag:$0x1] =	stream.indirect.gather [hbm4b:s4+s23], $0x80, s8, s23, $0xb8;
	[tilespmem:$0x1E100] =	vst v63  }
0xae: {  	_ =	swait.ge [sflag:s28], $0x4000  }
.Ltmp3:
0xaf: {  	[sflag:s28] =	ssyncset.done $0x0;
	(pc) =	sbr.rel @p1 .LBB2_8-.Ltmp3, $4  }
0xb0: {  	s7 =	sadd.s32 $0x14D80, s7;
	[sflag:s28] =	ssyncadd.s32 $0xFFFFC000  }
0xb1: {  	[spmem:s1] =	stream.indirect.scatter.add.f32 [tilespmem:s25], [sflag:$0x3], $0x80, s7, s23, $0xb8;
	[tilespmem:$0x1E100] =	vst v63  }
0xb2: {  	_ =	swait.ge [sflag:s21], $0x4000  }
0xb3: {  	s8 =	smov.u32 s15;
	s7 =	sshra.s32 s14, $0x2;
	[sflag:s21] =	ssyncset.done $0x0  }
0xb4: {  	s8 =	sadd.s32 $0x13980, s7;
	[sflag:s21] =	ssyncadd.s32 $0xFFFFC000  }
0xb5: {  	[tilespmem:s25], [sflag:$0x2] =	stream.indirect.gather [hbm4b:s4+s23], $0x80, s8, s23, $0xb8;
	[tilespmem:$0x1E100] =	vst v63  }
0xb6: {  	_ =	swait.ge [sflag:s26], $0x4000  }
0xb7: {  	[sflag:s26] =	ssyncset.done $0x0  }
0xb8: {  	s14 =	sadd.s32 $0x14D00, s7;
	[sflag:s26] =	ssyncadd.s32 $0xFFFFC000  }
0xb9: {  	[spmem:s1] =	stream.indirect.scatter.add.f32 [tilespmem:s24], [sflag:$0x3], $0x80, s14, s23, $0xb8;
	[tilespmem:$0x1E100] =	vst v63  }
0xba: {  	_ =	swait.ge [sflag:s21], $0x4000  }
0xbb: {  	[sflag:s21] =	ssyncset.done $0x0  }
0xbc: {  	s15 =	sadd.s32 $0x13A00, s7;
	[sflag:s21] =	ssyncadd.s32 $0xFFFFC000  }
0xbd: {  	[tilespmem:s24], [sflag:$0x1] =	stream.indirect.gather [hbm4b:s4+s23], $0x80, s15, s23, $0xb8;
	[tilespmem:$0x1E100] =	vst v63  }
0xbe: {  	_ =	swait.ge [sflag:s28], $0x4000  }
0xbf: {  	[sflag:s28] =	ssyncset.done $0x0  }
0xc0: {  	s13 =	sadd.s32 $0x14D80, s7;
	[sflag:s28] =	ssyncadd.s32 $0xFFFFC000  }
0xc1: {  	[spmem:s1] =	stream.indirect.scatter.add.f32 [tilespmem:s25], [sflag:$0x3], $0x80, s13, s23, $0xb8;
	[tilespmem:$0x1E100] =	vst v63  }
0xc2: {  	_ =	swait.ge [sflag:s21], $0x4000  }
0xc3: {  	[sflag:s21] =	ssyncset.done $0x0  }
0xc4: {  	[sflag:s21] =	ssyncadd.s32 $0xFFFFC000  }
0xc5: {  	[tilespmem:s25], [sflag:$0x2] =	stream.indirect.gather [hbm4b:s4+s23], $0x80, s29, s23, $0xb8;
	[tilespmem:$0x1E100] =	vst v63  }
0xc6: {  	_ =	swait.ge [sflag:s26], $0x4000  }
0xc7: {  	[sflag:s26] =	ssyncset.done $0x0  }
0xc8: {  	[sflag:s26] =	ssyncadd.s32 $0xFFFFC000  }
0xc9: {  	[spmem:s1] =	stream.indirect.scatter.add.f32 [tilespmem:s24], [sflag:$0x3], $0x80, s30, s23, $0xb8;
	[tilespmem:$0x1E100] =	vst v63  }
0xca: {  	_ =	swait.ge [sflag:s21], $0x4000  }
0xcb: {  	[sflag:s21] =	ssyncset.done $0x0  }
0xcc: {  	[sflag:s21] =	ssyncadd.s32 $0xFFFFC000  }
0xcd: {  	_ =	swait.ge [sflag:s28], $0x4000  }
0xce: {  	[sflag:s28] =	ssyncset.done $0x0  }
0xcf: {  	[sflag:s28] =	ssyncadd.s32 $0xFFFFC000  }
0xd0: {  	[spmem:s1] =	stream.indirect.scatter.add.f32 [tilespmem:s25], [sflag:$0x3], $0x80, s31, s23, $0xb8;
	[tilespmem:$0x1E100] =	vst v63  }
0xd1: {  	_ =	swait.ge [sflag:s21], $0x4000  }
0xd2: {  	[sflag:s21] =	ssyncset.done $0x0  }
0xd3: {  	[sflag:s21] =	ssyncadd.s32 $0xFFFFC000  }
0xd4: {  	[bflag:$0x0] =	sbarrier.arrive $0xFFFF  }
0xd5: {  	s7 =	simm.s32 @p0 $0x1FC3;
	s8 =	rddreg [dreg:$0x9]  }
0xd6: {  	[hbm:s8], [sflag:s7] =	dma.local @p0 [spmem:s3], $0x2800  }
0xd7: {  	s8 =	simm.s32 @p0 $0x3  }
0xd8: {  	_ =	swait.ge @p0 [sflag:s8], $0x2800  }
0xd9: {  	[sflag:s8] =	ssyncset.done @p0 $0x0  }
0xda: {  	[sflag:s8] =	ssyncadd.s32 @p0 $0xFFFFD800  }
0xdb: {  	[bflag:$0x0] =	sbarrier.arrive @p0 $0xFFFF  }
0xdc: {  	[spmem:s3], [sflag:s7] =	dma.local @p0 [hbm:s16], $0x2800  }
0xdd: {  	_ =	swait.ge @p0 [sflag:s8], $0x2800  }
0xde: {  	[sflag:s8] =	ssyncset.done @p0 $0x0  }
0xdf: {  	s7 =	rddreg [dreg:$0x7];
	[sflag:s8] =	ssyncadd.s32 @p0 $0xFFFFD800  }
0xe0: {  	[hbm:s7], [sflag:s5] =	dma.local @!p0 [spmem:s6], $0x2700  }
0xe1: {  	s7 =	simm.s32 @!p0 $0x3  }
0xe2: {  	_ =	swait.ge @!p0 [sflag:s7], $0x2700  }
0xe3: {  	[sflag:s7] =	ssyncset.done @!p0 $0x0  }
0xe4: {  	[sflag:s7] =	ssyncadd.s32 @!p0 $0xFFFFD900  }
0xe5: {  	[bflag:$0x0] =	sbarrier.arrive @!p0 $0xFFFF  }
0xe6: {  	s8 =	rddreg [dreg:$0x8]  }
0xe7: {  	[spmem:s6], [sflag:s5] =	dma.local @!p0 [hbm:s8], $0x2700  }
0xe8: {  	_ =	swait.ge @!p0 [sflag:s7], $0x2700  }
0xe9: {  	[sflag:s7] =	ssyncset.done @!p0 $0x0  }
0xea: {  	[sflag:s7] =	ssyncadd.s32 @!p0 $0xFFFFD900  }
0xeb: {  	s14 =	simm.s32 $0x0;
	[bflag:$0x0] =	sbarrier.arrive $0xFFFF  }
0xec: {  	[tilespmem:s20], [sflag:$0x3] =	stream.linear.gather [hbm4b:s9+s14], $0x1400, $0x38;
	[tilespmem:$0x1E100] =	vst v63  }
0xed: {  	_ =	swait.ge [sflag:s21], $0x1400  }
0xee: {  	[sflag:s21] =	ssyncset.done $0x0  }
0xef: {  	[sflag:s21] =	ssyncadd.s32 $0xFFFFEC00  }
0xf0: {  	[tilespmem:s22], [sflag:$0x3] =	stream.linear.gather [hbm4b:s10+s14], $0x1400, $0x38;
	[tilespmem:$0x1E100] =	vst v63  }
0xf1: {  	s15 =	sand.u32 $0x7E00, s14;
	_ =	swait.ge [sflag:s21], $0x1400  }
0xf2: {  	s8 =	sshrl.u32 s15, $0x2;
	s7 =	sand.u32 $0x70, s14;
	[sflag:s21] =	ssyncset.done $0x0  }
0xf3: {  	s7 =	sor.u32 s7, s8;
	[sflag:s21] =	ssyncadd.s32 $0xFFFFEC00  }
0xf4: {  	v2 =	vld [tilespmem:s7+$0x13900];
	_ =	sdelay $0x2  }
0xf5: {  	s13 =	simm.s32 $0x40  }
0xf6: {  	s8 =	simm.s32 $0x10;
	s14 =	sand.u32 $0x7E00, s13;
	s13 =	simm.s32 $0x80  }
.LBB2_10:
0xf7: {  	p1 =	sne.s32 s13, $0x4FC0;
	s15 =	sand.u32 $0x70, s8;
	s14 =	sshrl.u32 s14, $0x2;
	v2 =	vadd.s32 v1, v2  }
0xf8: {  	[tilespmem:s7+$0x13900] =	vst v2;
	s7 =	sor.u32 s15, s14  }
.Ltmp4:
0xf9: {  	v2 =	vld [tilespmem:s7+$0x13900];
	(pc) =	sbr.rel @p1 .LBB2_10-.Ltmp4, $2  }
0xfa: {  	_ =	sdelay $0x2  }
0xfb: {  	s8 =	sadd.s32 $0x10, s8;
	s14 =	sand.u32 $0x7E00, s13;
	s13 =	sadd.s32 $0x40, s13  }
0xfc: {  	s8 =	sand.u32 $0x70, s8;
	s13 =	sshrl.u32 s14, $0x2;
	v2 =	vadd.s32 v1, v2  }
0xfd: {  	s8 =	sor.u32 s8, s13;
	[tilespmem:s7+$0x13900] =	vst v2  }
0xfe: {  	v2 =	vld [tilespmem:s8+$0x13900];
	_ =	sdelay $0x4  }
0xff: {  	v2 =	vadd.s32 v1, v2  }
0x100: {  	[tilespmem:s8+$0x13900] =	vst v2  }
0x101: {  	[tilespmem:s24], [sflag:$0x1] =	stream.indirect.gather [hbm4b:s4+s23], $0x80, s20, s23, $0xb8;
	[tilespmem:$0x1E100] =	vst v63  }
0x102: {  	s8 =	simm.s32 $0x13980  }
0x103: {  	[tilespmem:s25], [sflag:$0x2] =	stream.indirect.gather [hbm4b:s4+s23], $0x80, s8, s23, $0xb8;
	[tilespmem:$0x1E100] =	vst v63  }
0x104: {  	_ =	swait.ge [sflag:s26], $0x4000  }
0x105: {  	[sflag:s26] =	ssyncset.done $0x0  }
0x106: {  	s13 =	simm.s32 $0x14D00;
	[sflag:s26] =	ssyncadd.s32 $0xFFFFC000  }
0x107: {  	[spmem:s1] =	stream.indirect.scatter.add.f32 [tilespmem:s24], [sflag:$0x3], $0x80, s13, s23, $0xb8;
	[tilespmem:$0x1E100] =	vst v63  }
0x108: {  	_ =	swait.ge [sflag:s21], $0x4000  }
0x109: {  	[sflag:s21] =	ssyncset.done $0x0  }
0x10a: {  	s14 =	simm.s32 $0x13A00;
	[sflag:s21] =	ssyncadd.s32 $0xFFFFC000  }
0x10b: {  	[tilespmem:s24], [sflag:$0x1] =	stream.indirect.gather [hbm4b:s4+s23], $0x80, s14, s23, $0xb8;
	[tilespmem:$0x1E100] =	vst v63  }
0x10c: {  	_ =	swait.ge [sflag:s28], $0x4000  }
0x10d: {  	[sflag:s28] =	ssyncset.done $0x0  }
0x10e: {  	s15 =	simm.s32 $0x14D80;
	[sflag:s28] =	ssyncadd.s32 $0xFFFFC000  }
0x10f: {  	[spmem:s1] =	stream.indirect.scatter.add.f32 [tilespmem:s25], [sflag:$0x3], $0x80, s15, s23, $0xb8;
	[tilespmem:$0x1E100] =	vst v63  }
0x110: {  	_ =	swait.ge [sflag:s21], $0x4000  }
0x111: {  	s7 =	simm.s32 $0x100;
	s8 =	simm.s32 $0x800;
	[sflag:s21] =	ssyncset.done $0x0  }
.LBB2_12:
0x112: {  	s13 =	sadd.s32 $0x13980, s7  }
0x113: {  	[sflag:s21] =	ssyncadd.s32 $0xFFFFC000;
	s14 =	smov.u32 s8;
	s15 =	sadd.s32 $0x400, s8  }
0x114: {  	[tilespmem:s25], [sflag:$0x2] =	stream.indirect.gather [hbm4b:s4+s23], $0x80, s13, s23, $0xb8;
	[tilespmem:$0x1E100] =	vst v63  }
0x115: {  	p1 =	sne.s32 s8, $0x4800;
	_ =	swait.ge [sflag:s26], $0x4000  }
0x116: {  	[sflag:s26] =	ssyncset.done $0x0  }
0x117: {  	s8 =	sadd.s32 $0x14D00, s7;
	[sflag:s26] =	ssyncadd.s32 $0xFFFFC000  }
0x118: {  	[spmem:s1] =	stream.indirect.scatter.add.f32 [tilespmem:s24], [sflag:$0x3], $0x80, s8, s23, $0xb8;
	[tilespmem:$0x1E100] =	vst v63  }
0x119: {  	_ =	swait.ge [sflag:s21], $0x4000  }
0x11a: {  	[sflag:s21] =	ssyncset.done $0x0  }
0x11b: {  	s8 =	sadd.s32 $0x13A00, s7;
	[sflag:s21] =	ssyncadd.s32 $0xFFFFC000  }
0x11c: {  	[tilespmem:s24], [sflag:$0x1] =	stream.indirect.gather [hbm4b:s4+s23], $0x80, s8, s23, $0xb8;
	[tilespmem:$0x1E100] =	vst v63  }
0x11d: {  	_ =	swait.ge [sflag:s28], $0x4000  }
.Ltmp5:
0x11e: {  	[sflag:s28] =	ssyncset.done $0x0;
	(pc) =	sbr.rel @p1 .LBB2_12-.Ltmp5, $4  }
0x11f: {  	s7 =	sadd.s32 $0x14D80, s7;
	[sflag:s28] =	ssyncadd.s32 $0xFFFFC000  }
0x120: {  	[spmem:s1] =	stream.indirect.scatter.add.f32 [tilespmem:s25], [sflag:$0x3], $0x80, s7, s23, $0xb8;
	[tilespmem:$0x1E100] =	vst v63  }
0x121: {  	_ =	swait.ge [sflag:s21], $0x4000  }
0x122: {  	s8 =	smov.u32 s15;
	s7 =	sshra.s32 s14, $0x2;
	[sflag:s21] =	ssyncset.done $0x0  }
0x123: {  	s8 =	sadd.s32 $0x13980, s7;
	[sflag:s21] =	ssyncadd.s32 $0xFFFFC000  }
0x124: {  	[tilespmem:s25], [sflag:$0x2] =	stream.indirect.gather [hbm4b:s4+s23], $0x80, s8, s23, $0xb8;
	[tilespmem:$0x1E100] =	vst v63  }
0x125: {  	_ =	swait.ge [sflag:s26], $0x4000  }
0x126: {  	[sflag:s26] =	ssyncset.done $0x0  }
0x127: {  	s14 =	sadd.s32 $0x14D00, s7;
	[sflag:s26] =	ssyncadd.s32 $0xFFFFC000  }
0x128: {  	[spmem:s1] =	stream.indirect.scatter.add.f32 [tilespmem:s24], [sflag:$0x3], $0x80, s14, s23, $0xb8;
	[tilespmem:$0x1E100] =	vst v63  }
0x129: {  	_ =	swait.ge [sflag:s21], $0x4000  }
0x12a: {  	[sflag:s21] =	ssyncset.done $0x0  }
0x12b: {  	s15 =	sadd.s32 $0x13A00, s7;
	[sflag:s21] =	ssyncadd.s32 $0xFFFFC000  }
0x12c: {  	[tilespmem:s24], [sflag:$0x1] =	stream.indirect.gather [hbm4b:s4+s23], $0x80, s15, s23, $0xb8;
	[tilespmem:$0x1E100] =	vst v63  }
0x12d: {  	_ =	swait.ge [sflag:s28], $0x4000  }
0x12e: {  	[sflag:s28] =	ssyncset.done $0x0  }
0x12f: {  	s13 =	sadd.s32 $0x14D80, s7;
	[sflag:s28] =	ssyncadd.s32 $0xFFFFC000  }
0x130: {  	[spmem:s1] =	stream.indirect.scatter.add.f32 [tilespmem:s25], [sflag:$0x3], $0x80, s13, s23, $0xb8;
	[tilespmem:$0x1E100] =	vst v63  }
0x131: {  	_ =	swait.ge [sflag:s21], $0x4000  }
0x132: {  	[sflag:s21] =	ssyncset.done $0x0  }
0x133: {  	[sflag:s21] =	ssyncadd.s32 $0xFFFFC000  }
0x134: {  	[tilespmem:s25], [sflag:$0x2] =	stream.indirect.gather [hbm4b:s4+s23], $0x80, s29, s23, $0xb8;
	[tilespmem:$0x1E100] =	vst v63  }
0x135: {  	_ =	swait.ge [sflag:s26], $0x4000  }
0x136: {  	[sflag:s26] =	ssyncset.done $0x0  }
0x137: {  	[sflag:s26] =	ssyncadd.s32 $0xFFFFC000  }
0x138: {  	[spmem:s1] =	stream.indirect.scatter.add.f32 [tilespmem:s24], [sflag:$0x3], $0x80, s30, s23, $0xb8;
	[tilespmem:$0x1E100] =	vst v63  }
0x139: {  	_ =	swait.ge [sflag:s21], $0x4000  }
0x13a: {  	[sflag:s21] =	ssyncset.done $0x0  }
0x13b: {  	[sflag:s21] =	ssyncadd.s32 $0xFFFFC000  }
0x13c: {  	_ =	swait.ge [sflag:s28], $0x4000  }
0x13d: {  	[sflag:s28] =	ssyncset.done $0x0  }
0x13e: {  	[sflag:s28] =	ssyncadd.s32 $0xFFFFC000  }
0x13f: {  	[spmem:s1] =	stream.indirect.scatter.add.f32 [tilespmem:s25], [sflag:$0x3], $0x80, s31, s23, $0xb8;
	[tilespmem:$0x1E100] =	vst v63  }
0x140: {  	_ =	swait.ge [sflag:s21], $0x4000  }
0x141: {  	[sflag:s21] =	ssyncset.done $0x0  }
0x142: {  	s14 =	simm.s32 $0x0;
	[sflag:s21] =	ssyncadd.s32 $0xFFFFC000  }
0x143: {  	[tilespmem:s20], [sflag:$0x3] =	stream.linear.gather [hbm4b:s11+s14], $0x1400, $0x38;
	[tilespmem:$0x1E100] =	vst v63  }
0x144: {  	_ =	swait.ge [sflag:s21], $0x1400  }
0x145: {  	[sflag:s21] =	ssyncset.done $0x0  }
0x146: {  	[sflag:s21] =	ssyncadd.s32 $0xFFFFEC00  }
0x147: {  	[tilespmem:s22], [sflag:$0x3] =	stream.linear.gather [hbm4b:s12+s14], $0x1400, $0x38;
	[tilespmem:$0x1E100] =	vst v63  }
0x148: {  	s15 =	sand.u32 $0x7E00, s14;
	_ =	swait.ge [sflag:s21], $0x1400  }
0x149: {  	s7 =	sand.u32 $0x70, s14;
	s8 =	sshrl.u32 s15, $0x2;
	[sflag:s21] =	ssyncset.done $0x0  }
0x14a: {  	s7 =	sor.u32 s7, s8;
	[sflag:s21] =	ssyncadd.s32 $0xFFFFEC00  }
0x14b: {  	v2 =	vld [tilespmem:s7+$0x13900];
	_ =	sdelay $0x2  }
0x14c: {  	s13 =	simm.s32 $0x40  }
0x14d: {  	s8 =	simm.s32 $0x10;
	s14 =	sand.u32 $0x7E00, s13;
	s13 =	simm.s32 $0x80  }
.LBB2_14:
0x14e: {  	p1 =	sne.s32 s13, $0x4FC0;
	s15 =	sand.u32 $0x70, s8;
	s14 =	sshrl.u32 s14, $0x2;
	v2 =	vadd.s32 v1, v2  }
0x14f: {  	[tilespmem:s7+$0x13900] =	vst v2;
	s7 =	sor.u32 s15, s14  }
.Ltmp6:
0x150: {  	v2 =	vld [tilespmem:s7+$0x13900];
	(pc) =	sbr.rel @p1 .LBB2_14-.Ltmp6, $2  }
0x151: {  	_ =	sdelay $0x2  }
0x152: {  	s8 =	sadd.s32 $0x10, s8;
	s14 =	sand.u32 $0x7E00, s13;
	s13 =	sadd.s32 $0x40, s13  }
0x153: {  	s8 =	sand.u32 $0x70, s8;
	s13 =	sshrl.u32 s14, $0x2;
	v2 =	vadd.s32 v1, v2  }
0x154: {  	s8 =	sor.u32 s8, s13;
	[tilespmem:s7+$0x13900] =	vst v2  }
0x155: {  	v2 =	vld [tilespmem:s8+$0x13900];
	_ =	sdelay $0x4  }
0x156: {  	v2 =	vadd.s32 v1, v2  }
0x157: {  	[tilespmem:s8+$0x13900] =	vst v2  }
0x158: {  	[tilespmem:s24], [sflag:$0x1] =	stream.indirect.gather [hbm4b:s4+s23], $0x80, s20, s23, $0xb8;
	[tilespmem:$0x1E100] =	vst v63  }
0x159: {  	s8 =	simm.s32 $0x13980  }
0x15a: {  	[tilespmem:s25], [sflag:$0x2] =	stream.indirect.gather [hbm4b:s4+s23], $0x80, s8, s23, $0xb8;
	[tilespmem:$0x1E100] =	vst v63  }
0x15b: {  	_ =	swait.ge [sflag:s26], $0x4000  }
0x15c: {  	[sflag:s26] =	ssyncset.done $0x0  }
0x15d: {  	s13 =	simm.s32 $0x14D00;
	[sflag:s26] =	ssyncadd.s32 $0xFFFFC000  }
0x15e: {  	[spmem:s1] =	stream.indirect.scatter.add.f32 [tilespmem:s24], [sflag:$0x3], $0x80, s13, s23, $0xb8;
	[tilespmem:$0x1E100] =	vst v63  }
0x15f: {  	_ =	swait.ge [sflag:s21], $0x4000  }
0x160: {  	[sflag:s21] =	ssyncset.done $0x0  }
0x161: {  	s14 =	simm.s32 $0x13A00;
	[sflag:s21] =	ssyncadd.s32 $0xFFFFC000  }
0x162: {  	[tilespmem:s24], [sflag:$0x1] =	stream.indirect.gather [hbm4b:s4+s23], $0x80, s14, s23, $0xb8;
	[tilespmem:$0x1E100] =	vst v63  }
0x163: {  	_ =	swait.ge [sflag:s28], $0x4000  }
0x164: {  	[sflag:s28] =	ssyncset.done $0x0  }
0x165: {  	s15 =	simm.s32 $0x14D80;
	[sflag:s28] =	ssyncadd.s32 $0xFFFFC000  }
0x166: {  	[spmem:s1] =	stream.indirect.scatter.add.f32 [tilespmem:s25], [sflag:$0x3], $0x80, s15, s23, $0xb8;
	[tilespmem:$0x1E100] =	vst v63  }
0x167: {  	_ =	swait.ge [sflag:s21], $0x4000  }
0x168: {  	s7 =	simm.s32 $0x100;
	s8 =	simm.s32 $0x800;
	[sflag:s21] =	ssyncset.done $0x0  }
.LBB2_16:
0x169: {  	s13 =	sadd.s32 $0x13980, s7  }
0x16a: {  	[sflag:s21] =	ssyncadd.s32 $0xFFFFC000;
	s14 =	smov.u32 s8;
	s15 =	sadd.s32 $0x400, s8  }
0x16b: {  	[tilespmem:s25], [sflag:$0x2] =	stream.indirect.gather [hbm4b:s4+s23], $0x80, s13, s23, $0xb8;
	[tilespmem:$0x1E100] =	vst v63  }
0x16c: {  	p1 =	sne.s32 s8, $0x4800;
	_ =	swait.ge [sflag:s26], $0x4000  }
0x16d: {  	[sflag:s26] =	ssyncset.done $0x0  }
0x16e: {  	s8 =	sadd.s32 $0x14D00, s7;
	[sflag:s26] =	ssyncadd.s32 $0xFFFFC000  }
0x16f: {  	[spmem:s1] =	stream.indirect.scatter.add.f32 [tilespmem:s24], [sflag:$0x3], $0x80, s8, s23, $0xb8;
	[tilespmem:$0x1E100] =	vst v63  }
0x170: {  	_ =	swait.ge [sflag:s21], $0x4000  }
0x171: {  	[sflag:s21] =	ssyncset.done $0x0  }
0x172: {  	s8 =	sadd.s32 $0x13A00, s7;
	[sflag:s21] =	ssyncadd.s32 $0xFFFFC000  }
0x173: {  	[tilespmem:s24], [sflag:$0x1] =	stream.indirect.gather [hbm4b:s4+s23], $0x80, s8, s23, $0xb8;
	[tilespmem:$0x1E100] =	vst v63  }
0x174: {  	_ =	swait.ge [sflag:s28], $0x4000  }
.Ltmp7:
0x175: {  	[sflag:s28] =	ssyncset.done $0x0;
	(pc) =	sbr.rel @p1 .LBB2_16-.Ltmp7, $4  }
0x176: {  	s7 =	sadd.s32 $0x14D80, s7;
	[sflag:s28] =	ssyncadd.s32 $0xFFFFC000  }
0x177: {  	[spmem:s1] =	stream.indirect.scatter.add.f32 [tilespmem:s25], [sflag:$0x3], $0x80, s7, s23, $0xb8;
	[tilespmem:$0x1E100] =	vst v63  }
0x178: {  	_ =	swait.ge [sflag:s21], $0x4000  }
0x179: {  	s8 =	smov.u32 s15;
	s7 =	sshra.s32 s14, $0x2;
	[sflag:s21] =	ssyncset.done $0x0  }
0x17a: {  	s8 =	sadd.s32 $0x13980, s7;
	[sflag:s21] =	ssyncadd.s32 $0xFFFFC000  }
0x17b: {  	[tilespmem:s25], [sflag:$0x2] =	stream.indirect.gather [hbm4b:s4+s23], $0x80, s8, s23, $0xb8;
	[tilespmem:$0x1E100] =	vst v63  }
0x17c: {  	_ =	swait.ge [sflag:s26], $0x4000  }
0x17d: {  	[sflag:s26] =	ssyncset.done $0x0  }
0x17e: {  	s13 =	sadd.s32 $0x14D00, s7;
	[sflag:s26] =	ssyncadd.s32 $0xFFFFC000  }
0x17f: {  	[spmem:s1] =	stream.indirect.scatter.add.f32 [tilespmem:s24], [sflag:$0x3], $0x80, s13, s23, $0xb8;
	[tilespmem:$0x1E100] =	vst v63  }
0x180: {  	_ =	swait.ge [sflag:s21], $0x4000  }
0x181: {  	[sflag:s21] =	ssyncset.done $0x0  }
0x182: {  	s14 =	sadd.s32 $0x13A00, s7;
	[sflag:s21] =	ssyncadd.s32 $0xFFFFC000  }
0x183: {  	[tilespmem:s24], [sflag:$0x1] =	stream.indirect.gather [hbm4b:s4+s23], $0x80, s14, s23, $0xb8;
	[tilespmem:$0x1E100] =	vst v63  }
0x184: {  	_ =	swait.ge [sflag:s28], $0x4000  }
0x185: {  	[sflag:s28] =	ssyncset.done $0x0  }
0x186: {  	s15 =	sadd.s32 $0x14D80, s7;
	[sflag:s28] =	ssyncadd.s32 $0xFFFFC000  }
0x187: {  	[spmem:s1] =	stream.indirect.scatter.add.f32 [tilespmem:s25], [sflag:$0x3], $0x80, s15, s23, $0xb8;
	[tilespmem:$0x1E100] =	vst v63  }
0x188: {  	_ =	swait.ge [sflag:s21], $0x4000  }
0x189: {  	[sflag:s21] =	ssyncset.done $0x0  }
0x18a: {  	[sflag:s21] =	ssyncadd.s32 $0xFFFFC000  }
0x18b: {  	[tilespmem:s25], [sflag:$0x2] =	stream.indirect.gather [hbm4b:s4+s23], $0x80, s29, s23, $0xb8;
	[tilespmem:$0x1E100] =	vst v63  }
0x18c: {  	_ =	swait.ge [sflag:s26], $0x4000  }
0x18d: {  	[sflag:s26] =	ssyncset.done $0x0  }
0x18e: {  	[sflag:s26] =	ssyncadd.s32 $0xFFFFC000  }
0x18f: {  	[spmem:s1] =	stream.indirect.scatter.add.f32 [tilespmem:s24], [sflag:$0x3], $0x80, s30, s23, $0xb8;
	[tilespmem:$0x1E100] =	vst v63  }
0x190: {  	_ =	swait.ge [sflag:s21], $0x4000  }
0x191: {  	[sflag:s21] =	ssyncset.done $0x0  }
0x192: {  	[sflag:s21] =	ssyncadd.s32 $0xFFFFC000  }
0x193: {  	_ =	swait.ge [sflag:s28], $0x4000  }
0x194: {  	[sflag:s28] =	ssyncset.done $0x0  }
0x195: {  	[sflag:s28] =	ssyncadd.s32 $0xFFFFC000  }
0x196: {  	[spmem:s1] =	stream.indirect.scatter.add.f32 [tilespmem:s25], [sflag:$0x3], $0x80, s31, s23, $0xb8;
	[tilespmem:$0x1E100] =	vst v63  }
0x197: {  	_ =	swait.ge [sflag:s21], $0x4000  }
0x198: {  	[sflag:s21] =	ssyncset.done $0x0  }
0x199: {  	[sflag:s21] =	ssyncadd.s32 $0xFFFFC000  }
0x19a: {  	s7 =	simm.s32 @p0 $0x1FC3;
	[bflag:$0x0] =	sbarrier.arrive $0xFFFF  }
0x19b: {  	[hbm:s17], [sflag:s7] =	dma.local @p0 [spmem:s3], $0x2800  }
0x19c: {  	s3 =	simm.s32 @p0 $0x3  }
0x19d: {  	_ =	swait.ge @p0 [sflag:s3], $0x2800  }
0x19e: {  	s0 =	sadd.s32 $0x1, s0;
	[sflag:s3] =	ssyncset.done @p0 $0x0  }
0x19f: {  	p1 =	sne.s32 s0, s18;
	[sflag:s3] =	ssyncadd.s32 @p0 $0xFFFFD800;
	s3 =	simm.s32 @!p0 $0x3  }
0x1a0: {  	[hbm:s19], [sflag:s5] =	dma.local @!p0 [spmem:s6], $0x2700  }
.Ltmp8:
0x1a1: {  	_ =	swait.ge @!p0 [sflag:s3], $0x2700;
	(pc) =	sbr.rel @p1 .LBB2_1-.Ltmp8, $3  }
0x1a2: {  	[sflag:s3] =	ssyncset.done @!p0 $0x0  }
0x1a3: {  	[sflag:s3] =	ssyncadd.s32 @!p0 $0xFFFFD900  }
0x1a4: {  	[bflag:$0x0] =	sbarrier.arrive $0xFFFF;
	_ =	sdelay $0x1  }
0x1a5: {  	_ =	sfence.sel $0x180000  }
0x1a6: {  	[bflag:$0x0] =	sbarrier.arrive $0xFFFF  }
0x1a7: {  	_ =	strace $0x9000004D  }
0x1a8: {  	s0 =	stileid.u32;
	[bflag:$0x2] =	sbarrier.arrive $0xFFFF  }
0x1a9: {  	p0 =	sne.s32 s0, $0x0;
	s0 =	rddreg [dreg:$0x2]  }
0x1aa: {  	s0 =	sadd.s32 @!p0 $0x100000, s0  }
0x1ab: {  	[sflag:s0] =	ssyncadd.tile.s32 @!p0 $0x1;
	_ =	shalt  }
.Lfunc_end2:
_tile_overlayer_lowered:
.L_overlay_start_2:
0x1ac: {  	(tag) =	ssettag $0x2  }
0x1ad: {  	s0 =	rddreg [dreg:$0x0];
	s2 =	stileid.u32  }
0x1ae: {  	s1 =	rddreg [dreg:$0x1];
	p0 =	sne.s32 s2, $0x0  }
0x1af: {  	s3 =	rddreg [dreg:$0x2];
	[bflag:$0x3] =	sbarrier.arrive $0xFFFF;
	s2 =	simm.s32 @!p0 $0x1C03  }
0x1b0: {  	[timem:s3], [sflag:s2] =	dma.local @!p0 [hbm:s0], s1  }
0x1b1: {  	s0 =	simm.s32 @!p0 $0x3  }
0x1b2: {  	_ =	swait.ge @!p0 [sflag:s0], s1  }
0x1b3: {  	s1 =	ssub.s32 @!p0 $0x0, s1;
	[sflag:s0] =	ssyncset.done @!p0 $0x0  }
0x1b4: {  	[sflag:s0] =	ssyncadd.s32 @!p0 s1  }
0x1b5: {  	[bflag:$0x3] =	sbarrier.arrive $0xFFFF  }
0x1b6: {  	_ =	shalt  }

// kernel: kernel.8.cloned.1.call-start
scs
__scs_entry_jumppad:
0x0: {  	(pc) =	sbr.rel $0x88, $3  }
0x1: {  	(tag) =	ssettag $0x0;
	lr =	simm.s32 $0x1  }
0x2: {  	[smem:$0x3F99] =	sst lr;
	_ =	strace $0xD0000000  }
0x3: {  	_ = 	snop  }
0x4: {  	_ = 	snop  }
0x5: {  	_ = 	snop  }
0x6: {  	_ = 	snop  }
0x7: {  	_ = 	snop  }
__scs_overlays_trampoline_lowered:
0x8: {  	[smem:$0x3FA8] =	sst s0  }
0x9: {  	[smem:$0x3FA9] =	sst s1  }
0xa: {  	[smem:$0x3FAA] =	sst s2  }
0xb: {  	[smem:$0x3FAB] =	sst s3  }
0xc: {  	[smem:$0x3FAC] =	sst s4  }
0xd: {  	[smem:$0x3FAD] =	sst s5  }
0xe: {  	[smem:$0x3FAE] =	sst s6  }
0xf: {  	[smem:$0x3FAF] =	sst s7  }
0x10: {  	[smem:$0x3FB0] =	sst s8  }
0x11: {  	[smem:$0x3FB1] =	sst s9;
	s0 =	simm.s32 @!p0 $0x0  }
0x12: {  	s1 =	sld [smem:$0x3F97];
	s0 =	simm.s32 @p0 $0x1  }
0x13: {  	[smem:$0x3FB2] =	sst s0;
	s0 =	simm.s32 @!p1 $0x0  }
0x14: {  	s2 =	sld [smem:$0x3F96];
	s0 =	simm.s32 @p1 $0x1  }
0x15: {  	[smem:$0x3FB3] =	sst s0;
	s0 =	simm.s32 @!p2 $0x0  }
0x16: {  	s3 =	sld [smem:$0x3FDB];
	s0 =	simm.s32 @p2 $0x1  }
0x17: {  	s4 =	simm.s32 $0x1BF5;
	[smem:$0x3FB5] =	sst s0  }
0x18: {  	s0 =	sld [smem:$0x3F98];
	_ =	swait.ge [sflag:s4], $0x0  }
0x19: {  	s7 =	sld [smem:$0x3F99]  }
0x1a: {  	s8 =	sadd.s32 $0xFFFFE003, lr  }
0x1b: {  	s9 =	sadd.s32 $0xFFFFFEF7, lr;
	s5 =	simm.s32 $0xFFFFFFFF;
	p2 =	slt.u32 s8, $0xFFFFF086  }
0x1c: {  	p1 =	slt.u32 s9, $0xF7A;
	s5 =	simm.s32 @!p2 $0x0  }
0x1d: {  	s5 =	simm.s32 @p1 $0x1;
	p0 =	seq.s32 s7, s2  }
0x1e: {  	s7 =	smul.u32 @!p0 $0xF7A, s2;
	p2 =	seq.s32 @!p0 s5, $0x0  }
0x1f: {  	s9 =	smul.u32 $0xF7A, s1;
	s8 =	simm.s32 @!p0 $0x1BF5;
	p2 =	por !p2, p0  }
0x20: {  	[sflag:s8] =	ssyncset.s32 @!p0 $0xFFFFF086;
	s6 =	sadd.s32 @!p0 s3, s7;
	s7 =	simm.s32 @!p0 $0x108  }
0x21: {  	s3 =	sadd.s32 s3, s9;
	s6 =	sadd.s32 @!p0 $0x88, s6;
	s7 =	simm.s32 @p2 $0x1082  }
0x22: {  	[simem:s7], [sflag:s8] =	dma.local @!p0 [hbm:s6], $0xF7A  }
0x23: {  	s9 =	sor.u32 $0xD0000000, s2;
	s6 =	simm.s32 $0x108;
	_ =	swait.ge @!p0 [sflag:s8], $0x0  }
0x24: {  	s3 =	sadd.s32 $0x88, s3;
	s6 =	simm.s32 @!p1 $0x1082;
	[sflag:s4] =	ssyncset.s32 $0xFFFFF086  }
0x25: {  	[simem:s6], [sflag:s4] =	dma.local [hbm:s3], $0xF7A  }
0x26: {  	[smem:$0x3F99] =	sst s1;
	(tag) =	ssettag s2;
	_ =	strace s9  }
0x27: {  	s1 =	sld [smem:$0x3FA9]  }
0x28: {  	s2 =	sld [smem:$0x3FAA]  }
0x29: {  	s4 =	sld [smem:$0x3FAC]  }
0x2a: {  	p0 =	seq.s32 s5, $0x0;
	s5 =	sld [smem:$0x3FAD]  }
0x2b: {  	s6 =	sld [smem:$0x3FAE]  }
0x2c: {  	s7 =	sld [smem:$0x3FAF]  }
0x2d: {  	s3 =	simm.s32 $0x108;
	s8 =	sld [smem:$0x3FB0]  }
0x2e: {  	s3 =	simm.s32 @!p0 $0x1082;
	s9 =	sld [smem:$0x3FB1]  }
0x2f: {  	lr =	sadd.s32 s0, s3;
	s0 =	sld [smem:$0x3FA8]  }
0x30: {  	s3 =	sld [smem:$0x3FAB]  }
0x31: {  	[smem:$0x3FB4] =	sst s10  }
0x32: {  	s10 =	sld [smem:$0x3FB2];
	_ =	sdelay $0x3  }
0x33: {  	p0 =	seq.s32 s10, $0x1;
	s10 =	sld [smem:$0x3FB4];
	_ =	sdelay $0x3  }
0x34: {  	[smem:$0x3FB4] =	sst s10  }
0x35: {  	s10 =	sld [smem:$0x3FB3];
	_ =	sdelay $0x3  }
0x36: {  	p1 =	seq.s32 s10, $0x1;
	s10 =	sld [smem:$0x3FB4];
	_ =	sdelay $0x3  }
0x37: {  	[smem:$0x3FB4] =	sst s10  }
0x38: {  	s10 =	sld [smem:$0x3FB5]  }
0x39: {  	_ = 	snop;
	(pc) =	sbr.ind lr, $3  }
0x3a: {  	_ = 	snop  }
0x3b: {  	_ = 	snop  }
0x3c: {  	p2 =	seq.s32 s10, $0x1;
	s10 =	sld [smem:$0x3FB4]  }
0x3d: {  	_ =	shalt  }
0x3e: {  	_ =	shalt  }
0x3f: {  	_ =	shalt  }
0x40: {  	_ =	shalt  }
0x41: {  	_ =	shalt  }
0x42: {  	_ =	shalt  }
0x43: {  	_ =	shalt  }
0x44: {  	_ =	shalt  }
0x45: {  	_ =	shalt  }
0x46: {  	_ =	shalt  }
0x47: {  	_ =	shalt  }
0x48: {  	_ =	shalt  }
0x49: {  	_ =	shalt  }
0x4a: {  	_ =	shalt  }
0x4b: {  	_ =	shalt  }
0x4c: {  	_ =	shalt  }
0x4d: {  	_ =	shalt  }
0x4e: {  	_ =	shalt  }
0x4f: {  	_ =	shalt  }
0x50: {  	_ =	shalt  }
0x51: {  	_ =	shalt  }
0x52: {  	_ =	shalt  }
0x53: {  	_ =	shalt  }
0x54: {  	_ =	shalt  }
0x55: {  	_ =	shalt  }
0x56: {  	_ =	shalt  }
0x57: {  	_ =	shalt  }
0x58: {  	_ =	shalt  }
0x59: {  	_ =	shalt  }
0x5a: {  	_ =	shalt  }
0x5b: {  	_ =	shalt  }
0x5c: {  	_ =	shalt  }
0x5d: {  	_ =	shalt  }
0x5e: {  	_ =	shalt  }
0x5f: {  	_ =	shalt  }
0x60: {  	_ =	shalt  }
0x61: {  	_ =	shalt  }
0x62: {  	_ =	shalt  }
0x63: {  	_ =	shalt  }
0x64: {  	_ =	shalt  }
0x65: {  	_ =	shalt  }
0x66: {  	_ =	shalt  }
0x67: {  	_ =	shalt  }
0x68: {  	_ =	shalt  }
0x69: {  	_ =	shalt  }
0x6a: {  	_ =	shalt  }
0x6b: {  	_ =	shalt  }
0x6c: {  	_ =	shalt  }
0x6d: {  	_ =	shalt  }
0x6e: {  	_ =	shalt  }
0x6f: {  	_ =	shalt  }
0x70: {  	_ =	shalt  }
0x71: {  	_ =	shalt  }
0x72: {  	_ =	shalt  }
0x73: {  	_ =	shalt  }
0x74: {  	_ =	shalt  }
0x75: {  	_ =	shalt  }
0x76: {  	_ =	shalt  }
0x77: {  	_ =	shalt  }
0x78: {  	_ =	shalt  }
0x79: {  	_ =	shalt  }
0x7a: {  	_ =	shalt  }
0x7b: {  	_ =	shalt  }
0x7c: {  	_ =	shalt  }
0x7d: {  	_ =	shalt  }
0x7e: {  	_ =	shalt  }
0x7f: {  	_ =	shalt  }
0x80: {  	_ =	shalt  }
0x81: {  	_ =	shalt  }
0x82: {  	_ =	shalt  }
0x83: {  	_ =	shalt  }
0x84: {  	_ =	shalt  }
0x85: {  	_ =	shalt  }
0x86: {  	_ =	shalt  }
0x87: {  	_ =	shalt  }
.Lfunc_end0:
.L_simem_size_0:
called_computation_lowered:
.L_overlay_start_0:
0x88: {  	s2 =	sld [smem:$0x3FD9]  }
0x89: {  	s3 =	sld [smem:$0x3FFE];
	_ =	sdelay $0x1  }
0x8a: {  	s1 =	srdreg.scid  }
0x8b: {  	s0 =	sand.u32 $0x1, s1  }
0x8c: {  	s17 =	sshll.u32 s0, $0xA;
	s2 =	sadd.s32 s3, s2  }
0x8d: {  	s2 =	sadd.s32 s2, s17  }
0x8e: {  	[smem:$0x3FC0] =	sst s2  }
0x8f: {  	_ = 	snop  }
0x90: {  	s2 =	sld [smem:$0x3FD0];
	(tm) =	ssettm $0x1  }
0x91: {  	s18 =	sld [smem:$0x3FFB];
	_ =	sdelay $0x3  }
0x92: {  	_ =	strace s18  }
0x93: {  	s3 =	sld [smem:$0x3FFC];
	_ =	sdelay $0x3  }
0x94: {  	_ =	strace s3  }
0x95: {  	s3 =	sld [smem:$0x3FFD];
	_ =	sdelay $0x3  }
0x96: {  	_ =	strace s3  }
0x97: {  	_ =	strace $0x8FFFFFFF  }
0x98: {  	s19 =	sld [smem:$0x3FDB];
	_ =	sdelay $0x1  }
0x99: {  	s4 =	simm.s32 $_scs_section_size  }
0x9a: {  	s5 =	simm.s32 $_size__tile_overlayer_lowered;
	s6 =	simm.s32 $_tile_overlayer_lowered  }
0x9b: {  	s22 =	simm.s32 $0x1BFF;
	s21 =	sshll.u32 s6, $0x1;
	s3 =	sadd.s32 s4, s19  }
0x9c: {  	s7 =	simm.s32 $0x0;
	s20 =	sshll.u32 s5, $0x1;
	s5 =	sadd.s32 s21, s3  }
0x9d: {  	[timem:s7], [sflag:s22] =	dma.local [hbm:s5], s20  }
0x9e: {  	_ =	swait.ge [sflag:s22], s20  }
0x9f: {  	s4 =	ssub.s32 $0x0, s20;
	[sflag:s22] =	ssyncset.done $0x0  }
0xa0: {  	[sflag:s22] =	ssyncadd.s32 s4;
	_ =	sdelay $0x1  }
0xa1: {  	s23 =	simm.s32 $0x1B8B  }
0xa2: {  	_ =	swait.ge [sflag:s23], $0x1  }
0xa3: {  	[sflag:s23] =	ssyncset.done $0x0  }
0xa4: {  	s25 =	simm.s32 $0x1B8E;
	s24 =	sld [smem:$0x3FFE];
	[sflag:s23] =	ssyncadd.s32 $0xFFFFFFFF  }
0xa5: {  	s26 =	simm.s32 $execute0_lowered;
	[smem:$0x3FD2] =	sst s25  }
0xa6: {  	s5 =	sshll.u32 s26, $0x1;
	_ =	strace $0x80000046;
	[dreg:$0x1] =	wrdreg $0xFFFFFFFF  }
0xa7: {  	s28 =	simm.s32 $_size_execute0_lowered;
	s3 =	sadd.s32 s3, s5;
	[dreg:$0x0] =	wrdreg $0x0  }
0xa8: {  	s5 =	sshll.u32 s28, $0x1;
	[dreg:$0x2] =	wrdreg s3  }
0xa9: {  	[dreg:$0x3] =	wrdreg s5  }
0xaa: {  	[dreg:$0x4] =	wrdreg $0xC0  }
0xab: {  	_ =	task [dreg:s7], $0x5FFFF  }
0xac: {  	[dreg:$0x1] =	wrdreg $0xFFFFFFFF  }
0xad: {  	[dreg:$0x0] =	wrdreg $0x60  }
0xae: {  	[dreg:$0x2] =	wrdreg s24  }
0xaf: {  	[dreg:$0x3] =	wrdreg s2  }
0xb0: {  	[dreg:$0x4] =	wrdreg $0x0  }
0xb1: {  	[dreg:$0x5] =	wrdreg $0x9  }
0xb2: {  	_ =	task.clear_ibuf [dreg:s7], $0x6FFFF;
	_ =	strace $0x90000046  }
0xb3: {  	s29 =	simm.s32 $0x9;
	_ =	strace $0x80000048  }
0xb4: {  	_ =	swait.ge [sflag:s29], $0x1  }
0xb5: {  	[sflag:s29] =	ssyncadd.s32 $0xFFFFFFFF  }
0xb6: {  	_ =	strace $0x90000048  }
0xb7: {  	_ =	sfence  }
0xb8: {  	s30 =	sld [smem:$0x0];
	_ =	sdelay $0x2  }
0xb9: {  	s31 =	sshll.u32 s1, $0xD;
	s1 =	sshrl.u32 s1, $0x2  }
0xba: {  	s3 =	sand.u32 $0x4000, s31;
	s1 =	sadd.s32 s1, s30  }
0xbb: {  	s0 =	sor.u32 s3, s0;
	s1 =	sshll.u32 s1, $0x11  }
0xbc: {  	s0 =	sor.u32 s1, s0  }
0xbd: {  	s0 =	sadd.s32 $0x8F2B, s0  }
0xbe: {  	[sflag:s0] =	ssyncadd.remote.s32 $0x1  }
0xbf: {  	_ =	sfence.sel $0xFFFF  }
0xc0: {  	[dreg:$0x0] =	wrdreg $0xFFFFFFFF;
	(pc) =	sbr.abs _section_cstart, $3  }
0xc1: {  	[dreg:$0x1] =	wrdreg $0xFFFFFFFF  }
0xc2: {  	_ =	task.clear_ibuf [dreg:s7], $0x2FFFF;
	_ =	strace $0x9FFFFFFF  }
0xc3: {  	(tm) =	ssettm $0x7FFFFFFF  }
tec
execute0_lowered:
.L_overlay_start_1:
0x0: {  	(tag) =	ssettag $0x1  }
0x1: {  	s3 =	rddreg [dreg:$0x0]  }
0x2: {  	s0 =	srdreg.scid;
	s5 =	rddreg [dreg:$0x1]  }
0x3: {  	s11 =	stileid.u32;
	s1 =	rddreg [dreg:$0x2]  }
0x4: {  	s2 =	simm.s32 $0x0;
	s9 =	simm.s32 $0x580;
	s10 =	simm.s32 $0x80  }
0x5: {  	s13 =	simm.s32 $0x0;
	s4 =	sand.u32 $0x1, s0;
	s0 =	rddreg [dreg:$0x3]  }
0x6: {  	s28 =	sshll.u32 s11, $0x1;
	[smem:$0x7FF] =	sst s2;
	s8 =	smul.u32 $0xA00, s11  }
0x7: {  	p0 =	sne.s32 s11, $0x0;
	s11 =	simm.s32 $0x500;
	s6 =	sor.u32 s4, s28  }
0x8: {  	s7 =	ssub.s32 $0x2, s4;
	_ =	strace $0x80000047;
	s31 =	sshll.u32 s4, $0x4  }
0x9: {  	s12 =	sshrl.u32 @!p0 s1, $0x3;
	s6 =	smul.u32 $0x280, s6;
	s29 =	sshrl.u32 s7, $0x1  }
0xa: {  	s30 =	sshrl.u32 s8, $0x2;
	s5 =	sadd.s32 s5, s31;
	s8 =	simm.s32 $0x1  }
0xb: {  	s7 =	ssub.s32 s7, s29;
	s6 =	sadd.s32 s6, s3;
	s3 =	sadd.s32 s30, s1  }
0xc: {  	v0 =	vimm.f32 $0.0e+00;
	v1 =	vimm.f32 $1.000000000e+00;
	s4 =	sadd.s32 $0x6000, s6;
	s6 =	smax.u32 s7, $0x1;
	s7 =	simm.s32 $0x280  }
.LBB2_1:
0xd: {  	[tilespmem:$0x280] =	vst v0  }
0xe: {  	[tilespmem:$0x290] =	vst v0  }
0xf: {  	[tilespmem:$0x2A0] =	vst v0  }
0x10: {  	[tilespmem:$0x2B0] =	vst v0  }
0x11: {  	[tilespmem:$0x2C0] =	vst v0  }
0x12: {  	[tilespmem:$0x2D0] =	vst v0  }
0x13: {  	[tilespmem:$0x2E0] =	vst v0  }
0x14: {  	[tilespmem:$0x2F0] =	vst v0  }
0x15: {  	[tilespmem:$0x300] =	vst v0  }
0x16: {  	[tilespmem:$0x310] =	vst v0  }
0x17: {  	[tilespmem:$0x320] =	vst v0  }
0x18: {  	[tilespmem:$0x330] =	vst v0  }
0x19: {  	[tilespmem:$0x340] =	vst v0  }
0x1a: {  	[tilespmem:$0x350] =	vst v0  }
0x1b: {  	[tilespmem:$0x360] =	vst v0  }
0x1c: {  	[tilespmem:$0x370] =	vst v0  }
0x1d: {  	[tilespmem:$0x380] =	vst v0  }
0x1e: {  	[tilespmem:$0x390] =	vst v0  }
0x1f: {  	[tilespmem:$0x3A0] =	vst v0  }
0x20: {  	[tilespmem:$0x3B0] =	vst v0  }
0x21: {  	[tilespmem:$0x3C0] =	vst v0  }
0x22: {  	[tilespmem:$0x3D0] =	vst v0  }
0x23: {  	[tilespmem:$0x3E0] =	vst v0  }
0x24: {  	[tilespmem:$0x3F0] =	vst v0  }
0x25: {  	[tilespmem:$0x400] =	vst v0  }
0x26: {  	[tilespmem:$0x410] =	vst v0  }
0x27: {  	[tilespmem:$0x420] =	vst v0  }
0x28: {  	[tilespmem:$0x430] =	vst v0  }
0x29: {  	[tilespmem:$0x440] =	vst v0  }
0x2a: {  	[tilespmem:$0x450] =	vst v0  }
0x2b: {  	[tilespmem:$0x460] =	vst v0  }
0x2c: {  	[tilespmem:$0x470] =	vst v0  }
0x2d: {  	[tilespmem:$0x480] =	vst v0  }
0x2e: {  	[tilespmem:$0x490] =	vst v0  }
0x2f: {  	[tilespmem:$0x4A0] =	vst v0  }
0x30: {  	[tilespmem:$0x4B0] =	vst v0  }
0x31: {  	[tilespmem:$0x4C0] =	vst v0  }
0x32: {  	[tilespmem:$0x4D0] =	vst v0  }
0x33: {  	[tilespmem:$0x4E0] =	vst v0  }
0x34: {  	[tilespmem:$0x4F0] =	vst v0  }
0x35: {  	[tilespmem:$0x500] =	vst v1  }
0x36: {  	[tilespmem:$0x510] =	vst v1  }
0x37: {  	[tilespmem:$0x520] =	vst v1  }
0x38: {  	[tilespmem:$0x530] =	vst v1  }
0x39: {  	[tilespmem:$0x540] =	vst v1  }
0x3a: {  	[tilespmem:$0x550] =	vst v1  }
0x3b: {  	[tilespmem:$0x560] =	vst v1  }
0x3c: {  	[tilespmem:$0x570] =	vst v1  }
0x3d: {  	[spmem:s3] =	stream.linear.scatter [tilespmem:s7], [sflag:$0x1], $0x280, $0x38;
	[tilespmem:$0x1980] =	vst v63  }
0x3e: {  	_ =	swait.ge [sflag:s8], $0x280  }
0x3f: {  	[sflag:s8] =	ssyncset.done $0x0  }
0x40: {  	[sflag:s8] =	ssyncadd.s32 $0xFFFFFD80  }
0x41: {  	[tilespmem:s9], [sflag:$0x1] =	stream.linear.gather [hbm4b:s4+s2], $0x1400, $0x38;
	[tilespmem:$0x1980] =	vst v63  }
0x42: {  	_ =	swait.ge [sflag:s8], $0x1400  }
0x43: {  	[sflag:s8] =	ssyncset.done $0x0  }
0x44: {  	[sflag:s8] =	ssyncadd.s32 $0xFFFFEC00  }
0x45: {  	s14 =	simm.s32 $0x580;
	[bflag:$0x0] =	sbarrier.arrive $0xFFFF  }
0x46: {  	[spmem:s1] =	stream.indirect.scatter.add.f32 [tilespmem:s11], [sflag:$0x1], $0x1, s14, s10, $0xb8;
	[tilespmem:$0x1980] =	vst v63  }
0x47: {  	s14 =	simm.s32 $0x200;
	_ =	swait.ge [sflag:s8], $0x80  }
.LBB2_2:
0x48: {  	s15 =	sshra.s32 s14, $0x2;
	[sflag:s8] =	ssyncset.done $0x0;
	p1 =	sne.s32 s14, $0x4E00  }
.Ltmp0:
0x49: {  	s15 =	sadd.s32 $0x580, s15;
	[sflag:s8] =	ssyncadd.s32 $0xFFFFFF80;
	(pc) =	sbr.rel @p1 .LBB2_2-.Ltmp0, $3  }
0x4a: {  	[spmem:s1] =	stream.indirect.scatter.add.f32 [tilespmem:s11], [sflag:$0x1], $0x1, s15, s10, $0xb8;
	[tilespmem:$0x1980] =	vst v63  }
0x4b: {  	s14 =	sadd.s32 $0x200, s14;
	_ =	sdelay $0x1  }
0x4c: {  	_ =	swait.ge [sflag:s8], $0x80  }
0x4d: {  	[sflag:s8] =	ssyncset.done $0x0  }
0x4e: {  	s14 =	simm.s32 @!p0 $0x1;
	s15 =	simm.s32 @!p0 $0x20;
	s13 =	sadd.s32 $0x1, s13  }
0x4f: {  	s16 =	simm.s32 @!p0 $0x10;
	[sflag:s8] =	ssyncadd.s32 $0xFFFFFF80;
	p1 =	sne.s32 s13, s6  }
.Ltmp1:
0x50: {  	s17 =	simm.s32 @!p0 $0x1C01;
	[bflag:$0x0] =	sbarrier.arrive $0xFFFF;
	(pc) =	sbr.rel @p1 .LBB2_1-.Ltmp1, $4  }
0x51: {  	[hbm:s5@s15], [sflag:s17] =	dma.strided @!p0 [spmem:s12@s16], $0x500, s14, $0x10   }
0x52: {  	_ =	swait.ge @!p0 [sflag:s14], $0x500  }
0x53: {  	[sflag:s14] =	ssyncset.done @!p0 $0x0  }
0x54: {  	[sflag:s14] =	ssyncadd.s32 @!p0 $0xFFFFFB00  }
0x55: {  	_ =	sfence.sel $0x180000  }
0x56: {  	[bflag:$0x0] =	sbarrier.arrive $0xFFFF  }
0x57: {  	_ =	strace $0x90000047  }
0x58: {  	s0 =	sadd.s32 @!p0 $0x100000, s0;
	[bflag:$0x2] =	sbarrier.arrive $0xFFFF  }
0x59: {  	[sflag:s0] =	ssyncadd.tile.s32 @!p0 $0x1;
	_ =	shalt  }
.Lfunc_end2:
_tile_overlayer_lowered:
.L_overlay_start_2:
0x5a: {  	(tag) =	ssettag $0x2  }
0x5b: {  	s0 =	rddreg [dreg:$0x0];
	s2 =	stileid.u32  }
0x5c: {  	s1 =	rddreg [dreg:$0x1];
	p0 =	sne.s32 s2, $0x0  }
0x5d: {  	s3 =	rddreg [dreg:$0x2];
	[bflag:$0x3] =	sbarrier.arrive $0xFFFF;
	s2 =	simm.s32 @!p0 $0x1C01  }
0x5e: {  	[timem:s3], [sflag:s2] =	dma.local @!p0 [hbm:s0], s1  }
0x5f: {  	s0 =	simm.s32 @!p0 $0x1  }
0x60: {  	_ =	swait.ge @!p0 [sflag:s0], s1  }
0x61: {  	s1 =	ssub.s32 @!p0 $0x0, s1;
	[sflag:s0] =	ssyncset.done @!p0 $0x0  }
0x62: {  	[sflag:s0] =	ssyncadd.s32 @!p0 s1  }
0x63: {  	[bflag:$0x3] =	sbarrier.arrive $0xFFFF  }
0x64: {  	_ =	shalt  }

</sc_bundles>
